<compile_context>
chip_gen: v7x
topology: tpu7x:2x2x1
jax: 0.10.2.dev20260603
libtpu: 0.0.44.dev20260713+nightly
codegen_flags: <defaults>
</compile_context>

<pallas_src>
import functools

import jax
import jax.numpy as jnp
from jax import lax
from jax.experimental import pallas as pl
from jax.experimental.pallas import tpu as pltpu
from jax.experimental.pallas import tpu_sc as plsc

NC = 2
NS = 16
NW = NC * NS
F = 16

_MESH = plsc.VectorSubcoreMesh(
    core_axis_name="c", subcore_axis_name="s", num_cores=NC, num_subcores=NS
)
_SC_PARAMS = pltpu.CompilerParams(use_tc_tiling_on_sc=False)


def _zero_rows(buf, nrows):
    zero = jnp.zeros((F,), jnp.float32)

    def body(j, _):
        buf[j] = zero
        return 0

    lax.fori_loop(0, nrows, body, 0, unroll=4)


def _make_agg_kernel(n_nodes, n_edges, chunk):
    epw = n_edges // NW
    nchunk = epw // chunk
    rpt = -(-n_nodes // (NS * 8)) * 8
    n_pad = rpt * NS

    def body(table, ei, out, sidx0, didx0, rows0, sidx1, didx1, rows1,
             tbuf, acc, gsem0, gsem1, ssem0, ssem1):
        c = lax.axis_index("c")
        s = lax.axis_index("s")
        wid = s * NC + c
        _zero_rows(tbuf, rpt)
        pltpu.sync_copy(tbuf, acc.at[pl.ds(s * rpt, rpt)])
        plsc.subcore_barrier()
        base = wid * epw
        bufs = [(sidx0, didx0, rows0, gsem0, ssem0),
                (sidx1, didx1, rows1, gsem1, ssem1)]

        def start_gather(k):
            sidx, didx, rows, gsem, _ = bufs[k % 2]
            off = base + k * chunk
            pltpu.sync_copy(ei.at[0].at[pl.ds(off, chunk)], sidx)
            pltpu.sync_copy(ei.at[1].at[pl.ds(off, chunk)], didx)
            return pltpu.async_copy(table.at[sidx], rows, gsem)

        gathers = {0: start_gather(0)}
        scatters = {}
        for k in range(nchunk):
            sidx, didx, rows, gsem, ssem = bufs[k % 2]
            if k + 1 < nchunk:
                if k - 1 >= 0:
                    scatters.pop(k - 1).wait()
                gathers[k + 1] = start_gather(k + 1)
            gathers.pop(k).wait()
            scatters[k] = pltpu.async_copy(rows, acc.at[didx], ssem, add=True)
        for d in scatters.values():
            d.wait()
        plsc.subcore_barrier()
        pltpu.sync_copy(acc.at[pl.ds(s * rpt, rpt)], tbuf)
        pltpu.sync_copy(tbuf, out.at[c].at[pl.ds(s * rpt, rpt)])

    return pl.kernel(
        body,
        out_type=jax.ShapeDtypeStruct((NC, n_pad, F), jnp.float32),
        mesh=_MESH,
        compiler_params=_SC_PARAMS,
        scratch_types=[
            pltpu.VMEM((chunk,), jnp.int32),
            pltpu.VMEM((chunk,), jnp.int32),
            pltpu.VMEM((chunk, F), jnp.float32),
            pltpu.VMEM((chunk,), jnp.int32),
            pltpu.VMEM((chunk,), jnp.int32),
            pltpu.VMEM((chunk, F), jnp.float32),
            pltpu.VMEM((rpt, F), jnp.float32),
            pltpu.VMEM_SHARED((n_pad, F), jnp.float32),
            pltpu.SemaphoreType.DMA,
            pltpu.SemaphoreType.DMA,
            pltpu.SemaphoreType.DMA,
            pltpu.SemaphoreType.DMA,
        ],
    )


DEGW = 16


def _make_deg_kernel(n_nodes, n_edges, chunk):
    epw = n_edges // NW
    nchunk = epw // chunk
    rpt = -(-n_nodes // (NS * 8)) * 8
    n_pad = rpt * NS

    def body(ei, out, didx0, didx1, rows, tbuf, acc, ssem0, ssem1):
        c = lax.axis_index("c")
        s = lax.axis_index("s")
        wid = s * NC + c
        _zero_rows(tbuf, rpt)
        pltpu.sync_copy(tbuf, acc.at[pl.ds(s * rpt, rpt)])
        one = jnp.ones((F,), jnp.float32)

        def fill(j, _):
            rows[j] = one
            return 0

        lax.fori_loop(0, chunk, fill, 0, unroll=4)
        plsc.subcore_barrier()
        base = wid * epw
        bufs = [(didx0, ssem0), (didx1, ssem1)]

        def load_idx(k):
            didx, _ = bufs[k % 2]
            pltpu.sync_copy(ei.at[1].at[pl.ds(base + k * chunk, chunk)], didx)

        load_idx(0)
        scatters = {}
        for k in range(nchunk):
            didx, ssem = bufs[k % 2]
            if k + 1 < nchunk:
                if k - 1 >= 0:
                    scatters.pop(k - 1).wait()
                load_idx(k + 1)
            scatters[k] = pltpu.async_copy(rows, acc.at[didx], ssem, add=True)
        for d in scatters.values():
            d.wait()
        plsc.subcore_barrier()
        pltpu.sync_copy(acc.at[pl.ds(s * rpt, rpt)], tbuf)
        pltpu.sync_copy(tbuf, out.at[c].at[pl.ds(s * rpt, rpt)])

    return pl.kernel(
        body,
        out_type=jax.ShapeDtypeStruct((NC, n_pad, DEGW), jnp.float32),
        mesh=_MESH,
        compiler_params=_SC_PARAMS,
        scratch_types=[
            pltpu.VMEM((chunk,), jnp.int32),
            pltpu.VMEM((chunk,), jnp.int32),
            pltpu.VMEM((chunk, DEGW), jnp.float32),
            pltpu.VMEM((rpt, DEGW), jnp.float32),
            pltpu.VMEM_SHARED((n_pad, DEGW), jnp.float32),
            pltpu.SemaphoreType.DMA,
            pltpu.SemaphoreType.DMA,
        ],
    )






def _tc1_body(nv, x8_ref, w1bd_ref, degp_ref, t1_ref, dinv_ref):
    xw_v = jnp.dot(x8_ref[...], w1bd_ref[...],
                   preferred_element_type=jnp.float32)
    deg_v = degp_ref[0, :nv] + degp_ref[1, :nv] + 1.0
    dinv_v = lax.rsqrt(deg_v)
    dinv_ref[...] = dinv_v
    t1_ref[...] = xw_v * dinv_v


def _tc2_body(nv, aggp_ref, t1_ref, dinv_ref, b1_ref, t2_ref):
    dinv_v = dinv_ref[...]
    s_v = aggp_ref[0, :nv] + aggp_ref[1, :nv] + t1_ref[...]
    h_v = jnp.maximum(dinv_v * s_v + b1_ref[...], 0.0)
    t2_ref[...] = h_v * dinv_v


def _tc3_body(nv, aggp_ref, t2_ref, dinv_ref, w2bd_ref, b2_ref, sel_ref,
              selt_ref, out_ref):
    agg_v = dinv_ref[...] * (aggp_ref[0, :nv] + aggp_ref[1, :nv] + t2_ref[...])
    logits = (
        jnp.dot(agg_v, w2bd_ref[...], preferred_element_type=jnp.float32)
        + b2_ref[...]
    )
    m = jnp.max(logits, axis=1, keepdims=True)
    z = logits - m
    gsum = jnp.dot(jnp.exp(z), sel_ref[...], preferred_element_type=jnp.float32)
    lse = jnp.dot(jnp.log(gsum), selt_ref[...],
                  preferred_element_type=jnp.float32)
    z2 = z - lse
    gsum2 = jnp.dot(jnp.exp(z2), sel_ref[...],
                    preferred_element_type=jnp.float32)
    lse2 = jnp.dot(jnp.log(gsum2), selt_ref[...],
                   preferred_element_type=jnp.float32)
    out_ref[...] = z2 - lse2


def _block_diag(w, copies):
    d_in, d_out = w.shape
    out = jnp.zeros((copies * d_in, copies * d_out), w.dtype)
    for j in range(copies):
        out = out.at[j * d_in:(j + 1) * d_in, j * d_out:(j + 1) * d_out].set(w)
    return out


@jax.jit
def kernel(x, edge_index, W1, b1, W2, b2):
    n, d_in = x.shape
    d_hid = W1.shape[1]
    d_out = W2.shape[1]
    e = edge_index.shape[1]
    nv = n // 8

    ei = edge_index.astype(jnp.int32)

    chunk = 2000
    deg_call = _make_deg_kernel(n, e, chunk)
    agg_call = _make_agg_kernel(n, e, chunk)
    rpt = -(-n // (NS * 8)) * 8
    n_pad = rpt * NS
    npv = n_pad // 8
    nvh = n // 16

    degp_v = deg_call(ei).reshape(NC, n_pad * DEGW // 128, 128)

    w1p = jnp.zeros((d_in, F), W1.dtype).at[:, :d_hid].set(W1)
    w1bd = _block_diag(w1p, 8)
    x8 = x.reshape(nv, 8 * d_in)
    t1_v, dinv_v = pl.pallas_call(
        functools.partial(_tc1_body, nv),
        out_shape=[
            jax.ShapeDtypeStruct((nv, 8 * F), jnp.float32),
            jax.ShapeDtypeStruct((nv, 8 * F), jnp.float32),
        ],
    )(x8, w1bd, degp_v)

    s1p_v = agg_call(t1_v.reshape(n, F), ei).reshape(NC, npv, 8 * F)

    b1p = jnp.zeros((F,), jnp.float32).at[:d_hid].set(b1)
    b1t = jnp.tile(b1p, 8).reshape(1, 8 * F)
    t2_v = pl.pallas_call(
        functools.partial(_tc2_body, nv),
        out_shape=jax.ShapeDtypeStruct((nv, 8 * F), jnp.float32),
    )(s1p_v, t1_v, dinv_v, b1t)

    s2p_v = agg_call(t2_v.reshape(n, F), ei).reshape(NC, npv, 8 * F)

    w2p = jnp.zeros((F, d_out), jnp.float32).at[:d_hid, :].set(W2)
    w2bd = _block_diag(w2p, 8)
    b2t = jnp.tile(b2, 8).reshape(1, 8 * d_out)
    sel = _block_diag(jnp.ones((d_out, 1), jnp.float32), 8)
    selt = _block_diag(jnp.ones((1, d_out), jnp.float32), 8)
    out8 = pl.pallas_call(
        functools.partial(_tc3_body, nv),
        out_shape=jax.ShapeDtypeStruct((nv, 8 * d_out), jnp.float32),
    )(s2p_v, t2_v, dinv_v, w2bd, b2t, sel, selt)
    return out8.reshape(n, d_out)

# --- scband reference (transcript-rebuilt; emitter-appended) ---
"""Pipeline reference for scband-gcn-9698036155051 (READ-ONLY COPY).

The authoritative reference and input builder live on the scoring server;
editing this copy changes nothing except your own understanding.
"""

import jax, jax.numpy as jnp
import numpy as np

N = 10000
E = 320000
D_IN = 128
D_HID = 16
D_OUT = 6


def gcn_conv(x, edge_index, W, b, num_nodes):
    # linear transform first (as in PyG GCNConv)
    x = x @ W
    src = edge_index[0]
    dst = edge_index[1]
    # add self loops
    loop = jnp.arange(num_nodes, dtype=edge_index.dtype)
    src = jnp.concatenate([src, loop])
    dst = jnp.concatenate([dst, loop])
    # symmetric normalization D^{-1/2} (A+I) D^{-1/2}
    deg = jnp.zeros((num_nodes,), dtype=x.dtype).at[dst].add(1.0)
    deg_inv_sqrt = jnp.where(deg > 0, 1.0 / jnp.sqrt(deg), 0.0)
    norm = deg_inv_sqrt[src] * deg_inv_sqrt[dst]
    msgs = x[src] * norm[:, None]
    out = jax.ops.segment_sum(msgs, dst, num_segments=num_nodes)
    return out + b


def setup_inputs(seed: int = 0) -> dict:
    key = jax.random.key(seed)
    k1, k2, k3, k4, k5, k6 = jax.random.split(key, 6)
    x = jax.random.normal(k1, (N, D_IN), dtype=jnp.float32)
    edge_index = jax.random.randint(k2, (2, E), 0, N, dtype=jnp.int64)
    W1 = jax.random.normal(k3, (D_IN, D_HID), dtype=jnp.float32) * (1.0 / np.sqrt(D_IN))
    b1 = jnp.zeros((D_HID,), dtype=jnp.float32)
    W2 = jax.random.normal(k4, (D_HID, D_OUT), dtype=jnp.float32) * (1.0 / np.sqrt(D_HID))
    b2 = jnp.zeros((D_OUT,), dtype=jnp.float32)
    return {"x": x, "edge_index": edge_index, "W1": W1, "b1": b1, "W2": W2, "b2": b2}


def reference(x, edge_index, W1, b1, W2, b2):
    h = jax.nn.relu(gcn_conv(x, edge_index, W1, b1, x.shape[0]))
    out = gcn_conv(h, edge_index, W2, b2, x.shape[0])
    return jax.nn.log_softmax(out, axis=1)

if __name__ == "__main__":
    import jax
    _d = setup_inputs()
    print(jax.jit(kernel)(*tuple(_d.values())))

</pallas_src>

<mosaic_0001>
#map = affine_map<(d0, d1) -> (0, 0)>
#map1 = affine_map<(d0, d1) -> (0, 0, 0)>
module attributes {stable_mosaic.version = 14 : i64} {
  func.func @body(%arg0: i32, %arg1: i32, %arg2: memref<2x320000xi32, #tpu.memory_space<hbm>>, %arg3: memref<2x10112x16xf32, #tpu.memory_space<hbm>>, %arg4: memref<2000xi32, #tpu.memory_space<vmem>>, %arg5: memref<2000xi32, #tpu.memory_space<vmem>>, %arg6: memref<2000x16xf32, #tpu.memory_space<vmem>>, %arg7: memref<632x16xf32, #tpu.memory_space<vmem>>, %arg8: memref<10112x16xf32, #tpu.memory_space<vmem_shared>>, %arg9: memref<!tpu.dma_semaphore, #tpu.memory_space<semaphore_mem>>, %arg10: memref<!tpu.dma_semaphore, #tpu.memory_space<semaphore_mem>>) attributes {dimension_semantics = [#tpu.dimension_semantics<core_parallel>, #tpu.dimension_semantics<subcore_parallel>], iteration_bounds = array<i64: 2, 16>, scalar_prefetch = 0 : i64, scratch_operands = 7 : i64, tpu.core_type = #tpu.core_type<sc_vector_subcore>, window_params = [{transform_indices = #map}, {transform_indices = #map1}]} {
    %mul3A = arith.constant 2 : i32
    %mul3A_0 = arith.muli %arg1, %mul3A : i32
    %add3A = arith.addi %mul3A_0, %arg0 : i32
    %broadcast_in_dim3A = arith.constant 0.000000e+00 : f32
    %broadcast_in_dim3A_1 = vector.broadcast %broadcast_in_dim3A : f32 to vector<16xf32>
    %scan3A = arith.constant 0 : i32
    %scan3A_2 = arith.constant 0 : i32
    %scan3A_3 = arith.constant 632 : i32
    %scan3A_4 = arith.addi %scan3A_2, %scan3A_3 : i32
    %scan3A_5 = arith.constant 4 : i32
    %scan3A_6 = scf.for %scan3A_68 = %scan3A_2 to %scan3A_4 step %scan3A_5 iter_args(%scan3A_69 = %scan3A) -> (i32)  : i32 {
      %swap3A = arith.index_cast %scan3A_68 : i32 to index
      %swap3A_70 = arith.constant 0 : index
      %swap3A_71 = tpu.vector_load %arg7[%swap3A, %swap3A_70] {strides = array<i32>} : memref<632x16xf32, #tpu.memory_space<vmem>>, vector<1x16xf32>,
      %swap3A_72 = vector.shape_cast %swap3A_71 : vector<1x16xf32> to vector<16xf32>
      %swap3A_73 = vector.shape_cast %broadcast_in_dim3A_1 : vector<16xf32> to vector<1x16xf32>
      tpu.vector_store %arg7[%swap3A, %swap3A_70], %swap3A_73 {strides = array<i32>} : memref<632x16xf32, #tpu.memory_space<vmem>>, vector<1x16xf32>,
      %scan3A_74 = arith.constant 0 : i32
      %scan3A_75 = arith.constant 1 : i32
      %scan3A_76 = arith.addi %scan3A_68, %scan3A_75 : i32
      %swap3A_77 = arith.index_cast %scan3A_76 : i32 to index
      %swap3A_78 = arith.constant 0 : index
      %swap3A_79 = tpu.vector_load %arg7[%swap3A_77, %swap3A_78] {strides = array<i32>} : memref<632x16xf32, #tpu.memory_space<vmem>>, vector<1x16xf32>,
      %swap3A_80 = vector.shape_cast %swap3A_79 : vector<1x16xf32> to vector<16xf32>
      %swap3A_81 = vector.shape_cast %broadcast_in_dim3A_1 : vector<16xf32> to vector<1x16xf32>
      tpu.vector_store %arg7[%swap3A_77, %swap3A_78], %swap3A_81 {strides = array<i32>} : memref<632x16xf32, #tpu.memory_space<vmem>>, vector<1x16xf32>,
      %scan3A_82 = arith.constant 0 : i32
      %scan3A_83 = arith.constant 2 : i32
      %scan3A_84 = arith.addi %scan3A_68, %scan3A_83 : i32
      %swap3A_85 = arith.index_cast %scan3A_84 : i32 to index
      %swap3A_86 = arith.constant 0 : index
      %swap3A_87 = tpu.vector_load %arg7[%swap3A_85, %swap3A_86] {strides = array<i32>} : memref<632x16xf32, #tpu.memory_space<vmem>>, vector<1x16xf32>,
      %swap3A_88 = vector.shape_cast %swap3A_87 : vector<1x16xf32> to vector<16xf32>
      %swap3A_89 = vector.shape_cast %broadcast_in_dim3A_1 : vector<16xf32> to vector<1x16xf32>
      tpu.vector_store %arg7[%swap3A_85, %swap3A_86], %swap3A_89 {strides = array<i32>} : memref<632x16xf32, #tpu.memory_space<vmem>>, vector<1x16xf32>,
      %scan3A_90 = arith.constant 0 : i32
      %scan3A_91 = arith.constant 3 : i32
      %scan3A_92 = arith.addi %scan3A_68, %scan3A_91 : i32
      %swap3A_93 = arith.index_cast %scan3A_92 : i32 to index
      %swap3A_94 = arith.constant 0 : index
      %swap3A_95 = tpu.vector_load %arg7[%swap3A_93, %swap3A_94] {strides = array<i32>} : memref<632x16xf32, #tpu.memory_space<vmem>>, vector<1x16xf32>,
      %swap3A_96 = vector.shape_cast %swap3A_95 : vector<1x16xf32> to vector<16xf32>
      %swap3A_97 = vector.shape_cast %broadcast_in_dim3A_1 : vector<16xf32> to vector<1x16xf32>
      tpu.vector_store %arg7[%swap3A_93, %swap3A_94], %swap3A_97 {strides = array<i32>} : memref<632x16xf32, #tpu.memory_space<vmem>>, vector<1x16xf32>,
      %scan3A_98 = arith.constant 0 : i32
      scf.yield %scan3A_98 : i32
    }
    %scan3A_7 = arith.constant 632 : i32
    %mul3A_8 = arith.constant 632 : i32
    %mul3A_9 = arith.muli %arg1, %mul3A_8 : i32
    "tpu.region"() ({
      %run_scoped3A_68 = tpu.sem_alloc : memref<!tpu.dma_semaphore, #tpu.memory_space<semaphore_mem>>
      %dma_start3A_69 = arith.constant 0 : i32
      %dma_start3A_70 = tpu.memref_slice %arg8[%mul3A_9, %dma_start3A_69] : memref<10112x16xf32, #tpu.memory_space<vmem_shared>> -> memref<632x16xf32, #tpu.memory_space<vmem_shared>>
      %dma_start3A_71 = arith.constant 0 : i32
      %dma_start3A_72 = tpu.memref_slice %arg8[%mul3A_9, %dma_start3A_71] : memref<10112x16xf32, #tpu.memory_space<vmem_shared>> -> memref<632x16xf32, #tpu.memory_space<vmem_shared>>
      tpu.enqueue_dma source(%arg7 : memref<632x16xf32, #tpu.memory_space<vmem>>) target(%dma_start3A_72 : memref<632x16xf32, #tpu.memory_space<vmem_shared>>) target_semaphore(%run_scoped3A_68 : memref<!tpu.dma_semaphore, #tpu.memory_space<semaphore_mem>>)
      %dma_wait3A_73 = arith.constant 0 : i32
      %dma_wait3A_74 = tpu.memref_slice %arg8[%mul3A_9, %dma_wait3A_73] : memref<10112x16xf32, #tpu.memory_space<vmem_shared>> -> memref<632x16xf32, #tpu.memory_space<vmem_shared>>
      %dma_wait3A_75 = arith.constant 0 : i32
      %dma_wait3A_76 = tpu.memref_slice %arg8[%mul3A_9, %dma_wait3A_75] : memref<10112x16xf32, #tpu.memory_space<vmem_shared>> -> memref<632x16xf32, #tpu.memory_space<vmem_shared>>
      tpu.wait_dma2 semaphore(%run_scoped3A_68 : memref<!tpu.dma_semaphore, #tpu.memory_space<semaphore_mem>>) src(%arg7 : memref<632x16xf32, #tpu.memory_space<vmem>>) dst(%dma_wait3A_76 : memref<632x16xf32, #tpu.memory_space<vmem_shared>>)
      tpu.yield
    }) : () -> ()
    %broadcast_in_dim3A_10 = arith.constant 1.000000e+00 : f32
    %broadcast_in_dim3A_11 = vector.broadcast %broadcast_in_dim3A_10 : f32 to vector<16xf32>
    %scan3A_12 = arith.constant 0 : i32
    %scan3A_13 = arith.constant 0 : i32
    %scan3A_14 = arith.constant 2000 : i32
    %scan3A_15 = arith.addi %scan3A_13, %scan3A_14 : i32
    %scan3A_16 = arith.constant 4 : i32
    %scan3A_17 = scf.for %scan3A_68 = %scan3A_13 to %scan3A_15 step %scan3A_16 iter_args(%scan3A_69 = %scan3A_12) -> (i32)  : i32 {
      %swap3A = arith.index_cast %scan3A_68 : i32 to index
      %swap3A_70 = arith.constant 0 : index
      %swap3A_71 = tpu.vector_load %arg6[%swap3A, %swap3A_70] {strides = array<i32>} : memref<2000x16xf32, #tpu.memory_space<vmem>>, vector<1x16xf32>,
      %swap3A_72 = vector.shape_cast %swap3A_71 : vector<1x16xf32> to vector<16xf32>
      %swap3A_73 = vector.shape_cast %broadcast_in_dim3A_11 : vector<16xf32> to vector<1x16xf32>
      tpu.vector_store %arg6[%swap3A, %swap3A_70], %swap3A_73 {strides = array<i32>} : memref<2000x16xf32, #tpu.memory_space<vmem>>, vector<1x16xf32>,
      %scan3A_74 = arith.constant 0 : i32
      %scan3A_75 = arith.constant 1 : i32
      %scan3A_76 = arith.addi %scan3A_68, %scan3A_75 : i32
      %swap3A_77 = arith.index_cast %scan3A_76 : i32 to index
      %swap3A_78 = arith.constant 0 : index
      %swap3A_79 = tpu.vector_load %arg6[%swap3A_77, %swap3A_78] {strides = array<i32>} : memref<2000x16xf32, #tpu.memory_space<vmem>>, vector<1x16xf32>,
      %swap3A_80 = vector.shape_cast %swap3A_79 : vector<1x16xf32> to vector<16xf32>
      %swap3A_81 = vector.shape_cast %broadcast_in_dim3A_11 : vector<16xf32> to vector<1x16xf32>
      tpu.vector_store %arg6[%swap3A_77, %swap3A_78], %swap3A_81 {strides = array<i32>} : memref<2000x16xf32, #tpu.memory_space<vmem>>, vector<1x16xf32>,
      %scan3A_82 = arith.constant 0 : i32
      %scan3A_83 = arith.constant 2 : i32
      %scan3A_84 = arith.addi %scan3A_68, %scan3A_83 : i32
      %swap3A_85 = arith.index_cast %scan3A_84 : i32 to index
      %swap3A_86 = arith.constant 0 : index
      %swap3A_87 = tpu.vector_load %arg6[%swap3A_85, %swap3A_86] {strides = array<i32>} : memref<2000x16xf32, #tpu.memory_space<vmem>>, vector<1x16xf32>,
      %swap3A_88 = vector.shape_cast %swap3A_87 : vector<1x16xf32> to vector<16xf32>
      %swap3A_89 = vector.shape_cast %broadcast_in_dim3A_11 : vector<16xf32> to vector<1x16xf32>
      tpu.vector_store %arg6[%swap3A_85, %swap3A_86], %swap3A_89 {strides = array<i32>} : memref<2000x16xf32, #tpu.memory_space<vmem>>, vector<1x16xf32>,
      %scan3A_90 = arith.constant 0 : i32
      %scan3A_91 = arith.constant 3 : i32
      %scan3A_92 = arith.addi %scan3A_68, %scan3A_91 : i32
      %swap3A_93 = arith.index_cast %scan3A_92 : i32 to index
      %swap3A_94 = arith.constant 0 : index
      %swap3A_95 = tpu.vector_load %arg6[%swap3A_93, %swap3A_94] {strides = array<i32>} : memref<2000x16xf32, #tpu.memory_space<vmem>>, vector<1x16xf32>,
      %swap3A_96 = vector.shape_cast %swap3A_95 : vector<1x16xf32> to vector<16xf32>
      %swap3A_97 = vector.shape_cast %broadcast_in_dim3A_11 : vector<16xf32> to vector<1x16xf32>
      tpu.vector_store %arg6[%swap3A_93, %swap3A_94], %swap3A_97 {strides = array<i32>} : memref<2000x16xf32, #tpu.memory_space<vmem>>, vector<1x16xf32>,
      %scan3A_98 = arith.constant 0 : i32
      scf.yield %scan3A_98 : i32
    }
    %scan3A_18 = arith.constant 2000 : i32
    %barrier3A = arith.constant 0 : index
    tpu.barrier barrier_id(%barrier3A)
    %mul3A_19 = arith.constant 10000 : i32
    %mul3A_20 = arith.muli %add3A, %mul3A_19 : i32
    %add3A_21 = arith.constant 0 : i32
    %add3A_22 = arith.addi %mul3A_20, %add3A_21 : i32
    %run_scoped3A = arith.constant 1 : i32
    "tpu.region"() ({
      %run_scoped3A_68 = tpu.sem_alloc : memref<!tpu.dma_semaphore, #tpu.memory_space<semaphore_mem>>
      %dma_start3A_69 = arith.constant 0 : i32
      %dma_start3A_70 = tpu.memref_slice %arg2[%run_scoped3A, %dma_start3A_69] : memref<2x320000xi32, #tpu.memory_space<hbm>> -> memref<1x320000xi32, #tpu.memory_space<hbm>>
      %dma_start3A_71 = tpu.memref_squeeze %dma_start3A_70 : memref<1x320000xi32, #tpu.memory_space<hbm>> -> memref<320000xi32, #tpu.memory_space<hbm>>
      %dma_start3A_72 = tpu.memref_slice %dma_start3A_71[%add3A_22] : memref<320000xi32, #tpu.memory_space<hbm>> -> memref<2000xi32, #tpu.memory_space<hbm>>
      %dma_start3A_73 = arith.constant 0 : i32
      %dma_start3A_74 = tpu.memref_slice %arg2[%run_scoped3A, %dma_start3A_73] : memref<2x320000xi32, #tpu.memory_space<hbm>> -> memref<1x320000xi32, #tpu.memory_space<hbm>>
      %dma_start3A_75 = tpu.memref_squeeze %dma_start3A_74 : memref<1x320000xi32, #tpu.memory_space<hbm>> -> memref<320000xi32, #tpu.memory_space<hbm>>
      %dma_start3A_76 = tpu.memref_slice %dma_start3A_75[%add3A_22] : memref<320000xi32, #tpu.memory_space<hbm>> -> memref<2000xi32, #tpu.memory_space<hbm>>
      tpu.enqueue_dma source(%dma_start3A_76 : memref<2000xi32, #tpu.memory_space<hbm>>) target(%arg4 : memref<2000xi32, #tpu.memory_space<vmem>>) target_semaphore(%run_scoped3A_68 : memref<!tpu.dma_semaphore, #tpu.memory_space<semaphore_mem>>)
      %dma_wait3A_77 = arith.constant 0 : i32
      %dma_wait3A_78 = tpu.memref_slice %arg2[%run_scoped3A, %dma_wait3A_77] : memref<2x320000xi32, #tpu.memory_space<hbm>> -> memref<1x320000xi32, #tpu.memory_space<hbm>>
      %dma_wait3A_79 = tpu.memref_squeeze %dma_wait3A_78 : memref<1x320000xi32, #tpu.memory_space<hbm>> -> memref<320000xi32, #tpu.memory_space<hbm>>
      %dma_wait3A_80 = tpu.memref_slice %dma_wait3A_79[%add3A_22] : memref<320000xi32, #tpu.memory_space<hbm>> -> memref<2000xi32, #tpu.memory_space<hbm>>
      %dma_wait3A_81 = arith.constant 0 : i32
      %dma_wait3A_82 = tpu.memref_slice %arg2[%run_scoped3A, %dma_wait3A_81] : memref<2x320000xi32, #tpu.memory_space<hbm>> -> memref<1x320000xi32, #tpu.memory_space<hbm>>
      %dma_wait3A_83 = tpu.memref_squeeze %dma_wait3A_82 : memref<1x320000xi32, #tpu.memory_space<hbm>> -> memref<320000xi32, #tpu.memory_space<hbm>>
      %dma_wait3A_84 = tpu.memref_slice %dma_wait3A_83[%add3A_22] : memref<320000xi32, #tpu.memory_space<hbm>> -> memref<2000xi32, #tpu.memory_space<hbm>>
      tpu.wait_dma2 semaphore(%run_scoped3A_68 : memref<!tpu.dma_semaphore, #tpu.memory_space<semaphore_mem>>) src(%dma_wait3A_84 : memref<2000xi32, #tpu.memory_space<hbm>>) dst(%arg4 : memref<2000xi32, #tpu.memory_space<vmem>>)
      tpu.yield
    }) : () -> ()
    %add3A_23 = arith.constant 2000 : i32
    %add3A_24 = arith.addi %mul3A_20, %add3A_23 : i32
    %run_scoped3A_25 = arith.constant 1 : i32
    "tpu.region"() ({
      %run_scoped3A_68 = tpu.sem_alloc : memref<!tpu.dma_semaphore, #tpu.memory_space<semaphore_mem>>
      %dma_start3A_69 = arith.constant 0 : i32
      %dma_start3A_70 = tpu.memref_slice %arg2[%run_scoped3A_25, %dma_start3A_69] : memref<2x320000xi32, #tpu.memory_space<hbm>> -> memref<1x320000xi32, #tpu.memory_space<hbm>>
      %dma_start3A_71 = tpu.memref_squeeze %dma_start3A_70 : memref<1x320000xi32, #tpu.memory_space<hbm>> -> memref<320000xi32, #tpu.memory_space<hbm>>
      %dma_start3A_72 = tpu.memref_slice %dma_start3A_71[%add3A_24] : memref<320000xi32, #tpu.memory_space<hbm>> -> memref<2000xi32, #tpu.memory_space<hbm>>
      %dma_start3A_73 = arith.constant 0 : i32
      %dma_start3A_74 = tpu.memref_slice %arg2[%run_scoped3A_25, %dma_start3A_73] : memref<2x320000xi32, #tpu.memory_space<hbm>> -> memref<1x320000xi32, #tpu.memory_space<hbm>>
      %dma_start3A_75 = tpu.memref_squeeze %dma_start3A_74 : memref<1x320000xi32, #tpu.memory_space<hbm>> -> memref<320000xi32, #tpu.memory_space<hbm>>
      %dma_start3A_76 = tpu.memref_slice %dma_start3A_75[%add3A_24] : memref<320000xi32, #tpu.memory_space<hbm>> -> memref<2000xi32, #tpu.memory_space<hbm>>
      tpu.enqueue_dma source(%dma_start3A_76 : memref<2000xi32, #tpu.memory_space<hbm>>) target(%arg5 : memref<2000xi32, #tpu.memory_space<vmem>>) target_semaphore(%run_scoped3A_68 : memref<!tpu.dma_semaphore, #tpu.memory_space<semaphore_mem>>)
      %dma_wait3A_77 = arith.constant 0 : i32
      %dma_wait3A_78 = tpu.memref_slice %arg2[%run_scoped3A_25, %dma_wait3A_77] : memref<2x320000xi32, #tpu.memory_space<hbm>> -> memref<1x320000xi32, #tpu.memory_space<hbm>>
      %dma_wait3A_79 = tpu.memref_squeeze %dma_wait3A_78 : memref<1x320000xi32, #tpu.memory_space<hbm>> -> memref<320000xi32, #tpu.memory_space<hbm>>
      %dma_wait3A_80 = tpu.memref_slice %dma_wait3A_79[%add3A_24] : memref<320000xi32, #tpu.memory_space<hbm>> -> memref<2000xi32, #tpu.memory_space<hbm>>
      %dma_wait3A_81 = arith.constant 0 : i32
      %dma_wait3A_82 = tpu.memref_slice %arg2[%run_scoped3A_25, %dma_wait3A_81] : memref<2x320000xi32, #tpu.memory_space<hbm>> -> memref<1x320000xi32, #tpu.memory_space<hbm>>
      %dma_wait3A_83 = tpu.memref_squeeze %dma_wait3A_82 : memref<1x320000xi32, #tpu.memory_space<hbm>> -> memref<320000xi32, #tpu.memory_space<hbm>>
      %dma_wait3A_84 = tpu.memref_slice %dma_wait3A_83[%add3A_24] : memref<320000xi32, #tpu.memory_space<hbm>> -> memref<2000xi32, #tpu.memory_space<hbm>>
      tpu.wait_dma2 semaphore(%run_scoped3A_68 : memref<!tpu.dma_semaphore, #tpu.memory_space<semaphore_mem>>) src(%dma_wait3A_84 : memref<2000xi32, #tpu.memory_space<hbm>>) dst(%arg5 : memref<2000xi32, #tpu.memory_space<vmem>>)
      tpu.yield
    }) : () -> ()
    %dma_start3A = arith.constant 0 : i32
    %dma_start3A_26 = arith.constant 0 : i32
    %dma_start3A_27 = tpu.memref_slice %arg8[%dma_start3A, %dma_start3A_26] : memref<10112x16xf32, #tpu.memory_space<vmem_shared>> -> memref<10112x16xf32, #tpu.memory_space<vmem_shared>>
    tpu.enqueue_indirect_dma source(%arg6 : memref<2000x16xf32, #tpu.memory_space<vmem>>) target(%dma_start3A_27 : memref<10112x16xf32, #tpu.memory_space<vmem_shared>>) offsets(%arg4 : memref<2000xi32, #tpu.memory_space<vmem>>) semaphore(%arg9 : memref<!tpu.dma_semaphore, #tpu.memory_space<semaphore_mem>>) {add = true}
    %dma_wait3A = arith.constant 0 : i32
    %dma_wait3A_28 = arith.constant 0 : i32
    %dma_wait3A_29 = tpu.memref_slice %arg8[%dma_wait3A, %dma_wait3A_28] : memref<10112x16xf32, #tpu.memory_space<vmem_shared>> -> memref<10112x16xf32, #tpu.memory_space<vmem_shared>>
    tpu.wait_indirect_dma semaphore(%arg9 : memref<!tpu.dma_semaphore, #tpu.memory_space<semaphore_mem>>) src(%arg6 : memref<2000x16xf32, #tpu.memory_space<vmem>>) dst(%dma_wait3A_29 : memref<10112x16xf32, #tpu.memory_space<vmem_shared>>)
    %add3A_30 = arith.constant 4000 : i32
    %add3A_31 = arith.addi %mul3A_20, %add3A_30 : i32
    %run_scoped3A_32 = arith.constant 1 : i32
    "tpu.region"() ({
      %run_scoped3A_68 = tpu.sem_alloc : memref<!tpu.dma_semaphore, #tpu.memory_space<semaphore_mem>>
      %dma_start3A_69 = arith.constant 0 : i32
      %dma_start3A_70 = tpu.memref_slice %arg2[%run_scoped3A_32, %dma_start3A_69] : memref<2x320000xi32, #tpu.memory_space<hbm>> -> memref<1x320000xi32, #tpu.memory_space<hbm>>
      %dma_start3A_71 = tpu.memref_squeeze %dma_start3A_70 : memref<1x320000xi32, #tpu.memory_space<hbm>> -> memref<320000xi32, #tpu.memory_space<hbm>>
      %dma_start3A_72 = tpu.memref_slice %dma_start3A_71[%add3A_31] : memref<320000xi32, #tpu.memory_space<hbm>> -> memref<2000xi32, #tpu.memory_space<hbm>>
      %dma_start3A_73 = arith.constant 0 : i32
      %dma_start3A_74 = tpu.memref_slice %arg2[%run_scoped3A_32, %dma_start3A_73] : memref<2x320000xi32, #tpu.memory_space<hbm>> -> memref<1x320000xi32, #tpu.memory_space<hbm>>
      %dma_start3A_75 = tpu.memref_squeeze %dma_start3A_74 : memref<1x320000xi32, #tpu.memory_space<hbm>> -> memref<320000xi32, #tpu.memory_space<hbm>>
      %dma_start3A_76 = tpu.memref_slice %dma_start3A_75[%add3A_31] : memref<320000xi32, #tpu.memory_space<hbm>> -> memref<2000xi32, #tpu.memory_space<hbm>>
      tpu.enqueue_dma source(%dma_start3A_76 : memref<2000xi32, #tpu.memory_space<hbm>>) target(%arg4 : memref<2000xi32, #tpu.memory_space<vmem>>) target_semaphore(%run_scoped3A_68 : memref<!tpu.dma_semaphore, #tpu.memory_space<semaphore_mem>>)
      %dma_wait3A_77 = arith.constant 0 : i32
      %dma_wait3A_78 = tpu.memref_slice %arg2[%run_scoped3A_32, %dma_wait3A_77] : memref<2x320000xi32, #tpu.memory_space<hbm>> -> memref<1x320000xi32, #tpu.memory_space<hbm>>
      %dma_wait3A_79 = tpu.memref_squeeze %dma_wait3A_78 : memref<1x320000xi32, #tpu.memory_space<hbm>> -> memref<320000xi32, #tpu.memory_space<hbm>>
      %dma_wait3A_80 = tpu.memref_slice %dma_wait3A_79[%add3A_31] : memref<320000xi32, #tpu.memory_space<hbm>> -> memref<2000xi32, #tpu.memory_space<hbm>>
      %dma_wait3A_81 = arith.constant 0 : i32
      %dma_wait3A_82 = tpu.memref_slice %arg2[%run_scoped3A_32, %dma_wait3A_81] : memref<2x320000xi32, #tpu.memory_space<hbm>> -> memref<1x320000xi32, #tpu.memory_space<hbm>>
      %dma_wait3A_83 = tpu.memref_squeeze %dma_wait3A_82 : memref<1x320000xi32, #tpu.memory_space<hbm>> -> memref<320000xi32, #tpu.memory_space<hbm>>
      %dma_wait3A_84 = tpu.memref_slice %dma_wait3A_83[%add3A_31] : memref<320000xi32, #tpu.memory_space<hbm>> -> memref<2000xi32, #tpu.memory_space<hbm>>
      tpu.wait_dma2 semaphore(%run_scoped3A_68 : memref<!tpu.dma_semaphore, #tpu.memory_space<semaphore_mem>>) src(%dma_wait3A_84 : memref<2000xi32, #tpu.memory_space<hbm>>) dst(%arg4 : memref<2000xi32, #tpu.memory_space<vmem>>)
      tpu.yield
    }) : () -> ()
    %dma_start3A_33 = arith.constant 0 : i32
    %dma_start3A_34 = arith.constant 0 : i32
    %dma_start3A_35 = tpu.memref_slice %arg8[%dma_start3A_33, %dma_start3A_34] : memref<10112x16xf32, #tpu.memory_space<vmem_shared>> -> memref<10112x16xf32, #tpu.memory_space<vmem_shared>>
    tpu.enqueue_indirect_dma source(%arg6 : memref<2000x16xf32, #tpu.memory_space<vmem>>) target(%dma_start3A_35 : memref<10112x16xf32, #tpu.memory_space<vmem_shared>>) offsets(%arg5 : memref<2000xi32, #tpu.memory_space<vmem>>) semaphore(%arg10 : memref<!tpu.dma_semaphore, #tpu.memory_space<semaphore_mem>>) {add = true}
    %dma_wait3A_36 = arith.constant 0 : i32
    %dma_wait3A_37 = arith.constant 0 : i32
    %dma_wait3A_38 = tpu.memref_slice %arg8[%dma_wait3A_36, %dma_wait3A_37] : memref<10112x16xf32, #tpu.memory_space<vmem_shared>> -> memref<10112x16xf32, #tpu.memory_space<vmem_shared>>
    tpu.wait_indirect_dma semaphore(%arg10 : memref<!tpu.dma_semaphore, #tpu.memory_space<semaphore_mem>>) src(%arg6 : memref<2000x16xf32, #tpu.memory_space<vmem>>) dst(%dma_wait3A_38 : memref<10112x16xf32, #tpu.memory_space<vmem_shared>>)
    %add3A_39 = arith.constant 6000 : i32
    %add3A_40 = arith.addi %mul3A_20, %add3A_39 : i32
    %run_scoped3A_41 = arith.constant 1 : i32
    "tpu.region"() ({
      %run_scoped3A_68 = tpu.sem_alloc : memref<!tpu.dma_semaphore, #tpu.memory_space<semaphore_mem>>
      %dma_start3A_69 = arith.constant 0 : i32
      %dma_start3A_70 = tpu.memref_slice %arg2[%run_scoped3A_41, %dma_start3A_69] : memref<2x320000xi32, #tpu.memory_space<hbm>> -> memref<1x320000xi32, #tpu.memory_space<hbm>>
      %dma_start3A_71 = tpu.memref_squeeze %dma_start3A_70 : memref<1x320000xi32, #tpu.memory_space<hbm>> -> memref<320000xi32, #tpu.memory_space<hbm>>
      %dma_start3A_72 = tpu.memref_slice %dma_start3A_71[%add3A_40] : memref<320000xi32, #tpu.memory_space<hbm>> -> memref<2000xi32, #tpu.memory_space<hbm>>
      %dma_start3A_73 = arith.constant 0 : i32
      %dma_start3A_74 = tpu.memref_slice %arg2[%run_scoped3A_41, %dma_start3A_73] : memref<2x320000xi32, #tpu.memory_space<hbm>> -> memref<1x320000xi32, #tpu.memory_space<hbm>>
      %dma_start3A_75 = tpu.memref_squeeze %dma_start3A_74 : memref<1x320000xi32, #tpu.memory_space<hbm>> -> memref<320000xi32, #tpu.memory_space<hbm>>
      %dma_start3A_76 = tpu.memref_slice %dma_start3A_75[%add3A_40] : memref<320000xi32, #tpu.memory_space<hbm>> -> memref<2000xi32, #tpu.memory_space<hbm>>
      tpu.enqueue_dma source(%dma_start3A_76 : memref<2000xi32, #tpu.memory_space<hbm>>) target(%arg5 : memref<2000xi32, #tpu.memory_space<vmem>>) target_semaphore(%run_scoped3A_68 : memref<!tpu.dma_semaphore, #tpu.memory_space<semaphore_mem>>)
      %dma_wait3A_77 = arith.constant 0 : i32
      %dma_wait3A_78 = tpu.memref_slice %arg2[%run_scoped3A_41, %dma_wait3A_77] : memref<2x320000xi32, #tpu.memory_space<hbm>> -> memref<1x320000xi32, #tpu.memory_space<hbm>>
      %dma_wait3A_79 = tpu.memref_squeeze %dma_wait3A_78 : memref<1x320000xi32, #tpu.memory_space<hbm>> -> memref<320000xi32, #tpu.memory_space<hbm>>
      %dma_wait3A_80 = tpu.memref_slice %dma_wait3A_79[%add3A_40] : memref<320000xi32, #tpu.memory_space<hbm>> -> memref<2000xi32, #tpu.memory_space<hbm>>
      %dma_wait3A_81 = arith.constant 0 : i32
      %dma_wait3A_82 = tpu.memref_slice %arg2[%run_scoped3A_41, %dma_wait3A_81] : memref<2x320000xi32, #tpu.memory_space<hbm>> -> memref<1x320000xi32, #tpu.memory_space<hbm>>
      %dma_wait3A_83 = tpu.memref_squeeze %dma_wait3A_82 : memref<1x320000xi32, #tpu.memory_space<hbm>> -> memref<320000xi32, #tpu.memory_space<hbm>>
      %dma_wait3A_84 = tpu.memref_slice %dma_wait3A_83[%add3A_40] : memref<320000xi32, #tpu.memory_space<hbm>> -> memref<2000xi32, #tpu.memory_space<hbm>>
      tpu.wait_dma2 semaphore(%run_scoped3A_68 : memref<!tpu.dma_semaphore, #tpu.memory_space<semaphore_mem>>) src(%dma_wait3A_84 : memref<2000xi32, #tpu.memory_space<hbm>>) dst(%arg5 : memref<2000xi32, #tpu.memory_space<vmem>>)
      tpu.yield
    }) : () -> ()
    %dma_start3A_42 = arith.constant 0 : i32
    %dma_start3A_43 = arith.constant 0 : i32
    %dma_start3A_44 = tpu.memref_slice %arg8[%dma_start3A_42, %dma_start3A_43] : memref<10112x16xf32, #tpu.memory_space<vmem_shared>> -> memref<10112x16xf32, #tpu.memory_space<vmem_shared>>
    tpu.enqueue_indirect_dma source(%arg6 : memref<2000x16xf32, #tpu.memory_space<vmem>>) target(%dma_start3A_44 : memref<10112x16xf32, #tpu.memory_space<vmem_shared>>) offsets(%arg4 : memref<2000xi32, #tpu.memory_space<vmem>>) semaphore(%arg9 : memref<!tpu.dma_semaphore, #tpu.memory_space<semaphore_mem>>) {add = true}
    %dma_wait3A_45 = arith.constant 0 : i32
    %dma_wait3A_46 = arith.constant 0 : i32
    %dma_wait3A_47 = tpu.memref_slice %arg8[%dma_wait3A_45, %dma_wait3A_46] : memref<10112x16xf32, #tpu.memory_space<vmem_shared>> -> memref<10112x16xf32, #tpu.memory_space<vmem_shared>>
    tpu.wait_indirect_dma semaphore(%arg9 : memref<!tpu.dma_semaphore, #tpu.memory_space<semaphore_mem>>) src(%arg6 : memref<2000x16xf32, #tpu.memory_space<vmem>>) dst(%dma_wait3A_47 : memref<10112x16xf32, #tpu.memory_space<vmem_shared>>)
    %add3A_48 = arith.constant 8000 : i32
    %add3A_49 = arith.addi %mul3A_20, %add3A_48 : i32
    %run_scoped3A_50 = arith.constant 1 : i32
    "tpu.region"() ({
      %run_scoped3A_68 = tpu.sem_alloc : memref<!tpu.dma_semaphore, #tpu.memory_space<semaphore_mem>>
      %dma_start3A_69 = arith.constant 0 : i32
      %dma_start3A_70 = tpu.memref_slice %arg2[%run_scoped3A_50, %dma_start3A_69] : memref<2x320000xi32, #tpu.memory_space<hbm>> -> memref<1x320000xi32, #tpu.memory_space<hbm>>
      %dma_start3A_71 = tpu.memref_squeeze %dma_start3A_70 : memref<1x320000xi32, #tpu.memory_space<hbm>> -> memref<320000xi32, #tpu.memory_space<hbm>>
      %dma_start3A_72 = tpu.memref_slice %dma_start3A_71[%add3A_49] : memref<320000xi32, #tpu.memory_space<hbm>> -> memref<2000xi32, #tpu.memory_space<hbm>>
      %dma_start3A_73 = arith.constant 0 : i32
      %dma_start3A_74 = tpu.memref_slice %arg2[%run_scoped3A_50, %dma_start3A_73] : memref<2x320000xi32, #tpu.memory_space<hbm>> -> memref<1x320000xi32, #tpu.memory_space<hbm>>
      %dma_start3A_75 = tpu.memref_squeeze %dma_start3A_74 : memref<1x320000xi32, #tpu.memory_space<hbm>> -> memref<320000xi32, #tpu.memory_space<hbm>>
      %dma_start3A_76 = tpu.memref_slice %dma_start3A_75[%add3A_49] : memref<320000xi32, #tpu.memory_space<hbm>> -> memref<2000xi32, #tpu.memory_space<hbm>>
      tpu.enqueue_dma source(%dma_start3A_76 : memref<2000xi32, #tpu.memory_space<hbm>>) target(%arg4 : memref<2000xi32, #tpu.memory_space<vmem>>) target_semaphore(%run_scoped3A_68 : memref<!tpu.dma_semaphore, #tpu.memory_space<semaphore_mem>>)
      %dma_wait3A_77 = arith.constant 0 : i32
      %dma_wait3A_78 = tpu.memref_slice %arg2[%run_scoped3A_50, %dma_wait3A_77] : memref<2x320000xi32, #tpu.memory_space<hbm>> -> memref<1x320000xi32, #tpu.memory_space<hbm>>
      %dma_wait3A_79 = tpu.memref_squeeze %dma_wait3A_78 : memref<1x320000xi32, #tpu.memory_space<hbm>> -> memref<320000xi32, #tpu.memory_space<hbm>>
      %dma_wait3A_80 = tpu.memref_slice %dma_wait3A_79[%add3A_49] : memref<320000xi32, #tpu.memory_space<hbm>> -> memref<2000xi32, #tpu.memory_space<hbm>>
      %dma_wait3A_81 = arith.constant 0 : i32
      %dma_wait3A_82 = tpu.memref_slice %arg2[%run_scoped3A_50, %dma_wait3A_81] : memref<2x320000xi32, #tpu.memory_space<hbm>> -> memref<1x320000xi32, #tpu.memory_space<hbm>>
      %dma_wait3A_83 = tpu.memref_squeeze %dma_wait3A_82 : memref<1x320000xi32, #tpu.memory_space<hbm>> -> memref<320000xi32, #tpu.memory_space<hbm>>
      %dma_wait3A_84 = tpu.memref_slice %dma_wait3A_83[%add3A_49] : memref<320000xi32, #tpu.memory_space<hbm>> -> memref<2000xi32, #tpu.memory_space<hbm>>
      tpu.wait_dma2 semaphore(%run_scoped3A_68 : memref<!tpu.dma_semaphore, #tpu.memory_space<semaphore_mem>>) src(%dma_wait3A_84 : memref<2000xi32, #tpu.memory_space<hbm>>) dst(%arg4 : memref<2000xi32, #tpu.memory_space<vmem>>)
      tpu.yield
    }) : () -> ()
    %dma_start3A_51 = arith.constant 0 : i32
    %dma_start3A_52 = arith.constant 0 : i32
    %dma_start3A_53 = tpu.memref_slice %arg8[%dma_start3A_51, %dma_start3A_52] : memref<10112x16xf32, #tpu.memory_space<vmem_shared>> -> memref<10112x16xf32, #tpu.memory_space<vmem_shared>>
    tpu.enqueue_indirect_dma source(%arg6 : memref<2000x16xf32, #tpu.memory_space<vmem>>) target(%dma_start3A_53 : memref<10112x16xf32, #tpu.memory_space<vmem_shared>>) offsets(%arg5 : memref<2000xi32, #tpu.memory_space<vmem>>) semaphore(%arg10 : memref<!tpu.dma_semaphore, #tpu.memory_space<semaphore_mem>>) {add = true}
    %dma_start3A_54 = arith.constant 0 : i32
    %dma_start3A_55 = arith.constant 0 : i32
    %dma_start3A_56 = tpu.memref_slice %arg8[%dma_start3A_54, %dma_start3A_55] : memref<10112x16xf32, #tpu.memory_space<vmem_shared>> -> memref<10112x16xf32, #tpu.memory_space<vmem_shared>>
    tpu.enqueue_indirect_dma source(%arg6 : memref<2000x16xf32, #tpu.memory_space<vmem>>) target(%dma_start3A_56 : memref<10112x16xf32, #tpu.memory_space<vmem_shared>>) offsets(%arg4 : memref<2000xi32, #tpu.memory_space<vmem>>) semaphore(%arg9 : memref<!tpu.dma_semaphore, #tpu.memory_space<semaphore_mem>>) {add = true}
    %dma_wait3A_57 = arith.constant 0 : i32
    %dma_wait3A_58 = arith.constant 0 : i32
    %dma_wait3A_59 = tpu.memref_slice %arg8[%dma_wait3A_57, %dma_wait3A_58] : memref<10112x16xf32, #tpu.memory_space<vmem_shared>> -> memref<10112x16xf32, #tpu.memory_space<vmem_shared>>
    tpu.wait_indirect_dma semaphore(%arg10 : memref<!tpu.dma_semaphore, #tpu.memory_space<semaphore_mem>>) src(%arg6 : memref<2000x16xf32, #tpu.memory_space<vmem>>) dst(%dma_wait3A_59 : memref<10112x16xf32, #tpu.memory_space<vmem_shared>>)
    %dma_wait3A_60 = arith.constant 0 : i32
    %dma_wait3A_61 = arith.constant 0 : i32
    %dma_wait3A_62 = tpu.memref_slice %arg8[%dma_wait3A_60, %dma_wait3A_61] : memref<10112x16xf32, #tpu.memory_space<vmem_shared>> -> memref<10112x16xf32, #tpu.memory_space<vmem_shared>>
    tpu.wait_indirect_dma semaphore(%arg9 : memref<!tpu.dma_semaphore, #tpu.memory_space<semaphore_mem>>) src(%arg6 : memref<2000x16xf32, #tpu.memory_space<vmem>>) dst(%dma_wait3A_62 : memref<10112x16xf32, #tpu.memory_space<vmem_shared>>)
    %barrier3A_63 = arith.constant 0 : index
    tpu.barrier barrier_id(%barrier3A_63)
    %mul3A_64 = arith.constant 632 : i32
    %mul3A_65 = arith.muli %arg1, %mul3A_64 : i32
    "tpu.region"() ({
      %run_scoped3A_68 = tpu.sem_alloc : memref<!tpu.dma_semaphore, #tpu.memory_space<semaphore_mem>>
      %dma_start3A_69 = arith.constant 0 : i32
      %dma_start3A_70 = tpu.memref_slice %arg8[%mul3A_65, %dma_start3A_69] : memref<10112x16xf32, #tpu.memory_space<vmem_shared>> -> memref<632x16xf32, #tpu.memory_space<vmem_shared>>
      %dma_start3A_71 = arith.constant 0 : i32
      %dma_start3A_72 = tpu.memref_slice %arg8[%mul3A_65, %dma_start3A_71] : memref<10112x16xf32, #tpu.memory_space<vmem_shared>> -> memref<632x16xf32, #tpu.memory_space<vmem_shared>>
      tpu.enqueue_dma source(%dma_start3A_72 : memref<632x16xf32, #tpu.memory_space<vmem_shared>>) target(%arg7 : memref<632x16xf32, #tpu.memory_space<vmem>>) target_semaphore(%run_scoped3A_68 : memref<!tpu.dma_semaphore, #tpu.memory_space<semaphore_mem>>)
      %dma_wait3A_73 = arith.constant 0 : i32
      %dma_wait3A_74 = tpu.memref_slice %arg8[%mul3A_65, %dma_wait3A_73] : memref<10112x16xf32, #tpu.memory_space<vmem_shared>> -> memref<632x16xf32, #tpu.memory_space<vmem_shared>>
      %dma_wait3A_75 = arith.constant 0 : i32
      %dma_wait3A_76 = tpu.memref_slice %arg8[%mul3A_65, %dma_wait3A_75] : memref<10112x16xf32, #tpu.memory_space<vmem_shared>> -> memref<632x16xf32, #tpu.memory_space<vmem_shared>>
      tpu.wait_dma2 semaphore(%run_scoped3A_68 : memref<!tpu.dma_semaphore, #tpu.memory_space<semaphore_mem>>) src(%dma_wait3A_76 : memref<632x16xf32, #tpu.memory_space<vmem_shared>>) dst(%arg7 : memref<632x16xf32, #tpu.memory_space<vmem>>)
      tpu.yield
    }) : () -> ()
    %mul3A_66 = arith.constant 632 : i32
    %mul3A_67 = arith.muli %arg1, %mul3A_66 : i32
    "tpu.region"() ({
      %run_scoped3A_68 = tpu.sem_alloc : memref<!tpu.dma_semaphore, #tpu.memory_space<semaphore_mem>>
      %dma_start3A_69 = arith.constant 0 : i32
      %dma_start3A_70 = arith.constant 0 : i32
      %dma_start3A_71 = tpu.memref_slice %arg3[%arg0, %dma_start3A_69, %dma_start3A_70] : memref<2x10112x16xf32, #tpu.memory_space<hbm>> -> memref<1x10112x16xf32, #tpu.memory_space<hbm>>
      %dma_start3A_72 = tpu.memref_squeeze %dma_start3A_71 : memref<1x10112x16xf32, #tpu.memory_space<hbm>> -> memref<10112x16xf32, #tpu.memory_space<hbm>>
      %dma_start3A_73 = arith.constant 0 : i32
      %dma_start3A_74 = tpu.memref_slice %dma_start3A_72[%mul3A_67, %dma_start3A_73] : memref<10112x16xf32, #tpu.memory_space<hbm>> -> memref<632x16xf32, #tpu.memory_space<hbm>>
      %dma_start3A_75 = arith.constant 0 : i32
      %dma_start3A_76 = arith.constant 0 : i32
      %dma_start3A_77 = tpu.memref_slice %arg3[%arg0, %dma_start3A_75, %dma_start3A_76] : memref<2x10112x16xf32, #tpu.memory_space<hbm>> -> memref<1x10112x16xf32, #tpu.memory_space<hbm>>
      %dma_start3A_78 = tpu.memref_squeeze %dma_start3A_77 : memref<1x10112x16xf32, #tpu.memory_space<hbm>> -> memref<10112x16xf32, #tpu.memory_space<hbm>>
      %dma_start3A_79 = arith.constant 0 : i32
      %dma_start3A_80 = tpu.memref_slice %dma_start3A_78[%mul3A_67, %dma_start3A_79] : memref<10112x16xf32, #tpu.memory_space<hbm>> -> memref<632x16xf32, #tpu.memory_space<hbm>>
      tpu.enqueue_dma source(%arg7 : memref<632x16xf32, #tpu.memory_space<vmem>>) target(%dma_start3A_80 : memref<632x16xf32, #tpu.memory_space<hbm>>) target_semaphore(%run_scoped3A_68 : memref<!tpu.dma_semaphore, #tpu.memory_space<semaphore_mem>>)
      %dma_wait3A_81 = arith.constant 0 : i32
      %dma_wait3A_82 = arith.constant 0 : i32
      %dma_wait3A_83 = tpu.memref_slice %arg3[%arg0, %dma_wait3A_81, %dma_wait3A_82] : memref<2x10112x16xf32, #tpu.memory_space<hbm>> -> memref<1x10112x16xf32, #tpu.memory_space<hbm>>
      %dma_wait3A_84 = tpu.memref_squeeze %dma_wait3A_83 : memref<1x10112x16xf32, #tpu.memory_space<hbm>> -> memref<10112x16xf32, #tpu.memory_space<hbm>>
      %dma_wait3A_85 = arith.constant 0 : i32
      %dma_wait3A_86 = tpu.memref_slice %dma_wait3A_84[%mul3A_67, %dma_wait3A_85] : memref<10112x16xf32, #tpu.memory_space<hbm>> -> memref<632x16xf32, #tpu.memory_space<hbm>>
      %dma_wait3A_87 = arith.constant 0 : i32
      %dma_wait3A_88 = arith.constant 0 : i32
      %dma_wait3A_89 = tpu.memref_slice %arg3[%arg0, %dma_wait3A_87, %dma_wait3A_88] : memref<2x10112x16xf32, #tpu.memory_space<hbm>> -> memref<1x10112x16xf32, #tpu.memory_space<hbm>>
      %dma_wait3A_90 = tpu.memref_squeeze %dma_wait3A_89 : memref<1x10112x16xf32, #tpu.memory_space<hbm>> -> memref<10112x16xf32, #tpu.memory_space<hbm>>
      %dma_wait3A_91 = arith.constant 0 : i32
      %dma_wait3A_92 = tpu.memref_slice %dma_wait3A_90[%mul3A_67, %dma_wait3A_91] : memref<10112x16xf32, #tpu.memory_space<hbm>> -> memref<632x16xf32, #tpu.memory_space<hbm>>
      tpu.wait_dma2 semaphore(%run_scoped3A_68 : memref<!tpu.dma_semaphore, #tpu.memory_space<semaphore_mem>>) src(%arg7 : memref<632x16xf32, #tpu.memory_space<vmem>>) dst(%dma_wait3A_92 : memref<632x16xf32, #tpu.memory_space<hbm>>)
      tpu.yield
    }) : () -> ()
    return
  }
}

#map = affine_map<(d0, d1) -> (0, 0)>
#map1 = affine_map<(d0, d1) -> (0, 0, 0)>
module attributes {stable_mosaic.version = 14 : i64} {
  func.func @body(%arg0: i32, %arg1: i32, %arg2: memref<10000x16xf32, #tpu.memory_space<hbm>>, %arg3: memref<2x320000xi32, #tpu.memory_space<hbm>>, %arg4: memref<2x10112x16xf32, #tpu.memory_space<hbm>>, %arg5: memref<2000xi32, #tpu.memory_space<vmem>>, %arg6: memref<2000xi32, #tpu.memory_space<vmem>>, %arg7: memref<2000x16xf32, #tpu.memory_space<vmem>>, %arg8: memref<2000xi32, #tpu.memory_space<vmem>>, %arg9: memref<2000xi32, #tpu.memory_space<vmem>>, %arg10: memref<2000x16xf32, #tpu.memory_space<vmem>>, %arg11: memref<632x16xf32, #tpu.memory_space<vmem>>, %arg12: memref<10112x16xf32, #tpu.memory_space<vmem_shared>>, %arg13: memref<!tpu.dma_semaphore, #tpu.memory_space<semaphore_mem>>, %arg14: memref<!tpu.dma_semaphore, #tpu.memory_space<semaphore_mem>>, %arg15: memref<!tpu.dma_semaphore, #tpu.memory_space<semaphore_mem>>, %arg16: memref<!tpu.dma_semaphore, #tpu.memory_space<semaphore_mem>>) attributes {dimension_semantics = [#tpu.dimension_semantics<core_parallel>, #tpu.dimension_semantics<subcore_parallel>], iteration_bounds = array<i64: 2, 16>, scalar_prefetch = 0 : i64, scratch_operands = 12 : i64, tpu.core_type = #tpu.core_type<sc_vector_subcore>, window_params = [{transform_indices = #map}, {transform_indices = #map}, {transform_indices = #map1}]} {
    %mul3A = arith.constant 2 : i32
    %mul3A_0 = arith.muli %arg1, %mul3A : i32
    %add3A = arith.addi %mul3A_0, %arg0 : i32
    %broadcast_in_dim3A = arith.constant 0.000000e+00 : f32
    %broadcast_in_dim3A_1 = vector.broadcast %broadcast_in_dim3A : f32 to vector<16xf32>
    %scan3A = arith.constant 0 : i32
    %scan3A_2 = arith.constant 0 : i32
    %scan3A_3 = arith.constant 632 : i32
    %scan3A_4 = arith.addi %scan3A_2, %scan3A_3 : i32
    %scan3A_5 = arith.constant 4 : i32
    %scan3A_6 = scf.for %scan3A_94 = %scan3A_2 to %scan3A_4 step %scan3A_5 iter_args(%scan3A_95 = %scan3A) -> (i32)  : i32 {
      %swap3A = arith.index_cast %scan3A_94 : i32 to index
      %swap3A_96 = arith.constant 0 : index
      %swap3A_97 = tpu.vector_load %arg11[%swap3A, %swap3A_96] {strides = array<i32>} : memref<632x16xf32, #tpu.memory_space<vmem>>, vector<1x16xf32>,
      %swap3A_98 = vector.shape_cast %swap3A_97 : vector<1x16xf32> to vector<16xf32>
      %swap3A_99 = vector.shape_cast %broadcast_in_dim3A_1 : vector<16xf32> to vector<1x16xf32>
      tpu.vector_store %arg11[%swap3A, %swap3A_96], %swap3A_99 {strides = array<i32>} : memref<632x16xf32, #tpu.memory_space<vmem>>, vector<1x16xf32>,
      %scan3A_100 = arith.constant 0 : i32
      %scan3A_101 = arith.constant 1 : i32
      %scan3A_102 = arith.addi %scan3A_94, %scan3A_101 : i32
      %swap3A_103 = arith.index_cast %scan3A_102 : i32 to index
      %swap3A_104 = arith.constant 0 : index
      %swap3A_105 = tpu.vector_load %arg11[%swap3A_103, %swap3A_104] {strides = array<i32>} : memref<632x16xf32, #tpu.memory_space<vmem>>, vector<1x16xf32>,
      %swap3A_106 = vector.shape_cast %swap3A_105 : vector<1x16xf32> to vector<16xf32>
      %swap3A_107 = vector.shape_cast %broadcast_in_dim3A_1 : vector<16xf32> to vector<1x16xf32>
      tpu.vector_store %arg11[%swap3A_103, %swap3A_104], %swap3A_107 {strides = array<i32>} : memref<632x16xf32, #tpu.memory_space<vmem>>, vector<1x16xf32>,
      %scan3A_108 = arith.constant 0 : i32
      %scan3A_109 = arith.constant 2 : i32
      %scan3A_110 = arith.addi %scan3A_94, %scan3A_109 : i32
      %swap3A_111 = arith.index_cast %scan3A_110 : i32 to index
      %swap3A_112 = arith.constant 0 : index
      %swap3A_113 = tpu.vector_load %arg11[%swap3A_111, %swap3A_112] {strides = array<i32>} : memref<632x16xf32, #tpu.memory_space<vmem>>, vector<1x16xf32>,
      %swap3A_114 = vector.shape_cast %swap3A_113 : vector<1x16xf32> to vector<16xf32>
      %swap3A_115 = vector.shape_cast %broadcast_in_dim3A_1 : vector<16xf32> to vector<1x16xf32>
      tpu.vector_store %arg11[%swap3A_111, %swap3A_112], %swap3A_115 {strides = array<i32>} : memref<632x16xf32, #tpu.memory_space<vmem>>, vector<1x16xf32>,
      %scan3A_116 = arith.constant 0 : i32
      %scan3A_117 = arith.constant 3 : i32
      %scan3A_118 = arith.addi %scan3A_94, %scan3A_117 : i32
      %swap3A_119 = arith.index_cast %scan3A_118 : i32 to index
      %swap3A_120 = arith.constant 0 : index
      %swap3A_121 = tpu.vector_load %arg11[%swap3A_119, %swap3A_120] {strides = array<i32>} : memref<632x16xf32, #tpu.memory_space<vmem>>, vector<1x16xf32>,
      %swap3A_122 = vector.shape_cast %swap3A_121 : vector<1x16xf32> to vector<16xf32>
      %swap3A_123 = vector.shape_cast %broadcast_in_dim3A_1 : vector<16xf32> to vector<1x16xf32>
      tpu.vector_store %arg11[%swap3A_119, %swap3A_120], %swap3A_123 {strides = array<i32>} : memref<632x16xf32, #tpu.memory_space<vmem>>, vector<1x16xf32>,
      %scan3A_124 = arith.constant 0 : i32
      scf.yield %scan3A_124 : i32
    }
    %scan3A_7 = arith.constant 632 : i32
    %mul3A_8 = arith.constant 632 : i32
    %mul3A_9 = arith.muli %arg1, %mul3A_8 : i32
    "tpu.region"() ({
      %run_scoped3A_94 = tpu.sem_alloc : memref<!tpu.dma_semaphore, #tpu.memory_space<semaphore_mem>>
      %dma_start3A_95 = arith.constant 0 : i32
      %dma_start3A_96 = tpu.memref_slice %arg12[%mul3A_9, %dma_start3A_95] : memref<10112x16xf32, #tpu.memory_space<vmem_shared>> -> memref<632x16xf32, #tpu.memory_space<vmem_shared>>
      %dma_start3A_97 = arith.constant 0 : i32
      %dma_start3A_98 = tpu.memref_slice %arg12[%mul3A_9, %dma_start3A_97] : memref<10112x16xf32, #tpu.memory_space<vmem_shared>> -> memref<632x16xf32, #tpu.memory_space<vmem_shared>>
      tpu.enqueue_dma source(%arg11 : memref<632x16xf32, #tpu.memory_space<vmem>>) target(%dma_start3A_98 : memref<632x16xf32, #tpu.memory_space<vmem_shared>>) target_semaphore(%run_scoped3A_94 : memref<!tpu.dma_semaphore, #tpu.memory_space<semaphore_mem>>)
      %dma_wait3A_99 = arith.constant 0 : i32
      %dma_wait3A_100 = tpu.memref_slice %arg12[%mul3A_9, %dma_wait3A_99] : memref<10112x16xf32, #tpu.memory_space<vmem_shared>> -> memref<632x16xf32, #tpu.memory_space<vmem_shared>>
      %dma_wait3A_101 = arith.constant 0 : i32
      %dma_wait3A_102 = tpu.memref_slice %arg12[%mul3A_9, %dma_wait3A_101] : memref<10112x16xf32, #tpu.memory_space<vmem_shared>> -> memref<632x16xf32, #tpu.memory_space<vmem_shared>>
      tpu.wait_dma2 semaphore(%run_scoped3A_94 : memref<!tpu.dma_semaphore, #tpu.memory_space<semaphore_mem>>) src(%arg11 : memref<632x16xf32, #tpu.memory_space<vmem>>) dst(%dma_wait3A_102 : memref<632x16xf32, #tpu.memory_space<vmem_shared>>)
      tpu.yield
    }) : () -> ()
    %barrier3A = arith.constant 0 : index
    tpu.barrier barrier_id(%barrier3A)
    %mul3A_10 = arith.constant 10000 : i32
    %mul3A_11 = arith.muli %add3A, %mul3A_10 : i32
    %add3A_12 = arith.constant 0 : i32
    %add3A_13 = arith.addi %mul3A_11, %add3A_12 : i32
    %run_scoped3A = arith.constant 0 : i32
    "tpu.region"() ({
      %run_scoped3A_94 = tpu.sem_alloc : memref<!tpu.dma_semaphore, #tpu.memory_space<semaphore_mem>>
      %dma_start3A_95 = arith.constant 0 : i32
      %dma_start3A_96 = tpu.memref_slice %arg3[%run_scoped3A, %dma_start3A_95] : memref<2x320000xi32, #tpu.memory_space<hbm>> -> memref<1x320000xi32, #tpu.memory_space<hbm>>
      %dma_start3A_97 = tpu.memref_squeeze %dma_start3A_96 : memref<1x320000xi32, #tpu.memory_space<hbm>> -> memref<320000xi32, #tpu.memory_space<hbm>>
      %dma_start3A_98 = tpu.memref_slice %dma_start3A_97[%add3A_13] : memref<320000xi32, #tpu.memory_space<hbm>> -> memref<2000xi32, #tpu.memory_space<hbm>>
      %dma_start3A_99 = arith.constant 0 : i32
      %dma_start3A_100 = tpu.memref_slice %arg3[%run_scoped3A, %dma_start3A_99] : memref<2x320000xi32, #tpu.memory_space<hbm>> -> memref<1x320000xi32, #tpu.memory_space<hbm>>
      %dma_start3A_101 = tpu.memref_squeeze %dma_start3A_100 : memref<1x320000xi32, #tpu.memory_space<hbm>> -> memref<320000xi32, #tpu.memory_space<hbm>>
      %dma_start3A_102 = tpu.memref_slice %dma_start3A_101[%add3A_13] : memref<320000xi32, #tpu.memory_space<hbm>> -> memref<2000xi32, #tpu.memory_space<hbm>>
      tpu.enqueue_dma source(%dma_start3A_102 : memref<2000xi32, #tpu.memory_space<hbm>>) target(%arg5 : memref<2000xi32, #tpu.memory_space<vmem>>) target_semaphore(%run_scoped3A_94 : memref<!tpu.dma_semaphore, #tpu.memory_space<semaphore_mem>>)
      %dma_wait3A_103 = arith.constant 0 : i32
      %dma_wait3A_104 = tpu.memref_slice %arg3[%run_scoped3A, %dma_wait3A_103] : memref<2x320000xi32, #tpu.memory_space<hbm>> -> memref<1x320000xi32, #tpu.memory_space<hbm>>
      %dma_wait3A_105 = tpu.memref_squeeze %dma_wait3A_104 : memref<1x320000xi32, #tpu.memory_space<hbm>> -> memref<320000xi32, #tpu.memory_space<hbm>>
      %dma_wait3A_106 = tpu.memref_slice %dma_wait3A_105[%add3A_13] : memref<320000xi32, #tpu.memory_space<hbm>> -> memref<2000xi32, #tpu.memory_space<hbm>>
      %dma_wait3A_107 = arith.constant 0 : i32
      %dma_wait3A_108 = tpu.memref_slice %arg3[%run_scoped3A, %dma_wait3A_107] : memref<2x320000xi32, #tpu.memory_space<hbm>> -> memref<1x320000xi32, #tpu.memory_space<hbm>>
      %dma_wait3A_109 = tpu.memref_squeeze %dma_wait3A_108 : memref<1x320000xi32, #tpu.memory_space<hbm>> -> memref<320000xi32, #tpu.memory_space<hbm>>
      %dma_wait3A_110 = tpu.memref_slice %dma_wait3A_109[%add3A_13] : memref<320000xi32, #tpu.memory_space<hbm>> -> memref<2000xi32, #tpu.memory_space<hbm>>
      tpu.wait_dma2 semaphore(%run_scoped3A_94 : memref<!tpu.dma_semaphore, #tpu.memory_space<semaphore_mem>>) src(%dma_wait3A_110 : memref<2000xi32, #tpu.memory_space<hbm>>) dst(%arg5 : memref<2000xi32, #tpu.memory_space<vmem>>)
      tpu.yield
    }) : () -> ()
    %run_scoped3A_14 = arith.constant 1 : i32
    "tpu.region"() ({
      %run_scoped3A_94 = tpu.sem_alloc : memref<!tpu.dma_semaphore, #tpu.memory_space<semaphore_mem>>
      %dma_start3A_95 = arith.constant 0 : i32
      %dma_start3A_96 = tpu.memref_slice %arg3[%run_scoped3A_14, %dma_start3A_95] : memref<2x320000xi32, #tpu.memory_space<hbm>> -> memref<1x320000xi32, #tpu.memory_space<hbm>>
      %dma_start3A_97 = tpu.memref_squeeze %dma_start3A_96 : memref<1x320000xi32, #tpu.memory_space<hbm>> -> memref<320000xi32, #tpu.memory_space<hbm>>
      %dma_start3A_98 = tpu.memref_slice %dma_start3A_97[%add3A_13] : memref<320000xi32, #tpu.memory_space<hbm>> -> memref<2000xi32, #tpu.memory_space<hbm>>
      %dma_start3A_99 = arith.constant 0 : i32
      %dma_start3A_100 = tpu.memref_slice %arg3[%run_scoped3A_14, %dma_start3A_99] : memref<2x320000xi32, #tpu.memory_space<hbm>> -> memref<1x320000xi32, #tpu.memory_space<hbm>>
      %dma_start3A_101 = tpu.memref_squeeze %dma_start3A_100 : memref<1x320000xi32, #tpu.memory_space<hbm>> -> memref<320000xi32, #tpu.memory_space<hbm>>
      %dma_start3A_102 = tpu.memref_slice %dma_start3A_101[%add3A_13] : memref<320000xi32, #tpu.memory_space<hbm>> -> memref<2000xi32, #tpu.memory_space<hbm>>
      tpu.enqueue_dma source(%dma_start3A_102 : memref<2000xi32, #tpu.memory_space<hbm>>) target(%arg6 : memref<2000xi32, #tpu.memory_space<vmem>>) target_semaphore(%run_scoped3A_94 : memref<!tpu.dma_semaphore, #tpu.memory_space<semaphore_mem>>)
      %dma_wait3A_103 = arith.constant 0 : i32
      %dma_wait3A_104 = tpu.memref_slice %arg3[%run_scoped3A_14, %dma_wait3A_103] : memref<2x320000xi32, #tpu.memory_space<hbm>> -> memref<1x320000xi32, #tpu.memory_space<hbm>>
      %dma_wait3A_105 = tpu.memref_squeeze %dma_wait3A_104 : memref<1x320000xi32, #tpu.memory_space<hbm>> -> memref<320000xi32, #tpu.memory_space<hbm>>
      %dma_wait3A_106 = tpu.memref_slice %dma_wait3A_105[%add3A_13] : memref<320000xi32, #tpu.memory_space<hbm>> -> memref<2000xi32, #tpu.memory_space<hbm>>
      %dma_wait3A_107 = arith.constant 0 : i32
      %dma_wait3A_108 = tpu.memref_slice %arg3[%run_scoped3A_14, %dma_wait3A_107] : memref<2x320000xi32, #tpu.memory_space<hbm>> -> memref<1x320000xi32, #tpu.memory_space<hbm>>
      %dma_wait3A_109 = tpu.memref_squeeze %dma_wait3A_108 : memref<1x320000xi32, #tpu.memory_space<hbm>> -> memref<320000xi32, #tpu.memory_space<hbm>>
      %dma_wait3A_110 = tpu.memref_slice %dma_wait3A_109[%add3A_13] : memref<320000xi32, #tpu.memory_space<hbm>> -> memref<2000xi32, #tpu.memory_space<hbm>>
      tpu.wait_dma2 semaphore(%run_scoped3A_94 : memref<!tpu.dma_semaphore, #tpu.memory_space<semaphore_mem>>) src(%dma_wait3A_110 : memref<2000xi32, #tpu.memory_space<hbm>>) dst(%arg6 : memref<2000xi32, #tpu.memory_space<vmem>>)
      tpu.yield
    }) : () -> ()
    %dma_start3A = arith.constant 0 : i32
    %dma_start3A_15 = arith.constant 0 : i32
    %dma_start3A_16 = tpu.memref_slice %arg2[%dma_start3A, %dma_start3A_15] : memref<10000x16xf32, #tpu.memory_space<hbm>> -> memref<10000x16xf32, #tpu.memory_space<hbm>>
    tpu.enqueue_indirect_dma source(%dma_start3A_16 : memref<10000x16xf32, #tpu.memory_space<hbm>>) target(%arg7 : memref<2000x16xf32, #tpu.memory_space<vmem>>) offsets(%arg5 : memref<2000xi32, #tpu.memory_space<vmem>>) semaphore(%arg13 : memref<!tpu.dma_semaphore, #tpu.memory_space<semaphore_mem>>)
    %add3A_17 = arith.constant 2000 : i32
    %add3A_18 = arith.addi %mul3A_11, %add3A_17 : i32
    %run_scoped3A_19 = arith.constant 0 : i32
    "tpu.region"() ({
      %run_scoped3A_94 = tpu.sem_alloc : memref<!tpu.dma_semaphore, #tpu.memory_space<semaphore_mem>>
      %dma_start3A_95 = arith.constant 0 : i32
      %dma_start3A_96 = tpu.memref_slice %arg3[%run_scoped3A_19, %dma_start3A_95] : memref<2x320000xi32, #tpu.memory_space<hbm>> -> memref<1x320000xi32, #tpu.memory_space<hbm>>
      %dma_start3A_97 = tpu.memref_squeeze %dma_start3A_96 : memref<1x320000xi32, #tpu.memory_space<hbm>> -> memref<320000xi32, #tpu.memory_space<hbm>>
      %dma_start3A_98 = tpu.memref_slice %dma_start3A_97[%add3A_18] : memref<320000xi32, #tpu.memory_space<hbm>> -> memref<2000xi32, #tpu.memory_space<hbm>>
      %dma_start3A_99 = arith.constant 0 : i32
      %dma_start3A_100 = tpu.memref_slice %arg3[%run_scoped3A_19, %dma_start3A_99] : memref<2x320000xi32, #tpu.memory_space<hbm>> -> memref<1x320000xi32, #tpu.memory_space<hbm>>
      %dma_start3A_101 = tpu.memref_squeeze %dma_start3A_100 : memref<1x320000xi32, #tpu.memory_space<hbm>> -> memref<320000xi32, #tpu.memory_space<hbm>>
      %dma_start3A_102 = tpu.memref_slice %dma_start3A_101[%add3A_18] : memref<320000xi32, #tpu.memory_space<hbm>> -> memref<2000xi32, #tpu.memory_space<hbm>>
      tpu.enqueue_dma source(%dma_start3A_102 : memref<2000xi32, #tpu.memory_space<hbm>>) target(%arg8 : memref<2000xi32, #tpu.memory_space<vmem>>) target_semaphore(%run_scoped3A_94 : memref<!tpu.dma_semaphore, #tpu.memory_space<semaphore_mem>>)
      %dma_wait3A_103 = arith.constant 0 : i32
      %dma_wait3A_104 = tpu.memref_slice %arg3[%run_scoped3A_19, %dma_wait3A_103] : memref<2x320000xi32, #tpu.memory_space<hbm>> -> memref<1x320000xi32, #tpu.memory_space<hbm>>
      %dma_wait3A_105 = tpu.memref_squeeze %dma_wait3A_104 : memref<1x320000xi32, #tpu.memory_space<hbm>> -> memref<320000xi32, #tpu.memory_space<hbm>>
      %dma_wait3A_106 = tpu.memref_slice %dma_wait3A_105[%add3A_18] : memref<320000xi32, #tpu.memory_space<hbm>> -> memref<2000xi32, #tpu.memory_space<hbm>>
      %dma_wait3A_107 = arith.constant 0 : i32
      %dma_wait3A_108 = tpu.memref_slice %arg3[%run_scoped3A_19, %dma_wait3A_107] : memref<2x320000xi32, #tpu.memory_space<hbm>> -> memref<1x320000xi32, #tpu.memory_space<hbm>>
      %dma_wait3A_109 = tpu.memref_squeeze %dma_wait3A_108 : memref<1x320000xi32, #tpu.memory_space<hbm>> -> memref<320000xi32, #tpu.memory_space<hbm>>
      %dma_wait3A_110 = tpu.memref_slice %dma_wait3A_109[%add3A_18] : memref<320000xi32, #tpu.memory_space<hbm>> -> memref<2000xi32, #tpu.memory_space<hbm>>
      tpu.wait_dma2 semaphore(%run_scoped3A_94 : memref<!tpu.dma_semaphore, #tpu.memory_space<semaphore_mem>>) src(%dma_wait3A_110 : memref<2000xi32, #tpu.memory_space<hbm>>) dst(%arg8 : memref<2000xi32, #tpu.memory_space<vmem>>)
      tpu.yield
    }) : () -> ()
    %run_scoped3A_20 = arith.constant 1 : i32
    "tpu.region"() ({
      %run_scoped3A_94 = tpu.sem_alloc : memref<!tpu.dma_semaphore, #tpu.memory_space<semaphore_mem>>
      %dma_start3A_95 = arith.constant 0 : i32
      %dma_start3A_96 = tpu.memref_slice %arg3[%run_scoped3A_20, %dma_start3A_95] : memref<2x320000xi32, #tpu.memory_space<hbm>> -> memref<1x320000xi32, #tpu.memory_space<hbm>>
      %dma_start3A_97 = tpu.memref_squeeze %dma_start3A_96 : memref<1x320000xi32, #tpu.memory_space<hbm>> -> memref<320000xi32, #tpu.memory_space<hbm>>
      %dma_start3A_98 = tpu.memref_slice %dma_start3A_97[%add3A_18] : memref<320000xi32, #tpu.memory_space<hbm>> -> memref<2000xi32, #tpu.memory_space<hbm>>
      %dma_start3A_99 = arith.constant 0 : i32
      %dma_start3A_100 = tpu.memref_slice %arg3[%run_scoped3A_20, %dma_start3A_99] : memref<2x320000xi32, #tpu.memory_space<hbm>> -> memref<1x320000xi32, #tpu.memory_space<hbm>>
      %dma_start3A_101 = tpu.memref_squeeze %dma_start3A_100 : memref<1x320000xi32, #tpu.memory_space<hbm>> -> memref<320000xi32, #tpu.memory_space<hbm>>
      %dma_start3A_102 = tpu.memref_slice %dma_start3A_101[%add3A_18] : memref<320000xi32, #tpu.memory_space<hbm>> -> memref<2000xi32, #tpu.memory_space<hbm>>
      tpu.enqueue_dma source(%dma_start3A_102 : memref<2000xi32, #tpu.memory_space<hbm>>) target(%arg9 : memref<2000xi32, #tpu.memory_space<vmem>>) target_semaphore(%run_scoped3A_94 : memref<!tpu.dma_semaphore, #tpu.memory_space<semaphore_mem>>)
      %dma_wait3A_103 = arith.constant 0 : i32
      %dma_wait3A_104 = tpu.memref_slice %arg3[%run_scoped3A_20, %dma_wait3A_103] : memref<2x320000xi32, #tpu.memory_space<hbm>> -> memref<1x320000xi32, #tpu.memory_space<hbm>>
      %dma_wait3A_105 = tpu.memref_squeeze %dma_wait3A_104 : memref<1x320000xi32, #tpu.memory_space<hbm>> -> memref<320000xi32, #tpu.memory_space<hbm>>
      %dma_wait3A_106 = tpu.memref_slice %dma_wait3A_105[%add3A_18] : memref<320000xi32, #tpu.memory_space<hbm>> -> memref<2000xi32, #tpu.memory_space<hbm>>
      %dma_wait3A_107 = arith.constant 0 : i32
      %dma_wait3A_108 = tpu.memref_slice %arg3[%run_scoped3A_20, %dma_wait3A_107] : memref<2x320000xi32, #tpu.memory_space<hbm>> -> memref<1x320000xi32, #tpu.memory_space<hbm>>
      %dma_wait3A_109 = tpu.memref_squeeze %dma_wait3A_108 : memref<1x320000xi32, #tpu.memory_space<hbm>> -> memref<320000xi32, #tpu.memory_space<hbm>>
      %dma_wait3A_110 = tpu.memref_slice %dma_wait3A_109[%add3A_18] : memref<320000xi32, #tpu.memory_space<hbm>> -> memref<2000xi32, #tpu.memory_space<hbm>>
      tpu.wait_dma2 semaphore(%run_scoped3A_94 : memref<!tpu.dma_semaphore, #tpu.memory_space<semaphore_mem>>) src(%dma_wait3A_110 : memref<2000xi32, #tpu.memory_space<hbm>>) dst(%arg9 : memref<2000xi32, #tpu.memory_space<vmem>>)
      tpu.yield
    }) : () -> ()
    %dma_start3A_21 = arith.constant 0 : i32
    %dma_start3A_22 = arith.constant 0 : i32
    %dma_start3A_23 = tpu.memref_slice %arg2[%dma_start3A_21, %dma_start3A_22] : memref<10000x16xf32, #tpu.memory_space<hbm>> -> memref<10000x16xf32, #tpu.memory_space<hbm>>
    tpu.enqueue_indirect_dma source(%dma_start3A_23 : memref<10000x16xf32, #tpu.memory_space<hbm>>) target(%arg10 : memref<2000x16xf32, #tpu.memory_space<vmem>>) offsets(%arg8 : memref<2000xi32, #tpu.memory_space<vmem>>) semaphore(%arg14 : memref<!tpu.dma_semaphore, #tpu.memory_space<semaphore_mem>>)
    %dma_wait3A = arith.constant 0 : i32
    %dma_wait3A_24 = arith.constant 0 : i32
    %dma_wait3A_25 = tpu.memref_slice %arg2[%dma_wait3A, %dma_wait3A_24] : memref<10000x16xf32, #tpu.memory_space<hbm>> -> memref<10000x16xf32, #tpu.memory_space<hbm>>
    tpu.wait_indirect_dma semaphore(%arg13 : memref<!tpu.dma_semaphore, #tpu.memory_space<semaphore_mem>>) src(%dma_wait3A_25 : memref<10000x16xf32, #tpu.memory_space<hbm>>) dst(%arg7 : memref<2000x16xf32, #tpu.memory_space<vmem>>)
    %dma_start3A_26 = arith.constant 0 : i32
    %dma_start3A_27 = arith.constant 0 : i32
    %dma_start3A_28 = tpu.memref_slice %arg12[%dma_start3A_26, %dma_start3A_27] : memref<10112x16xf32, #tpu.memory_space<vmem_shared>> -> memref<10112x16xf32, #tpu.memory_space<vmem_shared>>
    tpu.enqueue_indirect_dma source(%arg7 : memref<2000x16xf32, #tpu.memory_space<vmem>>) target(%dma_start3A_28 : memref<10112x16xf32, #tpu.memory_space<vmem_shared>>) offsets(%arg6 : memref<2000xi32, #tpu.memory_space<vmem>>) semaphore(%arg15 : memref<!tpu.dma_semaphore, #tpu.memory_space<semaphore_mem>>) {add = true}
    %dma_wait3A_29 = arith.constant 0 : i32
    %dma_wait3A_30 = arith.constant 0 : i32
    %dma_wait3A_31 = tpu.memref_slice %arg12[%dma_wait3A_29, %dma_wait3A_30] : memref<10112x16xf32, #tpu.memory_space<vmem_shared>> -> memref<10112x16xf32, #tpu.memory_space<vmem_shared>>
    tpu.wait_indirect_dma semaphore(%arg15 : memref<!tpu.dma_semaphore, #tpu.memory_space<semaphore_mem>>) src(%arg7 : memref<2000x16xf32, #tpu.memory_space<vmem>>) dst(%dma_wait3A_31 : memref<10112x16xf32, #tpu.memory_space<vmem_shared>>)
    %add3A_32 = arith.constant 4000 : i32
    %add3A_33 = arith.addi %mul3A_11, %add3A_32 : i32
    %run_scoped3A_34 = arith.constant 0 : i32
    "tpu.region"() ({
      %run_scoped3A_94 = tpu.sem_alloc : memref<!tpu.dma_semaphore, #tpu.memory_space<semaphore_mem>>
      %dma_start3A_95 = arith.constant 0 : i32
      %dma_start3A_96 = tpu.memref_slice %arg3[%run_scoped3A_34, %dma_start3A_95] : memref<2x320000xi32, #tpu.memory_space<hbm>> -> memref<1x320000xi32, #tpu.memory_space<hbm>>
      %dma_start3A_97 = tpu.memref_squeeze %dma_start3A_96 : memref<1x320000xi32, #tpu.memory_space<hbm>> -> memref<320000xi32, #tpu.memory_space<hbm>>
      %dma_start3A_98 = tpu.memref_slice %dma_start3A_97[%add3A_33] : memref<320000xi32, #tpu.memory_space<hbm>> -> memref<2000xi32, #tpu.memory_space<hbm>>
      %dma_start3A_99 = arith.constant 0 : i32
      %dma_start3A_100 = tpu.memref_slice %arg3[%run_scoped3A_34, %dma_start3A_99] : memref<2x320000xi32, #tpu.memory_space<hbm>> -> memref<1x320000xi32, #tpu.memory_space<hbm>>
      %dma_start3A_101 = tpu.memref_squeeze %dma_start3A_100 : memref<1x320000xi32, #tpu.memory_space<hbm>> -> memref<320000xi32, #tpu.memory_space<hbm>>
      %dma_start3A_102 = tpu.memref_slice %dma_start3A_101[%add3A_33] : memref<320000xi32, #tpu.memory_space<hbm>> -> memref<2000xi32, #tpu.memory_space<hbm>>
      tpu.enqueue_dma source(%dma_start3A_102 : memref<2000xi32, #tpu.memory_space<hbm>>) target(%arg5 : memref<2000xi32, #tpu.memory_space<vmem>>) target_semaphore(%run_scoped3A_94 : memref<!tpu.dma_semaphore, #tpu.memory_space<semaphore_mem>>)
      %dma_wait3A_103 = arith.constant 0 : i32
      %dma_wait3A_104 = tpu.memref_slice %arg3[%run_scoped3A_34, %dma_wait3A_103] : memref<2x320000xi32, #tpu.memory_space<hbm>> -> memref<1x320000xi32, #tpu.memory_space<hbm>>
      %dma_wait3A_105 = tpu.memref_squeeze %dma_wait3A_104 : memref<1x320000xi32, #tpu.memory_space<hbm>> -> memref<320000xi32, #tpu.memory_space<hbm>>
      %dma_wait3A_106 = tpu.memref_slice %dma_wait3A_105[%add3A_33] : memref<320000xi32, #tpu.memory_space<hbm>> -> memref<2000xi32, #tpu.memory_space<hbm>>
      %dma_wait3A_107 = arith.constant 0 : i32
      %dma_wait3A_108 = tpu.memref_slice %arg3[%run_scoped3A_34, %dma_wait3A_107] : memref<2x320000xi32, #tpu.memory_space<hbm>> -> memref<1x320000xi32, #tpu.memory_space<hbm>>
      %dma_wait3A_109 = tpu.memref_squeeze %dma_wait3A_108 : memref<1x320000xi32, #tpu.memory_space<hbm>> -> memref<320000xi32, #tpu.memory_space<hbm>>
      %dma_wait3A_110 = tpu.memref_slice %dma_wait3A_109[%add3A_33] : memref<320000xi32, #tpu.memory_space<hbm>> -> memref<2000xi32, #tpu.memory_space<hbm>>
      tpu.wait_dma2 semaphore(%run_scoped3A_94 : memref<!tpu.dma_semaphore, #tpu.memory_space<semaphore_mem>>) src(%dma_wait3A_110 : memref<2000xi32, #tpu.memory_space<hbm>>) dst(%arg5 : memref<2000xi32, #tpu.memory_space<vmem>>)
      tpu.yield
    }) : () -> ()
    %run_scoped3A_35 = arith.constant 1 : i32
    "tpu.region"() ({
      %run_scoped3A_94 = tpu.sem_alloc : memref<!tpu.dma_semaphore, #tpu.memory_space<semaphore_mem>>
      %dma_start3A_95 = arith.constant 0 : i32
      %dma_start3A_96 = tpu.memref_slice %arg3[%run_scoped3A_35, %dma_start3A_95] : memref<2x320000xi32, #tpu.memory_space<hbm>> -> memref<1x320000xi32, #tpu.memory_space<hbm>>
      %dma_start3A_97 = tpu.memref_squeeze %dma_start3A_96 : memref<1x320000xi32, #tpu.memory_space<hbm>> -> memref<320000xi32, #tpu.memory_space<hbm>>
      %dma_start3A_98 = tpu.memref_slice %dma_start3A_97[%add3A_33] : memref<320000xi32, #tpu.memory_space<hbm>> -> memref<2000xi32, #tpu.memory_space<hbm>>
      %dma_start3A_99 = arith.constant 0 : i32
      %dma_start3A_100 = tpu.memref_slice %arg3[%run_scoped3A_35, %dma_start3A_99] : memref<2x320000xi32, #tpu.memory_space<hbm>> -> memref<1x320000xi32, #tpu.memory_space<hbm>>
      %dma_start3A_101 = tpu.memref_squeeze %dma_start3A_100 : memref<1x320000xi32, #tpu.memory_space<hbm>> -> memref<320000xi32, #tpu.memory_space<hbm>>
      %dma_start3A_102 = tpu.memref_slice %dma_start3A_101[%add3A_33] : memref<320000xi32, #tpu.memory_space<hbm>> -> memref<2000xi32, #tpu.memory_space<hbm>>
      tpu.enqueue_dma source(%dma_start3A_102 : memref<2000xi32, #tpu.memory_space<hbm>>) target(%arg6 : memref<2000xi32, #tpu.memory_space<vmem>>) target_semaphore(%run_scoped3A_94 : memref<!tpu.dma_semaphore, #tpu.memory_space<semaphore_mem>>)
      %dma_wait3A_103 = arith.constant 0 : i32
      %dma_wait3A_104 = tpu.memref_slice %arg3[%run_scoped3A_35, %dma_wait3A_103] : memref<2x320000xi32, #tpu.memory_space<hbm>> -> memref<1x320000xi32, #tpu.memory_space<hbm>>
      %dma_wait3A_105 = tpu.memref_squeeze %dma_wait3A_104 : memref<1x320000xi32, #tpu.memory_space<hbm>> -> memref<320000xi32, #tpu.memory_space<hbm>>
      %dma_wait3A_106 = tpu.memref_slice %dma_wait3A_105[%add3A_33] : memref<320000xi32, #tpu.memory_space<hbm>> -> memref<2000xi32, #tpu.memory_space<hbm>>
      %dma_wait3A_107 = arith.constant 0 : i32
      %dma_wait3A_108 = tpu.memref_slice %arg3[%run_scoped3A_35, %dma_wait3A_107] : memref<2x320000xi32, #tpu.memory_space<hbm>> -> memref<1x320000xi32, #tpu.memory_space<hbm>>
      %dma_wait3A_109 = tpu.memref_squeeze %dma_wait3A_108 : memref<1x320000xi32, #tpu.memory_space<hbm>> -> memref<320000xi32, #tpu.memory_space<hbm>>
      %dma_wait3A_110 = tpu.memref_slice %dma_wait3A_109[%add3A_33] : memref<320000xi32, #tpu.memory_space<hbm>> -> memref<2000xi32, #tpu.memory_space<hbm>>
      tpu.wait_dma2 semaphore(%run_scoped3A_94 : memref<!tpu.dma_semaphore, #tpu.memory_space<semaphore_mem>>) src(%dma_wait3A_110 : memref<2000xi32, #tpu.memory_space<hbm>>) dst(%arg6 : memref<2000xi32, #tpu.memory_space<vmem>>)
      tpu.yield
    }) : () -> ()
    %dma_start3A_36 = arith.constant 0 : i32
    %dma_start3A_37 = arith.constant 0 : i32
    %dma_start3A_38 = tpu.memref_slice %arg2[%dma_start3A_36, %dma_start3A_37] : memref<10000x16xf32, #tpu.memory_space<hbm>> -> memref<10000x16xf32, #tpu.memory_space<hbm>>
    tpu.enqueue_indirect_dma source(%dma_start3A_38 : memref<10000x16xf32, #tpu.memory_space<hbm>>) target(%arg7 : memref<2000x16xf32, #tpu.memory_space<vmem>>) offsets(%arg5 : memref<2000xi32, #tpu.memory_space<vmem>>) semaphore(%arg13 : memref<!tpu.dma_semaphore, #tpu.memory_space<semaphore_mem>>)
    %dma_wait3A_39 = arith.constant 0 : i32
    %dma_wait3A_40 = arith.constant 0 : i32
    %dma_wait3A_41 = tpu.memref_slice %arg2[%dma_wait3A_39, %dma_wait3A_40] : memref<10000x16xf32, #tpu.memory_space<hbm>> -> memref<10000x16xf32, #tpu.memory_space<hbm>>
    tpu.wait_indirect_dma semaphore(%arg14 : memref<!tpu.dma_semaphore, #tpu.memory_space<semaphore_mem>>) src(%dma_wait3A_41 : memref<10000x16xf32, #tpu.memory_space<hbm>>) dst(%arg10 : memref<2000x16xf32, #tpu.memory_space<vmem>>)
    %dma_start3A_42 = arith.constant 0 : i32
    %dma_start3A_43 = arith.constant 0 : i32
    %dma_start3A_44 = tpu.memref_slice %arg12[%dma_start3A_42, %dma_start3A_43] : memref<10112x16xf32, #tpu.memory_space<vmem_shared>> -> memref<10112x16xf32, #tpu.memory_space<vmem_shared>>
    tpu.enqueue_indirect_dma source(%arg10 : memref<2000x16xf32, #tpu.memory_space<vmem>>) target(%dma_start3A_44 : memref<10112x16xf32, #tpu.memory_space<vmem_shared>>) offsets(%arg9 : memref<2000xi32, #tpu.memory_space<vmem>>) semaphore(%arg16 : memref<!tpu.dma_semaphore, #tpu.memory_space<semaphore_mem>>) {add = true}
    %dma_wait3A_45 = arith.constant 0 : i32
    %dma_wait3A_46 = arith.constant 0 : i32
    %dma_wait3A_47 = tpu.memref_slice %arg12[%dma_wait3A_45, %dma_wait3A_46] : memref<10112x16xf32, #tpu.memory_space<vmem_shared>> -> memref<10112x16xf32, #tpu.memory_space<vmem_shared>>
    tpu.wait_indirect_dma semaphore(%arg16 : memref<!tpu.dma_semaphore, #tpu.memory_space<semaphore_mem>>) src(%arg10 : memref<2000x16xf32, #tpu.memory_space<vmem>>) dst(%dma_wait3A_47 : memref<10112x16xf32, #tpu.memory_space<vmem_shared>>)
    %add3A_48 = arith.constant 6000 : i32
    %add3A_49 = arith.addi %mul3A_11, %add3A_48 : i32
    %run_scoped3A_50 = arith.constant 0 : i32
    "tpu.region"() ({
      %run_scoped3A_94 = tpu.sem_alloc : memref<!tpu.dma_semaphore, #tpu.memory_space<semaphore_mem>>
      %dma_start3A_95 = arith.constant 0 : i32
      %dma_start3A_96 = tpu.memref_slice %arg3[%run_scoped3A_50, %dma_start3A_95] : memref<2x320000xi32, #tpu.memory_space<hbm>> -> memref<1x320000xi32, #tpu.memory_space<hbm>>
      %dma_start3A_97 = tpu.memref_squeeze %dma_start3A_96 : memref<1x320000xi32, #tpu.memory_space<hbm>> -> memref<320000xi32, #tpu.memory_space<hbm>>
      %dma_start3A_98 = tpu.memref_slice %dma_start3A_97[%add3A_49] : memref<320000xi32, #tpu.memory_space<hbm>> -> memref<2000xi32, #tpu.memory_space<hbm>>
      %dma_start3A_99 = arith.constant 0 : i32
      %dma_start3A_100 = tpu.memref_slice %arg3[%run_scoped3A_50, %dma_start3A_99] : memref<2x320000xi32, #tpu.memory_space<hbm>> -> memref<1x320000xi32, #tpu.memory_space<hbm>>
      %dma_start3A_101 = tpu.memref_squeeze %dma_start3A_100 : memref<1x320000xi32, #tpu.memory_space<hbm>> -> memref<320000xi32, #tpu.memory_space<hbm>>
      %dma_start3A_102 = tpu.memref_slice %dma_start3A_101[%add3A_49] : memref<320000xi32, #tpu.memory_space<hbm>> -> memref<2000xi32, #tpu.memory_space<hbm>>
      tpu.enqueue_dma source(%dma_start3A_102 : memref<2000xi32, #tpu.memory_space<hbm>>) target(%arg8 : memref<2000xi32, #tpu.memory_space<vmem>>) target_semaphore(%run_scoped3A_94 : memref<!tpu.dma_semaphore, #tpu.memory_space<semaphore_mem>>)
      %dma_wait3A_103 = arith.constant 0 : i32
      %dma_wait3A_104 = tpu.memref_slice %arg3[%run_scoped3A_50, %dma_wait3A_103] : memref<2x320000xi32, #tpu.memory_space<hbm>> -> memref<1x320000xi32, #tpu.memory_space<hbm>>
      %dma_wait3A_105 = tpu.memref_squeeze %dma_wait3A_104 : memref<1x320000xi32, #tpu.memory_space<hbm>> -> memref<320000xi32, #tpu.memory_space<hbm>>
      %dma_wait3A_106 = tpu.memref_slice %dma_wait3A_105[%add3A_49] : memref<320000xi32, #tpu.memory_space<hbm>> -> memref<2000xi32, #tpu.memory_space<hbm>>
      %dma_wait3A_107 = arith.constant 0 : i32
      %dma_wait3A_108 = tpu.memref_slice %arg3[%run_scoped3A_50, %dma_wait3A_107] : memref<2x320000xi32, #tpu.memory_space<hbm>> -> memref<1x320000xi32, #tpu.memory_space<hbm>>
      %dma_wait3A_109 = tpu.memref_squeeze %dma_wait3A_108 : memref<1x320000xi32, #tpu.memory_space<hbm>> -> memref<320000xi32, #tpu.memory_space<hbm>>
      %dma_wait3A_110 = tpu.memref_slice %dma_wait3A_109[%add3A_49] : memref<320000xi32, #tpu.memory_space<hbm>> -> memref<2000xi32, #tpu.memory_space<hbm>>
      tpu.wait_dma2 semaphore(%run_scoped3A_94 : memref<!tpu.dma_semaphore, #tpu.memory_space<semaphore_mem>>) src(%dma_wait3A_110 : memref<2000xi32, #tpu.memory_space<hbm>>) dst(%arg8 : memref<2000xi32, #tpu.memory_space<vmem>>)
      tpu.yield
    }) : () -> ()
    %run_scoped3A_51 = arith.constant 1 : i32
    "tpu.region"() ({
      %run_scoped3A_94 = tpu.sem_alloc : memref<!tpu.dma_semaphore, #tpu.memory_space<semaphore_mem>>
      %dma_start3A_95 = arith.constant 0 : i32
      %dma_start3A_96 = tpu.memref_slice %arg3[%run_scoped3A_51, %dma_start3A_95] : memref<2x320000xi32, #tpu.memory_space<hbm>> -> memref<1x320000xi32, #tpu.memory_space<hbm>>
      %dma_start3A_97 = tpu.memref_squeeze %dma_start3A_96 : memref<1x320000xi32, #tpu.memory_space<hbm>> -> memref<320000xi32, #tpu.memory_space<hbm>>
      %dma_start3A_98 = tpu.memref_slice %dma_start3A_97[%add3A_49] : memref<320000xi32, #tpu.memory_space<hbm>> -> memref<2000xi32, #tpu.memory_space<hbm>>
      %dma_start3A_99 = arith.constant 0 : i32
      %dma_start3A_100 = tpu.memref_slice %arg3[%run_scoped3A_51, %dma_start3A_99] : memref<2x320000xi32, #tpu.memory_space<hbm>> -> memref<1x320000xi32, #tpu.memory_space<hbm>>
      %dma_start3A_101 = tpu.memref_squeeze %dma_start3A_100 : memref<1x320000xi32, #tpu.memory_space<hbm>> -> memref<320000xi32, #tpu.memory_space<hbm>>
      %dma_start3A_102 = tpu.memref_slice %dma_start3A_101[%add3A_49] : memref<320000xi32, #tpu.memory_space<hbm>> -> memref<2000xi32, #tpu.memory_space<hbm>>
      tpu.enqueue_dma source(%dma_start3A_102 : memref<2000xi32, #tpu.memory_space<hbm>>) target(%arg9 : memref<2000xi32, #tpu.memory_space<vmem>>) target_semaphore(%run_scoped3A_94 : memref<!tpu.dma_semaphore, #tpu.memory_space<semaphore_mem>>)
      %dma_wait3A_103 = arith.constant 0 : i32
      %dma_wait3A_104 = tpu.memref_slice %arg3[%run_scoped3A_51, %dma_wait3A_103] : memref<2x320000xi32, #tpu.memory_space<hbm>> -> memref<1x320000xi32, #tpu.memory_space<hbm>>
      %dma_wait3A_105 = tpu.memref_squeeze %dma_wait3A_104 : memref<1x320000xi32, #tpu.memory_space<hbm>> -> memref<320000xi32, #tpu.memory_space<hbm>>
      %dma_wait3A_106 = tpu.memref_slice %dma_wait3A_105[%add3A_49] : memref<320000xi32, #tpu.memory_space<hbm>> -> memref<2000xi32, #tpu.memory_space<hbm>>
      %dma_wait3A_107 = arith.constant 0 : i32
      %dma_wait3A_108 = tpu.memref_slice %arg3[%run_scoped3A_51, %dma_wait3A_107] : memref<2x320000xi32, #tpu.memory_space<hbm>> -> memref<1x320000xi32, #tpu.memory_space<hbm>>
      %dma_wait3A_109 = tpu.memref_squeeze %dma_wait3A_108 : memref<1x320000xi32, #tpu.memory_space<hbm>> -> memref<320000xi32, #tpu.memory_space<hbm>>
      %dma_wait3A_110 = tpu.memref_slice %dma_wait3A_109[%add3A_49] : memref<320000xi32, #tpu.memory_space<hbm>> -> memref<2000xi32, #tpu.memory_space<hbm>>
      tpu.wait_dma2 semaphore(%run_scoped3A_94 : memref<!tpu.dma_semaphore, #tpu.memory_space<semaphore_mem>>) src(%dma_wait3A_110 : memref<2000xi32, #tpu.memory_space<hbm>>) dst(%arg9 : memref<2000xi32, #tpu.memory_space<vmem>>)
      tpu.yield
    }) : () -> ()
    %dma_start3A_52 = arith.constant 0 : i32
    %dma_start3A_53 = arith.constant 0 : i32
    %dma_start3A_54 = tpu.memref_slice %arg2[%dma_start3A_52, %dma_start3A_53] : memref<10000x16xf32, #tpu.memory_space<hbm>> -> memref<10000x16xf32, #tpu.memory_space<hbm>>
    tpu.enqueue_indirect_dma source(%dma_start3A_54 : memref<10000x16xf32, #tpu.memory_space<hbm>>) target(%arg10 : memref<2000x16xf32, #tpu.memory_space<vmem>>) offsets(%arg8 : memref<2000xi32, #tpu.memory_space<vmem>>) semaphore(%arg14 : memref<!tpu.dma_semaphore, #tpu.memory_space<semaphore_mem>>)
    %dma_wait3A_55 = arith.constant 0 : i32
    %dma_wait3A_56 = arith.constant 0 : i32
    %dma_wait3A_57 = tpu.memref_slice %arg2[%dma_wait3A_55, %dma_wait3A_56] : memref<10000x16xf32, #tpu.memory_space<hbm>> -> memref<10000x16xf32, #tpu.memory_space<hbm>>
    tpu.wait_indirect_dma semaphore(%arg13 : memref<!tpu.dma_semaphore, #tpu.memory_space<semaphore_mem>>) src(%dma_wait3A_57 : memref<10000x16xf32, #tpu.memory_space<hbm>>) dst(%arg7 : memref<2000x16xf32, #tpu.memory_space<vmem>>)
    %dma_start3A_58 = arith.constant 0 : i32
    %dma_start3A_59 = arith.constant 0 : i32
    %dma_start3A_60 = tpu.memref_slice %arg12[%dma_start3A_58, %dma_start3A_59] : memref<10112x16xf32, #tpu.memory_space<vmem_shared>> -> memref<10112x16xf32, #tpu.memory_space<vmem_shared>>
    tpu.enqueue_indirect_dma source(%arg7 : memref<2000x16xf32, #tpu.memory_space<vmem>>) target(%dma_start3A_60 : memref<10112x16xf32, #tpu.memory_space<vmem_shared>>) offsets(%arg6 : memref<2000xi32, #tpu.memory_space<vmem>>) semaphore(%arg15 : memref<!tpu.dma_semaphore, #tpu.memory_space<semaphore_mem>>) {add = true}
    %dma_wait3A_61 = arith.constant 0 : i32
    %dma_wait3A_62 = arith.constant 0 : i32
    %dma_wait3A_63 = tpu.memref_slice %arg12[%dma_wait3A_61, %dma_wait3A_62] : memref<10112x16xf32, #tpu.memory_space<vmem_shared>> -> memref<10112x16xf32, #tpu.memory_space<vmem_shared>>
    tpu.wait_indirect_dma semaphore(%arg15 : memref<!tpu.dma_semaphore, #tpu.memory_space<semaphore_mem>>) src(%arg7 : memref<2000x16xf32, #tpu.memory_space<vmem>>) dst(%dma_wait3A_63 : memref<10112x16xf32, #tpu.memory_space<vmem_shared>>)
    %add3A_64 = arith.constant 8000 : i32
    %add3A_65 = arith.addi %mul3A_11, %add3A_64 : i32
    %run_scoped3A_66 = arith.constant 0 : i32
    "tpu.region"() ({
      %run_scoped3A_94 = tpu.sem_alloc : memref<!tpu.dma_semaphore, #tpu.memory_space<semaphore_mem>>
      %dma_start3A_95 = arith.constant 0 : i32
      %dma_start3A_96 = tpu.memref_slice %arg3[%run_scoped3A_66, %dma_start3A_95] : memref<2x320000xi32, #tpu.memory_space<hbm>> -> memref<1x320000xi32, #tpu.memory_space<hbm>>
      %dma_start3A_97 = tpu.memref_squeeze %dma_start3A_96 : memref<1x320000xi32, #tpu.memory_space<hbm>> -> memref<320000xi32, #tpu.memory_space<hbm>>
      %dma_start3A_98 = tpu.memref_slice %dma_start3A_97[%add3A_65] : memref<320000xi32, #tpu.memory_space<hbm>> -> memref<2000xi32, #tpu.memory_space<hbm>>
      %dma_start3A_99 = arith.constant 0 : i32
      %dma_start3A_100 = tpu.memref_slice %arg3[%run_scoped3A_66, %dma_start3A_99] : memref<2x320000xi32, #tpu.memory_space<hbm>> -> memref<1x320000xi32, #tpu.memory_space<hbm>>
      %dma_start3A_101 = tpu.memref_squeeze %dma_start3A_100 : memref<1x320000xi32, #tpu.memory_space<hbm>> -> memref<320000xi32, #tpu.memory_space<hbm>>
      %dma_start3A_102 = tpu.memref_slice %dma_start3A_101[%add3A_65] : memref<320000xi32, #tpu.memory_space<hbm>> -> memref<2000xi32, #tpu.memory_space<hbm>>
      tpu.enqueue_dma source(%dma_start3A_102 : memref<2000xi32, #tpu.memory_space<hbm>>) target(%arg5 : memref<2000xi32, #tpu.memory_space<vmem>>) target_semaphore(%run_scoped3A_94 : memref<!tpu.dma_semaphore, #tpu.memory_space<semaphore_mem>>)
      %dma_wait3A_103 = arith.constant 0 : i32
      %dma_wait3A_104 = tpu.memref_slice %arg3[%run_scoped3A_66, %dma_wait3A_103] : memref<2x320000xi32, #tpu.memory_space<hbm>> -> memref<1x320000xi32, #tpu.memory_space<hbm>>
      %dma_wait3A_105 = tpu.memref_squeeze %dma_wait3A_104 : memref<1x320000xi32, #tpu.memory_space<hbm>> -> memref<320000xi32, #tpu.memory_space<hbm>>
      %dma_wait3A_106 = tpu.memref_slice %dma_wait3A_105[%add3A_65] : memref<320000xi32, #tpu.memory_space<hbm>> -> memref<2000xi32, #tpu.memory_space<hbm>>
      %dma_wait3A_107 = arith.constant 0 : i32
      %dma_wait3A_108 = tpu.memref_slice %arg3[%run_scoped3A_66, %dma_wait3A_107] : memref<2x320000xi32, #tpu.memory_space<hbm>> -> memref<1x320000xi32, #tpu.memory_space<hbm>>
      %dma_wait3A_109 = tpu.memref_squeeze %dma_wait3A_108 : memref<1x320000xi32, #tpu.memory_space<hbm>> -> memref<320000xi32, #tpu.memory_space<hbm>>
      %dma_wait3A_110 = tpu.memref_slice %dma_wait3A_109[%add3A_65] : memref<320000xi32, #tpu.memory_space<hbm>> -> memref<2000xi32, #tpu.memory_space<hbm>>
      tpu.wait_dma2 semaphore(%run_scoped3A_94 : memref<!tpu.dma_semaphore, #tpu.memory_space<semaphore_mem>>) src(%dma_wait3A_110 : memref<2000xi32, #tpu.memory_space<hbm>>) dst(%arg5 : memref<2000xi32, #tpu.memory_space<vmem>>)
      tpu.yield
    }) : () -> ()
    %run_scoped3A_67 = arith.constant 1 : i32
    "tpu.region"() ({
      %run_scoped3A_94 = tpu.sem_alloc : memref<!tpu.dma_semaphore, #tpu.memory_space<semaphore_mem>>
      %dma_start3A_95 = arith.constant 0 : i32
      %dma_start3A_96 = tpu.memref_slice %arg3[%run_scoped3A_67, %dma_start3A_95] : memref<2x320000xi32, #tpu.memory_space<hbm>> -> memref<1x320000xi32, #tpu.memory_space<hbm>>
      %dma_start3A_97 = tpu.memref_squeeze %dma_start3A_96 : memref<1x320000xi32, #tpu.memory_space<hbm>> -> memref<320000xi32, #tpu.memory_space<hbm>>
      %dma_start3A_98 = tpu.memref_slice %dma_start3A_97[%add3A_65] : memref<320000xi32, #tpu.memory_space<hbm>> -> memref<2000xi32, #tpu.memory_space<hbm>>
      %dma_start3A_99 = arith.constant 0 : i32
      %dma_start3A_100 = tpu.memref_slice %arg3[%run_scoped3A_67, %dma_start3A_99] : memref<2x320000xi32, #tpu.memory_space<hbm>> -> memref<1x320000xi32, #tpu.memory_space<hbm>>
      %dma_start3A_101 = tpu.memref_squeeze %dma_start3A_100 : memref<1x320000xi32, #tpu.memory_space<hbm>> -> memref<320000xi32, #tpu.memory_space<hbm>>
      %dma_start3A_102 = tpu.memref_slice %dma_start3A_101[%add3A_65] : memref<320000xi32, #tpu.memory_space<hbm>> -> memref<2000xi32, #tpu.memory_space<hbm>>
      tpu.enqueue_dma source(%dma_start3A_102 : memref<2000xi32, #tpu.memory_space<hbm>>) target(%arg6 : memref<2000xi32, #tpu.memory_space<vmem>>) target_semaphore(%run_scoped3A_94 : memref<!tpu.dma_semaphore, #tpu.memory_space<semaphore_mem>>)
      %dma_wait3A_103 = arith.constant 0 : i32
      %dma_wait3A_104 = tpu.memref_slice %arg3[%run_scoped3A_67, %dma_wait3A_103] : memref<2x320000xi32, #tpu.memory_space<hbm>> -> memref<1x320000xi32, #tpu.memory_space<hbm>>
      %dma_wait3A_105 = tpu.memref_squeeze %dma_wait3A_104 : memref<1x320000xi32, #tpu.memory_space<hbm>> -> memref<320000xi32, #tpu.memory_space<hbm>>
      %dma_wait3A_106 = tpu.memref_slice %dma_wait3A_105[%add3A_65] : memref<320000xi32, #tpu.memory_space<hbm>> -> memref<2000xi32, #tpu.memory_space<hbm>>
      %dma_wait3A_107 = arith.constant 0 : i32
      %dma_wait3A_108 = tpu.memref_slice %arg3[%run_scoped3A_67, %dma_wait3A_107] : memref<2x320000xi32, #tpu.memory_space<hbm>> -> memref<1x320000xi32, #tpu.memory_space<hbm>>
      %dma_wait3A_109 = tpu.memref_squeeze %dma_wait3A_108 : memref<1x320000xi32, #tpu.memory_space<hbm>> -> memref<320000xi32, #tpu.memory_space<hbm>>
      %dma_wait3A_110 = tpu.memref_slice %dma_wait3A_109[%add3A_65] : memref<320000xi32, #tpu.memory_space<hbm>> -> memref<2000xi32, #tpu.memory_space<hbm>>
      tpu.wait_dma2 semaphore(%run_scoped3A_94 : memref<!tpu.dma_semaphore, #tpu.memory_space<semaphore_mem>>) src(%dma_wait3A_110 : memref<2000xi32, #tpu.memory_space<hbm>>) dst(%arg6 : memref<2000xi32, #tpu.memory_space<vmem>>)
      tpu.yield
    }) : () -> ()
    %dma_start3A_68 = arith.constant 0 : i32
    %dma_start3A_69 = arith.constant 0 : i32
    %dma_start3A_70 = tpu.memref_slice %arg2[%dma_start3A_68, %dma_start3A_69] : memref<10000x16xf32, #tpu.memory_space<hbm>> -> memref<10000x16xf32, #tpu.memory_space<hbm>>
    tpu.enqueue_indirect_dma source(%dma_start3A_70 : memref<10000x16xf32, #tpu.memory_space<hbm>>) target(%arg7 : memref<2000x16xf32, #tpu.memory_space<vmem>>) offsets(%arg5 : memref<2000xi32, #tpu.memory_space<vmem>>) semaphore(%arg13 : memref<!tpu.dma_semaphore, #tpu.memory_space<semaphore_mem>>)
    %dma_wait3A_71 = arith.constant 0 : i32
    %dma_wait3A_72 = arith.constant 0 : i32
    %dma_wait3A_73 = tpu.memref_slice %arg2[%dma_wait3A_71, %dma_wait3A_72] : memref<10000x16xf32, #tpu.memory_space<hbm>> -> memref<10000x16xf32, #tpu.memory_space<hbm>>
    tpu.wait_indirect_dma semaphore(%arg14 : memref<!tpu.dma_semaphore, #tpu.memory_space<semaphore_mem>>) src(%dma_wait3A_73 : memref<10000x16xf32, #tpu.memory_space<hbm>>) dst(%arg10 : memref<2000x16xf32, #tpu.memory_space<vmem>>)
    %dma_start3A_74 = arith.constant 0 : i32
    %dma_start3A_75 = arith.constant 0 : i32
    %dma_start3A_76 = tpu.memref_slice %arg12[%dma_start3A_74, %dma_start3A_75] : memref<10112x16xf32, #tpu.memory_space<vmem_shared>> -> memref<10112x16xf32, #tpu.memory_space<vmem_shared>>
    tpu.enqueue_indirect_dma source(%arg10 : memref<2000x16xf32, #tpu.memory_space<vmem>>) target(%dma_start3A_76 : memref<10112x16xf32, #tpu.memory_space<vmem_shared>>) offsets(%arg9 : memref<2000xi32, #tpu.memory_space<vmem>>) semaphore(%arg16 : memref<!tpu.dma_semaphore, #tpu.memory_space<semaphore_mem>>) {add = true}
    %dma_wait3A_77 = arith.constant 0 : i32
    %dma_wait3A_78 = arith.constant 0 : i32
    %dma_wait3A_79 = tpu.memref_slice %arg2[%dma_wait3A_77, %dma_wait3A_78] : memref<10000x16xf32, #tpu.memory_space<hbm>> -> memref<10000x16xf32, #tpu.memory_space<hbm>>
    tpu.wait_indirect_dma semaphore(%arg13 : memref<!tpu.dma_semaphore, #tpu.memory_space<semaphore_mem>>) src(%dma_wait3A_79 : memref<10000x16xf32, #tpu.memory_space<hbm>>) dst(%arg7 : memref<2000x16xf32, #tpu.memory_space<vmem>>)
    %dma_start3A_80 = arith.constant 0 : i32
    %dma_start3A_81 = arith.constant 0 : i32
    %dma_start3A_82 = tpu.memref_slice %arg12[%dma_start3A_80, %dma_start3A_81] : memref<10112x16xf32, #tpu.memory_space<vmem_shared>> -> memref<10112x16xf32, #tpu.memory_space<vmem_shared>>
    tpu.enqueue_indirect_dma source(%arg7 : memref<2000x16xf32, #tpu.memory_space<vmem>>) target(%dma_start3A_82 : memref<10112x16xf32, #tpu.memory_space<vmem_shared>>) offsets(%arg6 : memref<2000xi32, #tpu.memory_space<vmem>>) semaphore(%arg15 : memref<!tpu.dma_semaphore, #tpu.memory_space<semaphore_mem>>) {add = true}
    %dma_wait3A_83 = arith.constant 0 : i32
    %dma_wait3A_84 = arith.constant 0 : i32
    %dma_wait3A_85 = tpu.memref_slice %arg12[%dma_wait3A_83, %dma_wait3A_84] : memref<10112x16xf32, #tpu.memory_space<vmem_shared>> -> memref<10112x16xf32, #tpu.memory_space<vmem_shared>>
    tpu.wait_indirect_dma semaphore(%arg16 : memref<!tpu.dma_semaphore, #tpu.memory_space<semaphore_mem>>) src(%arg10 : memref<2000x16xf32, #tpu.memory_space<vmem>>) dst(%dma_wait3A_85 : memref<10112x16xf32, #tpu.memory_space<vmem_shared>>)
    %dma_wait3A_86 = arith.constant 0 : i32
    %dma_wait3A_87 = arith.constant 0 : i32
    %dma_wait3A_88 = tpu.memref_slice %arg12[%dma_wait3A_86, %dma_wait3A_87] : memref<10112x16xf32, #tpu.memory_space<vmem_shared>> -> memref<10112x16xf32, #tpu.memory_space<vmem_shared>>
    tpu.wait_indirect_dma semaphore(%arg15 : memref<!tpu.dma_semaphore, #tpu.memory_space<semaphore_mem>>) src(%arg7 : memref<2000x16xf32, #tpu.memory_space<vmem>>) dst(%dma_wait3A_88 : memref<10112x16xf32, #tpu.memory_space<vmem_shared>>)
    %barrier3A_89 = arith.constant 0 : index
    tpu.barrier barrier_id(%barrier3A_89)
    %mul3A_90 = arith.constant 632 : i32
    %mul3A_91 = arith.muli %arg1, %mul3A_90 : i32
    "tpu.region"() ({
      %run_scoped3A_94 = tpu.sem_alloc : memref<!tpu.dma_semaphore, #tpu.memory_space<semaphore_mem>>
      %dma_start3A_95 = arith.constant 0 : i32
      %dma_start3A_96 = tpu.memref_slice %arg12[%mul3A_91, %dma_start3A_95] : memref<10112x16xf32, #tpu.memory_space<vmem_shared>> -> memref<632x16xf32, #tpu.memory_space<vmem_shared>>
      %dma_start3A_97 = arith.constant 0 : i32
      %dma_start3A_98 = tpu.memref_slice %arg12[%mul3A_91, %dma_start3A_97] : memref<10112x16xf32, #tpu.memory_space<vmem_shared>> -> memref<632x16xf32, #tpu.memory_space<vmem_shared>>
      tpu.enqueue_dma source(%dma_start3A_98 : memref<632x16xf32, #tpu.memory_space<vmem_shared>>) target(%arg11 : memref<632x16xf32, #tpu.memory_space<vmem>>) target_semaphore(%run_scoped3A_94 : memref<!tpu.dma_semaphore, #tpu.memory_space<semaphore_mem>>)
      %dma_wait3A_99 = arith.constant 0 : i32
      %dma_wait3A_100 = tpu.memref_slice %arg12[%mul3A_91, %dma_wait3A_99] : memref<10112x16xf32, #tpu.memory_space<vmem_shared>> -> memref<632x16xf32, #tpu.memory_space<vmem_shared>>
      %dma_wait3A_101 = arith.constant 0 : i32
      %dma_wait3A_102 = tpu.memref_slice %arg12[%mul3A_91, %dma_wait3A_101] : memref<10112x16xf32, #tpu.memory_space<vmem_shared>> -> memref<632x16xf32, #tpu.memory_space<vmem_shared>>
      tpu.wait_dma2 semaphore(%run_scoped3A_94 : memref<!tpu.dma_semaphore, #tpu.memory_space<semaphore_mem>>) src(%dma_wait3A_102 : memref<632x16xf32, #tpu.memory_space<vmem_shared>>) dst(%arg11 : memref<632x16xf32, #tpu.memory_space<vmem>>)
      tpu.yield
    }) : () -> ()
    %mul3A_92 = arith.constant 632 : i32
    %mul3A_93 = arith.muli %arg1, %mul3A_92 : i32
    "tpu.region"() ({
      %run_scoped3A_94 = tpu.sem_alloc : memref<!tpu.dma_semaphore, #tpu.memory_space<semaphore_mem>>
      %dma_start3A_95 = arith.constant 0 : i32
      %dma_start3A_96 = arith.constant 0 : i32
      %dma_start3A_97 = tpu.memref_slice %arg4[%arg0, %dma_start3A_95, %dma_start3A_96] : memref<2x10112x16xf32, #tpu.memory_space<hbm>> -> memref<1x10112x16xf32, #tpu.memory_space<hbm>>
      %dma_start3A_98 = tpu.memref_squeeze %dma_start3A_97 : memref<1x10112x16xf32, #tpu.memory_space<hbm>> -> memref<10112x16xf32, #tpu.memory_space<hbm>>
      %dma_start3A_99 = arith.constant 0 : i32
      %dma_start3A_100 = tpu.memref_slice %dma_start3A_98[%mul3A_93, %dma_start3A_99] : memref<10112x16xf32, #tpu.memory_space<hbm>> -> memref<632x16xf32, #tpu.memory_space<hbm>>
      %dma_start3A_101 = arith.constant 0 : i32
      %dma_start3A_102 = arith.constant 0 : i32
      %dma_start3A_103 = tpu.memref_slice %arg4[%arg0, %dma_start3A_101, %dma_start3A_102] : memref<2x10112x16xf32, #tpu.memory_space<hbm>> -> memref<1x10112x16xf32, #tpu.memory_space<hbm>>
      %dma_start3A_104 = tpu.memref_squeeze %dma_start3A_103 : memref<1x10112x16xf32, #tpu.memory_space<hbm>> -> memref<10112x16xf32, #tpu.memory_space<hbm>>
      %dma_start3A_105 = arith.constant 0 : i32
      %dma_start3A_106 = tpu.memref_slice %dma_start3A_104[%mul3A_93, %dma_start3A_105] : memref<10112x16xf32, #tpu.memory_space<hbm>> -> memref<632x16xf32, #tpu.memory_space<hbm>>
      tpu.enqueue_dma source(%arg11 : memref<632x16xf32, #tpu.memory_space<vmem>>) target(%dma_start3A_106 : memref<632x16xf32, #tpu.memory_space<hbm>>) target_semaphore(%run_scoped3A_94 : memref<!tpu.dma_semaphore, #tpu.memory_space<semaphore_mem>>)
      %dma_wait3A_107 = arith.constant 0 : i32
      %dma_wait3A_108 = arith.constant 0 : i32
      %dma_wait3A_109 = tpu.memref_slice %arg4[%arg0, %dma_wait3A_107, %dma_wait3A_108] : memref<2x10112x16xf32, #tpu.memory_space<hbm>> -> memref<1x10112x16xf32, #tpu.memory_space<hbm>>
      %dma_wait3A_110 = tpu.memref_squeeze %dma_wait3A_109 : memref<1x10112x16xf32, #tpu.memory_space<hbm>> -> memref<10112x16xf32, #tpu.memory_space<hbm>>
      %dma_wait3A_111 = arith.constant 0 : i32
      %dma_wait3A_112 = tpu.memref_slice %dma_wait3A_110[%mul3A_93, %dma_wait3A_111] : memref<10112x16xf32, #tpu.memory_space<hbm>> -> memref<632x16xf32, #tpu.memory_space<hbm>>
      %dma_wait3A_113 = arith.constant 0 : i32
      %dma_wait3A_114 = arith.constant 0 : i32
      %dma_wait3A_115 = tpu.memref_slice %arg4[%arg0, %dma_wait3A_113, %dma_wait3A_114] : memref<2x10112x16xf32, #tpu.memory_space<hbm>> -> memref<1x10112x16xf32, #tpu.memory_space<hbm>>
      %dma_wait3A_116 = tpu.memref_squeeze %dma_wait3A_115 : memref<1x10112x16xf32, #tpu.memory_space<hbm>> -> memref<10112x16xf32, #tpu.memory_space<hbm>>
      %dma_wait3A_117 = arith.constant 0 : i32
      %dma_wait3A_118 = tpu.memref_slice %dma_wait3A_116[%mul3A_93, %dma_wait3A_117] : memref<10112x16xf32, #tpu.memory_space<hbm>> -> memref<632x16xf32, #tpu.memory_space<hbm>>
      tpu.wait_dma2 semaphore(%run_scoped3A_94 : memref<!tpu.dma_semaphore, #tpu.memory_space<semaphore_mem>>) src(%arg11 : memref<632x16xf32, #tpu.memory_space<vmem>>) dst(%dma_wait3A_118 : memref<632x16xf32, #tpu.memory_space<hbm>>)
      tpu.yield
    }) : () -> ()
    return
  }
}

#map = affine_map<(d0, d1) -> (0, 0)>
#map1 = affine_map<(d0, d1) -> (0, 0, 0)>
module attributes {stable_mosaic.version = 14 : i64} {
  func.func @body(%arg0: i32, %arg1: i32, %arg2: memref<10000x16xf32, #tpu.memory_space<hbm>>, %arg3: memref<2x320000xi32, #tpu.memory_space<hbm>>, %arg4: memref<2x10112x16xf32, #tpu.memory_space<hbm>>, %arg5: memref<2000xi32, #tpu.memory_space<vmem>>, %arg6: memref<2000xi32, #tpu.memory_space<vmem>>, %arg7: memref<2000x16xf32, #tpu.memory_space<vmem>>, %arg8: memref<2000xi32, #tpu.memory_space<vmem>>, %arg9: memref<2000xi32, #tpu.memory_space<vmem>>, %arg10: memref<2000x16xf32, #tpu.memory_space<vmem>>, %arg11: memref<632x16xf32, #tpu.memory_space<vmem>>, %arg12: memref<10112x16xf32, #tpu.memory_space<vmem_shared>>, %arg13: memref<!tpu.dma_semaphore, #tpu.memory_space<semaphore_mem>>, %arg14: memref<!tpu.dma_semaphore, #tpu.memory_space<semaphore_mem>>, %arg15: memref<!tpu.dma_semaphore, #tpu.memory_space<semaphore_mem>>, %arg16: memref<!tpu.dma_semaphore, #tpu.memory_space<semaphore_mem>>) attributes {dimension_semantics = [#tpu.dimension_semantics<core_parallel>, #tpu.dimension_semantics<subcore_parallel>], iteration_bounds = array<i64: 2, 16>, scalar_prefetch = 0 : i64, scratch_operands = 12 : i64, tpu.core_type = #tpu.core_type<sc_vector_subcore>, window_params = [{transform_indices = #map}, {transform_indices = #map}, {transform_indices = #map1}]} {
    %mul3A = arith.constant 2 : i32
    %mul3A_0 = arith.muli %arg1, %mul3A : i32
    %add3A = arith.addi %mul3A_0, %arg0 : i32
    %broadcast_in_dim3A = arith.constant 0.000000e+00 : f32
    %broadcast_in_dim3A_1 = vector.broadcast %broadcast_in_dim3A : f32 to vector<16xf32>
    %scan3A = arith.constant 0 : i32
    %scan3A_2 = arith.constant 0 : i32
    %scan3A_3 = arith.constant 632 : i32
    %scan3A_4 = arith.addi %scan3A_2, %scan3A_3 : i32
    %scan3A_5 = arith.constant 4 : i32
    %scan3A_6 = scf.for %scan3A_94 = %scan3A_2 to %scan3A_4 step %scan3A_5 iter_args(%scan3A_95 = %scan3A) -> (i32)  : i32 {
      %swap3A = arith.index_cast %scan3A_94 : i32 to index
      %swap3A_96 = arith.constant 0 : index
      %swap3A_97 = tpu.vector_load %arg11[%swap3A, %swap3A_96] {strides = array<i32>} : memref<632x16xf32, #tpu.memory_space<vmem>>, vector<1x16xf32>,
      %swap3A_98 = vector.shape_cast %swap3A_97 : vector<1x16xf32> to vector<16xf32>
      %swap3A_99 = vector.shape_cast %broadcast_in_dim3A_1 : vector<16xf32> to vector<1x16xf32>
      tpu.vector_store %arg11[%swap3A, %swap3A_96], %swap3A_99 {strides = array<i32>} : memref<632x16xf32, #tpu.memory_space<vmem>>, vector<1x16xf32>,
      %scan3A_100 = arith.constant 0 : i32
      %scan3A_101 = arith.constant 1 : i32
      %scan3A_102 = arith.addi %scan3A_94, %scan3A_101 : i32
      %swap3A_103 = arith.index_cast %scan3A_102 : i32 to index
      %swap3A_104 = arith.constant 0 : index
      %swap3A_105 = tpu.vector_load %arg11[%swap3A_103, %swap3A_104] {strides = array<i32>} : memref<632x16xf32, #tpu.memory_space<vmem>>, vector<1x16xf32>,
      %swap3A_106 = vector.shape_cast %swap3A_105 : vector<1x16xf32> to vector<16xf32>
      %swap3A_107 = vector.shape_cast %broadcast_in_dim3A_1 : vector<16xf32> to vector<1x16xf32>
      tpu.vector_store %arg11[%swap3A_103, %swap3A_104], %swap3A_107 {strides = array<i32>} : memref<632x16xf32, #tpu.memory_space<vmem>>, vector<1x16xf32>,
      %scan3A_108 = arith.constant 0 : i32
      %scan3A_109 = arith.constant 2 : i32
      %scan3A_110 = arith.addi %scan3A_94, %scan3A_109 : i32
      %swap3A_111 = arith.index_cast %scan3A_110 : i32 to index
      %swap3A_112 = arith.constant 0 : index
      %swap3A_113 = tpu.vector_load %arg11[%swap3A_111, %swap3A_112] {strides = array<i32>} : memref<632x16xf32, #tpu.memory_space<vmem>>, vector<1x16xf32>,
      %swap3A_114 = vector.shape_cast %swap3A_113 : vector<1x16xf32> to vector<16xf32>
      %swap3A_115 = vector.shape_cast %broadcast_in_dim3A_1 : vector<16xf32> to vector<1x16xf32>
      tpu.vector_store %arg11[%swap3A_111, %swap3A_112], %swap3A_115 {strides = array<i32>} : memref<632x16xf32, #tpu.memory_space<vmem>>, vector<1x16xf32>,
      %scan3A_116 = arith.constant 0 : i32
      %scan3A_117 = arith.constant 3 : i32
      %scan3A_118 = arith.addi %scan3A_94, %scan3A_117 : i32
      %swap3A_119 = arith.index_cast %scan3A_118 : i32 to index
      %swap3A_120 = arith.constant 0 : index
      %swap3A_121 = tpu.vector_load %arg11[%swap3A_119, %swap3A_120] {strides = array<i32>} : memref<632x16xf32, #tpu.memory_space<vmem>>, vector<1x16xf32>,
      %swap3A_122 = vector.shape_cast %swap3A_121 : vector<1x16xf32> to vector<16xf32>
      %swap3A_123 = vector.shape_cast %broadcast_in_dim3A_1 : vector<16xf32> to vector<1x16xf32>
      tpu.vector_store %arg11[%swap3A_119, %swap3A_120], %swap3A_123 {strides = array<i32>} : memref<632x16xf32, #tpu.memory_space<vmem>>, vector<1x16xf32>,
      %scan3A_124 = arith.constant 0 : i32
      scf.yield %scan3A_124 : i32
    }
    %scan3A_7 = arith.constant 632 : i32
    %mul3A_8 = arith.constant 632 : i32
    %mul3A_9 = arith.muli %arg1, %mul3A_8 : i32
    "tpu.region"() ({
      %run_scoped3A_94 = tpu.sem_alloc : memref<!tpu.dma_semaphore, #tpu.memory_space<semaphore_mem>>
      %dma_start3A_95 = arith.constant 0 : i32
      %dma_start3A_96 = tpu.memref_slice %arg12[%mul3A_9, %dma_start3A_95] : memref<10112x16xf32, #tpu.memory_space<vmem_shared>> -> memref<632x16xf32, #tpu.memory_space<vmem_shared>>
      %dma_start3A_97 = arith.constant 0 : i32
      %dma_start3A_98 = tpu.memref_slice %arg12[%mul3A_9, %dma_start3A_97] : memref<10112x16xf32, #tpu.memory_space<vmem_shared>> -> memref<632x16xf32, #tpu.memory_space<vmem_shared>>
      tpu.enqueue_dma source(%arg11 : memref<632x16xf32, #tpu.memory_space<vmem>>) target(%dma_start3A_98 : memref<632x16xf32, #tpu.memory_space<vmem_shared>>) target_semaphore(%run_scoped3A_94 : memref<!tpu.dma_semaphore, #tpu.memory_space<semaphore_mem>>)
      %dma_wait3A_99 = arith.constant 0 : i32
      %dma_wait3A_100 = tpu.memref_slice %arg12[%mul3A_9, %dma_wait3A_99] : memref<10112x16xf32, #tpu.memory_space<vmem_shared>> -> memref<632x16xf32, #tpu.memory_space<vmem_shared>>
      %dma_wait3A_101 = arith.constant 0 : i32
      %dma_wait3A_102 = tpu.memref_slice %arg12[%mul3A_9, %dma_wait3A_101] : memref<10112x16xf32, #tpu.memory_space<vmem_shared>> -> memref<632x16xf32, #tpu.memory_space<vmem_shared>>
      tpu.wait_dma2 semaphore(%run_scoped3A_94 : memref<!tpu.dma_semaphore, #tpu.memory_space<semaphore_mem>>) src(%arg11 : memref<632x16xf32, #tpu.memory_space<vmem>>) dst(%dma_wait3A_102 : memref<632x16xf32, #tpu.memory_space<vmem_shared>>)
      tpu.yield
    }) : () -> ()
    %barrier3A = arith.constant 0 : index
    tpu.barrier barrier_id(%barrier3A)
    %mul3A_10 = arith.constant 10000 : i32
    %mul3A_11 = arith.muli %add3A, %mul3A_10 : i32
    %add3A_12 = arith.constant 0 : i32
    %add3A_13 = arith.addi %mul3A_11, %add3A_12 : i32
    %run_scoped3A = arith.constant 0 : i32
    "tpu.region"() ({
      %run_scoped3A_94 = tpu.sem_alloc : memref<!tpu.dma_semaphore, #tpu.memory_space<semaphore_mem>>
      %dma_start3A_95 = arith.constant 0 : i32
      %dma_start3A_96 = tpu.memref_slice %arg3[%run_scoped3A, %dma_start3A_95] : memref<2x320000xi32, #tpu.memory_space<hbm>> -> memref<1x320000xi32, #tpu.memory_space<hbm>>
      %dma_start3A_97 = tpu.memref_squeeze %dma_start3A_96 : memref<1x320000xi32, #tpu.memory_space<hbm>> -> memref<320000xi32, #tpu.memory_space<hbm>>
      %dma_start3A_98 = tpu.memref_slice %dma_start3A_97[%add3A_13] : memref<320000xi32, #tpu.memory_space<hbm>> -> memref<2000xi32, #tpu.memory_space<hbm>>
      %dma_start3A_99 = arith.constant 0 : i32
      %dma_start3A_100 = tpu.memref_slice %arg3[%run_scoped3A, %dma_start3A_99] : memref<2x320000xi32, #tpu.memory_space<hbm>> -> memref<1x320000xi32, #tpu.memory_space<hbm>>
      %dma_start3A_101 = tpu.memref_squeeze %dma_start3A_100 : memref<1x320000xi32, #tpu.memory_space<hbm>> -> memref<320000xi32, #tpu.memory_space<hbm>>
      %dma_start3A_102 = tpu.memref_slice %dma_start3A_101[%add3A_13] : memref<320000xi32, #tpu.memory_space<hbm>> -> memref<2000xi32, #tpu.memory_space<hbm>>
      tpu.enqueue_dma source(%dma_start3A_102 : memref<2000xi32, #tpu.memory_space<hbm>>) target(%arg5 : memref<2000xi32, #tpu.memory_space<vmem>>) target_semaphore(%run_scoped3A_94 : memref<!tpu.dma_semaphore, #tpu.memory_space<semaphore_mem>>)
      %dma_wait3A_103 = arith.constant 0 : i32
      %dma_wait3A_104 = tpu.memref_slice %arg3[%run_scoped3A, %dma_wait3A_103] : memref<2x320000xi32, #tpu.memory_space<hbm>> -> memref<1x320000xi32, #tpu.memory_space<hbm>>
      %dma_wait3A_105 = tpu.memref_squeeze %dma_wait3A_104 : memref<1x320000xi32, #tpu.memory_space<hbm>> -> memref<320000xi32, #tpu.memory_space<hbm>>
      %dma_wait3A_106 = tpu.memref_slice %dma_wait3A_105[%add3A_13] : memref<320000xi32, #tpu.memory_space<hbm>> -> memref<2000xi32, #tpu.memory_space<hbm>>
      %dma_wait3A_107 = arith.constant 0 : i32
      %dma_wait3A_108 = tpu.memref_slice %arg3[%run_scoped3A, %dma_wait3A_107] : memref<2x320000xi32, #tpu.memory_space<hbm>> -> memref<1x320000xi32, #tpu.memory_space<hbm>>
      %dma_wait3A_109 = tpu.memref_squeeze %dma_wait3A_108 : memref<1x320000xi32, #tpu.memory_space<hbm>> -> memref<320000xi32, #tpu.memory_space<hbm>>
      %dma_wait3A_110 = tpu.memref_slice %dma_wait3A_109[%add3A_13] : memref<320000xi32, #tpu.memory_space<hbm>> -> memref<2000xi32, #tpu.memory_space<hbm>>
      tpu.wait_dma2 semaphore(%run_scoped3A_94 : memref<!tpu.dma_semaphore, #tpu.memory_space<semaphore_mem>>) src(%dma_wait3A_110 : memref<2000xi32, #tpu.memory_space<hbm>>) dst(%arg5 : memref<2000xi32, #tpu.memory_space<vmem>>)
      tpu.yield
    }) : () -> ()
    %run_scoped3A_14 = arith.constant 1 : i32
    "tpu.region"() ({
      %run_scoped3A_94 = tpu.sem_alloc : memref<!tpu.dma_semaphore, #tpu.memory_space<semaphore_mem>>
      %dma_start3A_95 = arith.constant 0 : i32
      %dma_start3A_96 = tpu.memref_slice %arg3[%run_scoped3A_14, %dma_start3A_95] : memref<2x320000xi32, #tpu.memory_space<hbm>> -> memref<1x320000xi32, #tpu.memory_space<hbm>>
      %dma_start3A_97 = tpu.memref_squeeze %dma_start3A_96 : memref<1x320000xi32, #tpu.memory_space<hbm>> -> memref<320000xi32, #tpu.memory_space<hbm>>
      %dma_start3A_98 = tpu.memref_slice %dma_start3A_97[%add3A_13] : memref<320000xi32, #tpu.memory_space<hbm>> -> memref<2000xi32, #tpu.memory_space<hbm>>
      %dma_start3A_99 = arith.constant 0 : i32
      %dma_start3A_100 = tpu.memref_slice %arg3[%run_scoped3A_14, %dma_start3A_99] : memref<2x320000xi32, #tpu.memory_space<hbm>> -> memref<1x320000xi32, #tpu.memory_space<hbm>>
      %dma_start3A_101 = tpu.memref_squeeze %dma_start3A_100 : memref<1x320000xi32, #tpu.memory_space<hbm>> -> memref<320000xi32, #tpu.memory_space<hbm>>
      %dma_start3A_102 = tpu.memref_slice %dma_start3A_101[%add3A_13] : memref<320000xi32, #tpu.memory_space<hbm>> -> memref<2000xi32, #tpu.memory_space<hbm>>
      tpu.enqueue_dma source(%dma_start3A_102 : memref<2000xi32, #tpu.memory_space<hbm>>) target(%arg6 : memref<2000xi32, #tpu.memory_space<vmem>>) target_semaphore(%run_scoped3A_94 : memref<!tpu.dma_semaphore, #tpu.memory_space<semaphore_mem>>)
      %dma_wait3A_103 = arith.constant 0 : i32
      %dma_wait3A_104 = tpu.memref_slice %arg3[%run_scoped3A_14, %dma_wait3A_103] : memref<2x320000xi32, #tpu.memory_space<hbm>> -> memref<1x320000xi32, #tpu.memory_space<hbm>>
      %dma_wait3A_105 = tpu.memref_squeeze %dma_wait3A_104 : memref<1x320000xi32, #tpu.memory_space<hbm>> -> memref<320000xi32, #tpu.memory_space<hbm>>
      %dma_wait3A_106 = tpu.memref_slice %dma_wait3A_105[%add3A_13] : memref<320000xi32, #tpu.memory_space<hbm>> -> memref<2000xi32, #tpu.memory_space<hbm>>
      %dma_wait3A_107 = arith.constant 0 : i32
      %dma_wait3A_108 = tpu.memref_slice %arg3[%run_scoped3A_14, %dma_wait3A_107] : memref<2x320000xi32, #tpu.memory_space<hbm>> -> memref<1x320000xi32, #tpu.memory_space<hbm>>
      %dma_wait3A_109 = tpu.memref_squeeze %dma_wait3A_108 : memref<1x320000xi32, #tpu.memory_space<hbm>> -> memref<320000xi32, #tpu.memory_space<hbm>>
      %dma_wait3A_110 = tpu.memref_slice %dma_wait3A_109[%add3A_13] : memref<320000xi32, #tpu.memory_space<hbm>> -> memref<2000xi32, #tpu.memory_space<hbm>>
      tpu.wait_dma2 semaphore(%run_scoped3A_94 : memref<!tpu.dma_semaphore, #tpu.memory_space<semaphore_mem>>) src(%dma_wait3A_110 : memref<2000xi32, #tpu.memory_space<hbm>>) dst(%arg6 : memref<2000xi32, #tpu.memory_space<vmem>>)
      tpu.yield
    }) : () -> ()
    %dma_start3A = arith.constant 0 : i32
    %dma_start3A_15 = arith.constant 0 : i32
    %dma_start3A_16 = tpu.memref_slice %arg2[%dma_start3A, %dma_start3A_15] : memref<10000x16xf32, #tpu.memory_space<hbm>> -> memref<10000x16xf32, #tpu.memory_space<hbm>>
    tpu.enqueue_indirect_dma source(%dma_start3A_16 : memref<10000x16xf32, #tpu.memory_space<hbm>>) target(%arg7 : memref<2000x16xf32, #tpu.memory_space<vmem>>) offsets(%arg5 : memref<2000xi32, #tpu.memory_space<vmem>>) semaphore(%arg13 : memref<!tpu.dma_semaphore, #tpu.memory_space<semaphore_mem>>)
    %add3A_17 = arith.constant 2000 : i32
    %add3A_18 = arith.addi %mul3A_11, %add3A_17 : i32
    %run_scoped3A_19 = arith.constant 0 : i32
    "tpu.region"() ({
      %run_scoped3A_94 = tpu.sem_alloc : memref<!tpu.dma_semaphore, #tpu.memory_space<semaphore_mem>>
      %dma_start3A_95 = arith.constant 0 : i32
      %dma_start3A_96 = tpu.memref_slice %arg3[%run_scoped3A_19, %dma_start3A_95] : memref<2x320000xi32, #tpu.memory_space<hbm>> -> memref<1x320000xi32, #tpu.memory_space<hbm>>
      %dma_start3A_97 = tpu.memref_squeeze %dma_start3A_96 : memref<1x320000xi32, #tpu.memory_space<hbm>> -> memref<320000xi32, #tpu.memory_space<hbm>>
      %dma_start3A_98 = tpu.memref_slice %dma_start3A_97[%add3A_18] : memref<320000xi32, #tpu.memory_space<hbm>> -> memref<2000xi32, #tpu.memory_space<hbm>>
      %dma_start3A_99 = arith.constant 0 : i32
      %dma_start3A_100 = tpu.memref_slice %arg3[%run_scoped3A_19, %dma_start3A_99] : memref<2x320000xi32, #tpu.memory_space<hbm>> -> memref<1x320000xi32, #tpu.memory_space<hbm>>
      %dma_start3A_101 = tpu.memref_squeeze %dma_start3A_100 : memref<1x320000xi32, #tpu.memory_space<hbm>> -> memref<320000xi32, #tpu.memory_space<hbm>>
      %dma_start3A_102 = tpu.memref_slice %dma_start3A_101[%add3A_18] : memref<320000xi32, #tpu.memory_space<hbm>> -> memref<2000xi32, #tpu.memory_space<hbm>>
      tpu.enqueue_dma source(%dma_start3A_102 : memref<2000xi32, #tpu.memory_space<hbm>>) target(%arg8 : memref<2000xi32, #tpu.memory_space<vmem>>) target_semaphore(%run_scoped3A_94 : memref<!tpu.dma_semaphore, #tpu.memory_space<semaphore_mem>>)
      %dma_wait3A_103 = arith.constant 0 : i32
      %dma_wait3A_104 = tpu.memref_slice %arg3[%run_scoped3A_19, %dma_wait3A_103] : memref<2x320000xi32, #tpu.memory_space<hbm>> -> memref<1x320000xi32, #tpu.memory_space<hbm>>
      %dma_wait3A_105 = tpu.memref_squeeze %dma_wait3A_104 : memref<1x320000xi32, #tpu.memory_space<hbm>> -> memref<320000xi32, #tpu.memory_space<hbm>>
      %dma_wait3A_106 = tpu.memref_slice %dma_wait3A_105[%add3A_18] : memref<320000xi32, #tpu.memory_space<hbm>> -> memref<2000xi32, #tpu.memory_space<hbm>>
      %dma_wait3A_107 = arith.constant 0 : i32
      %dma_wait3A_108 = tpu.memref_slice %arg3[%run_scoped3A_19, %dma_wait3A_107] : memref<2x320000xi32, #tpu.memory_space<hbm>> -> memref<1x320000xi32, #tpu.memory_space<hbm>>
      %dma_wait3A_109 = tpu.memref_squeeze %dma_wait3A_108 : memref<1x320000xi32, #tpu.memory_space<hbm>> -> memref<320000xi32, #tpu.memory_space<hbm>>
      %dma_wait3A_110 = tpu.memref_slice %dma_wait3A_109[%add3A_18] : memref<320000xi32, #tpu.memory_space<hbm>> -> memref<2000xi32, #tpu.memory_space<hbm>>
      tpu.wait_dma2 semaphore(%run_scoped3A_94 : memref<!tpu.dma_semaphore, #tpu.memory_space<semaphore_mem>>) src(%dma_wait3A_110 : memref<2000xi32, #tpu.memory_space<hbm>>) dst(%arg8 : memref<2000xi32, #tpu.memory_space<vmem>>)
      tpu.yield
    }) : () -> ()
    %run_scoped3A_20 = arith.constant 1 : i32
    "tpu.region"() ({
      %run_scoped3A_94 = tpu.sem_alloc : memref<!tpu.dma_semaphore, #tpu.memory_space<semaphore_mem>>
      %dma_start3A_95 = arith.constant 0 : i32
      %dma_start3A_96 = tpu.memref_slice %arg3[%run_scoped3A_20, %dma_start3A_95] : memref<2x320000xi32, #tpu.memory_space<hbm>> -> memref<1x320000xi32, #tpu.memory_space<hbm>>
      %dma_start3A_97 = tpu.memref_squeeze %dma_start3A_96 : memref<1x320000xi32, #tpu.memory_space<hbm>> -> memref<320000xi32, #tpu.memory_space<hbm>>
      %dma_start3A_98 = tpu.memref_slice %dma_start3A_97[%add3A_18] : memref<320000xi32, #tpu.memory_space<hbm>> -> memref<2000xi32, #tpu.memory_space<hbm>>
      %dma_start3A_99 = arith.constant 0 : i32
      %dma_start3A_100 = tpu.memref_slice %arg3[%run_scoped3A_20, %dma_start3A_99] : memref<2x320000xi32, #tpu.memory_space<hbm>> -> memref<1x320000xi32, #tpu.memory_space<hbm>>
      %dma_start3A_101 = tpu.memref_squeeze %dma_start3A_100 : memref<1x320000xi32, #tpu.memory_space<hbm>> -> memref<320000xi32, #tpu.memory_space<hbm>>
      %dma_start3A_102 = tpu.memref_slice %dma_start3A_101[%add3A_18] : memref<320000xi32, #tpu.memory_space<hbm>> -> memref<2000xi32, #tpu.memory_space<hbm>>
      tpu.enqueue_dma source(%dma_start3A_102 : memref<2000xi32, #tpu.memory_space<hbm>>) target(%arg9 : memref<2000xi32, #tpu.memory_space<vmem>>) target_semaphore(%run_scoped3A_94 : memref<!tpu.dma_semaphore, #tpu.memory_space<semaphore_mem>>)
      %dma_wait3A_103 = arith.constant 0 : i32
      %dma_wait3A_104 = tpu.memref_slice %arg3[%run_scoped3A_20, %dma_wait3A_103] : memref<2x320000xi32, #tpu.memory_space<hbm>> -> memref<1x320000xi32, #tpu.memory_space<hbm>>
      %dma_wait3A_105 = tpu.memref_squeeze %dma_wait3A_104 : memref<1x320000xi32, #tpu.memory_space<hbm>> -> memref<320000xi32, #tpu.memory_space<hbm>>
      %dma_wait3A_106 = tpu.memref_slice %dma_wait3A_105[%add3A_18] : memref<320000xi32, #tpu.memory_space<hbm>> -> memref<2000xi32, #tpu.memory_space<hbm>>
      %dma_wait3A_107 = arith.constant 0 : i32
      %dma_wait3A_108 = tpu.memref_slice %arg3[%run_scoped3A_20, %dma_wait3A_107] : memref<2x320000xi32, #tpu.memory_space<hbm>> -> memref<1x320000xi32, #tpu.memory_space<hbm>>
      %dma_wait3A_109 = tpu.memref_squeeze %dma_wait3A_108 : memref<1x320000xi32, #tpu.memory_space<hbm>> -> memref<320000xi32, #tpu.memory_space<hbm>>
      %dma_wait3A_110 = tpu.memref_slice %dma_wait3A_109[%add3A_18] : memref<320000xi32, #tpu.memory_space<hbm>> -> memref<2000xi32, #tpu.memory_space<hbm>>
      tpu.wait_dma2 semaphore(%run_scoped3A_94 : memref<!tpu.dma_semaphore, #tpu.memory_space<semaphore_mem>>) src(%dma_wait3A_110 : memref<2000xi32, #tpu.memory_space<hbm>>) dst(%arg9 : memref<2000xi32, #tpu.memory_space<vmem>>)
      tpu.yield
    }) : () -> ()
    %dma_start3A_21 = arith.constant 0 : i32
    %dma_start3A_22 = arith.constant 0 : i32
    %dma_start3A_23 = tpu.memref_slice %arg2[%dma_start3A_21, %dma_start3A_22] : memref<10000x16xf32, #tpu.memory_space<hbm>> -> memref<10000x16xf32, #tpu.memory_space<hbm>>
    tpu.enqueue_indirect_dma source(%dma_start3A_23 : memref<10000x16xf32, #tpu.memory_space<hbm>>) target(%arg10 : memref<2000x16xf32, #tpu.memory_space<vmem>>) offsets(%arg8 : memref<2000xi32, #tpu.memory_space<vmem>>) semaphore(%arg14 : memref<!tpu.dma_semaphore, #tpu.memory_space<semaphore_mem>>)
    %dma_wait3A = arith.constant 0 : i32
    %dma_wait3A_24 = arith.constant 0 : i32
    %dma_wait3A_25 = tpu.memref_slice %arg2[%dma_wait3A, %dma_wait3A_24] : memref<10000x16xf32, #tpu.memory_space<hbm>> -> memref<10000x16xf32, #tpu.memory_space<hbm>>
    tpu.wait_indirect_dma semaphore(%arg13 : memref<!tpu.dma_semaphore, #tpu.memory_space<semaphore_mem>>) src(%dma_wait3A_25 : memref<10000x16xf32, #tpu.memory_space<hbm>>) dst(%arg7 : memref<2000x16xf32, #tpu.memory_space<vmem>>)
    %dma_start3A_26 = arith.constant 0 : i32
    %dma_start3A_27 = arith.constant 0 : i32
    %dma_start3A_28 = tpu.memref_slice %arg12[%dma_start3A_26, %dma_start3A_27] : memref<10112x16xf32, #tpu.memory_space<vmem_shared>> -> memref<10112x16xf32, #tpu.memory_space<vmem_shared>>
    tpu.enqueue_indirect_dma source(%arg7 : memref<2000x16xf32, #tpu.memory_space<vmem>>) target(%dma_start3A_28 : memref<10112x16xf32, #tpu.memory_space<vmem_shared>>) offsets(%arg6 : memref<2000xi32, #tpu.memory_space<vmem>>) semaphore(%arg15 : memref<!tpu.dma_semaphore, #tpu.memory_space<semaphore_mem>>) {add = true}
    %dma_wait3A_29 = arith.constant 0 : i32
    %dma_wait3A_30 = arith.constant 0 : i32
    %dma_wait3A_31 = tpu.memref_slice %arg12[%dma_wait3A_29, %dma_wait3A_30] : memref<10112x16xf32, #tpu.memory_space<vmem_shared>> -> memref<10112x16xf32, #tpu.memory_space<vmem_shared>>
    tpu.wait_indirect_dma semaphore(%arg15 : memref<!tpu.dma_semaphore, #tpu.memory_space<semaphore_mem>>) src(%arg7 : memref<2000x16xf32, #tpu.memory_space<vmem>>) dst(%dma_wait3A_31 : memref<10112x16xf32, #tpu.memory_space<vmem_shared>>)
    %add3A_32 = arith.constant 4000 : i32
    %add3A_33 = arith.addi %mul3A_11, %add3A_32 : i32
    %run_scoped3A_34 = arith.constant 0 : i32
    "tpu.region"() ({
      %run_scoped3A_94 = tpu.sem_alloc : memref<!tpu.dma_semaphore, #tpu.memory_space<semaphore_mem>>
      %dma_start3A_95 = arith.constant 0 : i32
      %dma_start3A_96 = tpu.memref_slice %arg3[%run_scoped3A_34, %dma_start3A_95] : memref<2x320000xi32, #tpu.memory_space<hbm>> -> memref<1x320000xi32, #tpu.memory_space<hbm>>
      %dma_start3A_97 = tpu.memref_squeeze %dma_start3A_96 : memref<1x320000xi32, #tpu.memory_space<hbm>> -> memref<320000xi32, #tpu.memory_space<hbm>>
      %dma_start3A_98 = tpu.memref_slice %dma_start3A_97[%add3A_33] : memref<320000xi32, #tpu.memory_space<hbm>> -> memref<2000xi32, #tpu.memory_space<hbm>>
      %dma_start3A_99 = arith.constant 0 : i32
      %dma_start3A_100 = tpu.memref_slice %arg3[%run_scoped3A_34, %dma_start3A_99] : memref<2x320000xi32, #tpu.memory_space<hbm>> -> memref<1x320000xi32, #tpu.memory_space<hbm>>
      %dma_start3A_101 = tpu.memref_squeeze %dma_start3A_100 : memref<1x320000xi32, #tpu.memory_space<hbm>> -> memref<320000xi32, #tpu.memory_space<hbm>>
      %dma_start3A_102 = tpu.memref_slice %dma_start3A_101[%add3A_33] : memref<320000xi32, #tpu.memory_space<hbm>> -> memref<2000xi32, #tpu.memory_space<hbm>>
      tpu.enqueue_dma source(%dma_start3A_102 : memref<2000xi32, #tpu.memory_space<hbm>>) target(%arg5 : memref<2000xi32, #tpu.memory_space<vmem>>) target_semaphore(%run_scoped3A_94 : memref<!tpu.dma_semaphore, #tpu.memory_space<semaphore_mem>>)
      %dma_wait3A_103 = arith.constant 0 : i32
      %dma_wait3A_104 = tpu.memref_slice %arg3[%run_scoped3A_34, %dma_wait3A_103] : memref<2x320000xi32, #tpu.memory_space<hbm>> -> memref<1x320000xi32, #tpu.memory_space<hbm>>
      %dma_wait3A_105 = tpu.memref_squeeze %dma_wait3A_104 : memref<1x320000xi32, #tpu.memory_space<hbm>> -> memref<320000xi32, #tpu.memory_space<hbm>>
      %dma_wait3A_106 = tpu.memref_slice %dma_wait3A_105[%add3A_33] : memref<320000xi32, #tpu.memory_space<hbm>> -> memref<2000xi32, #tpu.memory_space<hbm>>
      %dma_wait3A_107 = arith.constant 0 : i32
      %dma_wait3A_108 = tpu.memref_slice %arg3[%run_scoped3A_34, %dma_wait3A_107] : memref<2x320000xi32, #tpu.memory_space<hbm>> -> memref<1x320000xi32, #tpu.memory_space<hbm>>
      %dma_wait3A_109 = tpu.memref_squeeze %dma_wait3A_108 : memref<1x320000xi32, #tpu.memory_space<hbm>> -> memref<320000xi32, #tpu.memory_space<hbm>>
      %dma_wait3A_110 = tpu.memref_slice %dma_wait3A_109[%add3A_33] : memref<320000xi32, #tpu.memory_space<hbm>> -> memref<2000xi32, #tpu.memory_space<hbm>>
      tpu.wait_dma2 semaphore(%run_scoped3A_94 : memref<!tpu.dma_semaphore, #tpu.memory_space<semaphore_mem>>) src(%dma_wait3A_110 : memref<2000xi32, #tpu.memory_space<hbm>>) dst(%arg5 : memref<2000xi32, #tpu.memory_space<vmem>>)
      tpu.yield
    }) : () -> ()
    %run_scoped3A_35 = arith.constant 1 : i32
    "tpu.region"() ({
      %run_scoped3A_94 = tpu.sem_alloc : memref<!tpu.dma_semaphore, #tpu.memory_space<semaphore_mem>>
      %dma_start3A_95 = arith.constant 0 : i32
      %dma_start3A_96 = tpu.memref_slice %arg3[%run_scoped3A_35, %dma_start3A_95] : memref<2x320000xi32, #tpu.memory_space<hbm>> -> memref<1x320000xi32, #tpu.memory_space<hbm>>
      %dma_start3A_97 = tpu.memref_squeeze %dma_start3A_96 : memref<1x320000xi32, #tpu.memory_space<hbm>> -> memref<320000xi32, #tpu.memory_space<hbm>>
      %dma_start3A_98 = tpu.memref_slice %dma_start3A_97[%add3A_33] : memref<320000xi32, #tpu.memory_space<hbm>> -> memref<2000xi32, #tpu.memory_space<hbm>>
      %dma_start3A_99 = arith.constant 0 : i32
      %dma_start3A_100 = tpu.memref_slice %arg3[%run_scoped3A_35, %dma_start3A_99] : memref<2x320000xi32, #tpu.memory_space<hbm>> -> memref<1x320000xi32, #tpu.memory_space<hbm>>
      %dma_start3A_101 = tpu.memref_squeeze %dma_start3A_100 : memref<1x320000xi32, #tpu.memory_space<hbm>> -> memref<320000xi32, #tpu.memory_space<hbm>>
      %dma_start3A_102 = tpu.memref_slice %dma_start3A_101[%add3A_33] : memref<320000xi32, #tpu.memory_space<hbm>> -> memref<2000xi32, #tpu.memory_space<hbm>>
      tpu.enqueue_dma source(%dma_start3A_102 : memref<2000xi32, #tpu.memory_space<hbm>>) target(%arg6 : memref<2000xi32, #tpu.memory_space<vmem>>) target_semaphore(%run_scoped3A_94 : memref<!tpu.dma_semaphore, #tpu.memory_space<semaphore_mem>>)
      %dma_wait3A_103 = arith.constant 0 : i32
      %dma_wait3A_104 = tpu.memref_slice %arg3[%run_scoped3A_35, %dma_wait3A_103] : memref<2x320000xi32, #tpu.memory_space<hbm>> -> memref<1x320000xi32, #tpu.memory_space<hbm>>
      %dma_wait3A_105 = tpu.memref_squeeze %dma_wait3A_104 : memref<1x320000xi32, #tpu.memory_space<hbm>> -> memref<320000xi32, #tpu.memory_space<hbm>>
      %dma_wait3A_106 = tpu.memref_slice %dma_wait3A_105[%add3A_33] : memref<320000xi32, #tpu.memory_space<hbm>> -> memref<2000xi32, #tpu.memory_space<hbm>>
      %dma_wait3A_107 = arith.constant 0 : i32
      %dma_wait3A_108 = tpu.memref_slice %arg3[%run_scoped3A_35, %dma_wait3A_107] : memref<2x320000xi32, #tpu.memory_space<hbm>> -> memref<1x320000xi32, #tpu.memory_space<hbm>>
      %dma_wait3A_109 = tpu.memref_squeeze %dma_wait3A_108 : memref<1x320000xi32, #tpu.memory_space<hbm>> -> memref<320000xi32, #tpu.memory_space<hbm>>
      %dma_wait3A_110 = tpu.memref_slice %dma_wait3A_109[%add3A_33] : memref<320000xi32, #tpu.memory_space<hbm>> -> memref<2000xi32, #tpu.memory_space<hbm>>
      tpu.wait_dma2 semaphore(%run_scoped3A_94 : memref<!tpu.dma_semaphore, #tpu.memory_space<semaphore_mem>>) src(%dma_wait3A_110 : memref<2000xi32, #tpu.memory_space<hbm>>) dst(%arg6 : memref<2000xi32, #tpu.memory_space<vmem>>)
      tpu.yield
    }) : () -> ()
    %dma_start3A_36 = arith.constant 0 : i32
    %dma_start3A_37 = arith.constant 0 : i32
    %dma_start3A_38 = tpu.memref_slice %arg2[%dma_start3A_36, %dma_start3A_37] : memref<10000x16xf32, #tpu.memory_space<hbm>> -> memref<10000x16xf32, #tpu.memory_space<hbm>>
    tpu.enqueue_indirect_dma source(%dma_start3A_38 : memref<10000x16xf32, #tpu.memory_space<hbm>>) target(%arg7 : memref<2000x16xf32, #tpu.memory_space<vmem>>) offsets(%arg5 : memref<2000xi32, #tpu.memory_space<vmem>>) semaphore(%arg13 : memref<!tpu.dma_semaphore, #tpu.memory_space<semaphore_mem>>)
    %dma_wait3A_39 = arith.constant 0 : i32
    %dma_wait3A_40 = arith.constant 0 : i32
    %dma_wait3A_41 = tpu.memref_slice %arg2[%dma_wait3A_39, %dma_wait3A_40] : memref<10000x16xf32, #tpu.memory_space<hbm>> -> memref<10000x16xf32, #tpu.memory_space<hbm>>
    tpu.wait_indirect_dma semaphore(%arg14 : memref<!tpu.dma_semaphore, #tpu.memory_space<semaphore_mem>>) src(%dma_wait3A_41 : memref<10000x16xf32, #tpu.memory_space<hbm>>) dst(%arg10 : memref<2000x16xf32, #tpu.memory_space<vmem>>)
    %dma_start3A_42 = arith.constant 0 : i32
    %dma_start3A_43 = arith.constant 0 : i32
    %dma_start3A_44 = tpu.memref_slice %arg12[%dma_start3A_42, %dma_start3A_43] : memref<10112x16xf32, #tpu.memory_space<vmem_shared>> -> memref<10112x16xf32, #tpu.memory_space<vmem_shared>>
    tpu.enqueue_indirect_dma source(%arg10 : memref<2000x16xf32, #tpu.memory_space<vmem>>) target(%dma_start3A_44 : memref<10112x16xf32, #tpu.memory_space<vmem_shared>>) offsets(%arg9 : memref<2000xi32, #tpu.memory_space<vmem>>) semaphore(%arg16 : memref<!tpu.dma_semaphore, #tpu.memory_space<semaphore_mem>>) {add = true}
    %dma_wait3A_45 = arith.constant 0 : i32
    %dma_wait3A_46 = arith.constant 0 : i32
    %dma_wait3A_47 = tpu.memref_slice %arg12[%dma_wait3A_45, %dma_wait3A_46] : memref<10112x16xf32, #tpu.memory_space<vmem_shared>> -> memref<10112x16xf32, #tpu.memory_space<vmem_shared>>
    tpu.wait_indirect_dma semaphore(%arg16 : memref<!tpu.dma_semaphore, #tpu.memory_space<semaphore_mem>>) src(%arg10 : memref<2000x16xf32, #tpu.memory_space<vmem>>) dst(%dma_wait3A_47 : memref<10112x16xf32, #tpu.memory_space<vmem_shared>>)
    %add3A_48 = arith.constant 6000 : i32
    %add3A_49 = arith.addi %mul3A_11, %add3A_48 : i32
    %run_scoped3A_50 = arith.constant 0 : i32
    "tpu.region"() ({
      %run_scoped3A_94 = tpu.sem_alloc : memref<!tpu.dma_semaphore, #tpu.memory_space<semaphore_mem>>
      %dma_start3A_95 = arith.constant 0 : i32
      %dma_start3A_96 = tpu.memref_slice %arg3[%run_scoped3A_50, %dma_start3A_95] : memref<2x320000xi32, #tpu.memory_space<hbm>> -> memref<1x320000xi32, #tpu.memory_space<hbm>>
      %dma_start3A_97 = tpu.memref_squeeze %dma_start3A_96 : memref<1x320000xi32, #tpu.memory_space<hbm>> -> memref<320000xi32, #tpu.memory_space<hbm>>
      %dma_start3A_98 = tpu.memref_slice %dma_start3A_97[%add3A_49] : memref<320000xi32, #tpu.memory_space<hbm>> -> memref<2000xi32, #tpu.memory_space<hbm>>
      %dma_start3A_99 = arith.constant 0 : i32
      %dma_start3A_100 = tpu.memref_slice %arg3[%run_scoped3A_50, %dma_start3A_99] : memref<2x320000xi32, #tpu.memory_space<hbm>> -> memref<1x320000xi32, #tpu.memory_space<hbm>>
      %dma_start3A_101 = tpu.memref_squeeze %dma_start3A_100 : memref<1x320000xi32, #tpu.memory_space<hbm>> -> memref<320000xi32, #tpu.memory_space<hbm>>
      %dma_start3A_102 = tpu.memref_slice %dma_start3A_101[%add3A_49] : memref<320000xi32, #tpu.memory_space<hbm>> -> memref<2000xi32, #tpu.memory_space<hbm>>
      tpu.enqueue_dma source(%dma_start3A_102 : memref<2000xi32, #tpu.memory_space<hbm>>) target(%arg8 : memref<2000xi32, #tpu.memory_space<vmem>>) target_semaphore(%run_scoped3A_94 : memref<!tpu.dma_semaphore, #tpu.memory_space<semaphore_mem>>)
      %dma_wait3A_103 = arith.constant 0 : i32
      %dma_wait3A_104 = tpu.memref_slice %arg3[%run_scoped3A_50, %dma_wait3A_103] : memref<2x320000xi32, #tpu.memory_space<hbm>> -> memref<1x320000xi32, #tpu.memory_space<hbm>>
      %dma_wait3A_105 = tpu.memref_squeeze %dma_wait3A_104 : memref<1x320000xi32, #tpu.memory_space<hbm>> -> memref<320000xi32, #tpu.memory_space<hbm>>
      %dma_wait3A_106 = tpu.memref_slice %dma_wait3A_105[%add3A_49] : memref<320000xi32, #tpu.memory_space<hbm>> -> memref<2000xi32, #tpu.memory_space<hbm>>
      %dma_wait3A_107 = arith.constant 0 : i32
      %dma_wait3A_108 = tpu.memref_slice %arg3[%run_scoped3A_50, %dma_wait3A_107] : memref<2x320000xi32, #tpu.memory_space<hbm>> -> memref<1x320000xi32, #tpu.memory_space<hbm>>
      %dma_wait3A_109 = tpu.memref_squeeze %dma_wait3A_108 : memref<1x320000xi32, #tpu.memory_space<hbm>> -> memref<320000xi32, #tpu.memory_space<hbm>>
      %dma_wait3A_110 = tpu.memref_slice %dma_wait3A_109[%add3A_49] : memref<320000xi32, #tpu.memory_space<hbm>> -> memref<2000xi32, #tpu.memory_space<hbm>>
      tpu.wait_dma2 semaphore(%run_scoped3A_94 : memref<!tpu.dma_semaphore, #tpu.memory_space<semaphore_mem>>) src(%dma_wait3A_110 : memref<2000xi32, #tpu.memory_space<hbm>>) dst(%arg8 : memref<2000xi32, #tpu.memory_space<vmem>>)
      tpu.yield
    }) : () -> ()
    %run_scoped3A_51 = arith.constant 1 : i32
    "tpu.region"() ({
      %run_scoped3A_94 = tpu.sem_alloc : memref<!tpu.dma_semaphore, #tpu.memory_space<semaphore_mem>>
      %dma_start3A_95 = arith.constant 0 : i32
      %dma_start3A_96 = tpu.memref_slice %arg3[%run_scoped3A_51, %dma_start3A_95] : memref<2x320000xi32, #tpu.memory_space<hbm>> -> memref<1x320000xi32, #tpu.memory_space<hbm>>
      %dma_start3A_97 = tpu.memref_squeeze %dma_start3A_96 : memref<1x320000xi32, #tpu.memory_space<hbm>> -> memref<320000xi32, #tpu.memory_space<hbm>>
      %dma_start3A_98 = tpu.memref_slice %dma_start3A_97[%add3A_49] : memref<320000xi32, #tpu.memory_space<hbm>> -> memref<2000xi32, #tpu.memory_space<hbm>>
      %dma_start3A_99 = arith.constant 0 : i32
      %dma_start3A_100 = tpu.memref_slice %arg3[%run_scoped3A_51, %dma_start3A_99] : memref<2x320000xi32, #tpu.memory_space<hbm>> -> memref<1x320000xi32, #tpu.memory_space<hbm>>
      %dma_start3A_101 = tpu.memref_squeeze %dma_start3A_100 : memref<1x320000xi32, #tpu.memory_space<hbm>> -> memref<320000xi32, #tpu.memory_space<hbm>>
      %dma_start3A_102 = tpu.memref_slice %dma_start3A_101[%add3A_49] : memref<320000xi32, #tpu.memory_space<hbm>> -> memref<2000xi32, #tpu.memory_space<hbm>>
      tpu.enqueue_dma source(%dma_start3A_102 : memref<2000xi32, #tpu.memory_space<hbm>>) target(%arg9 : memref<2000xi32, #tpu.memory_space<vmem>>) target_semaphore(%run_scoped3A_94 : memref<!tpu.dma_semaphore, #tpu.memory_space<semaphore_mem>>)
      %dma_wait3A_103 = arith.constant 0 : i32
      %dma_wait3A_104 = tpu.memref_slice %arg3[%run_scoped3A_51, %dma_wait3A_103] : memref<2x320000xi32, #tpu.memory_space<hbm>> -> memref<1x320000xi32, #tpu.memory_space<hbm>>
      %dma_wait3A_105 = tpu.memref_squeeze %dma_wait3A_104 : memref<1x320000xi32, #tpu.memory_space<hbm>> -> memref<320000xi32, #tpu.memory_space<hbm>>
      %dma_wait3A_106 = tpu.memref_slice %dma_wait3A_105[%add3A_49] : memref<320000xi32, #tpu.memory_space<hbm>> -> memref<2000xi32, #tpu.memory_space<hbm>>
      %dma_wait3A_107 = arith.constant 0 : i32
      %dma_wait3A_108 = tpu.memref_slice %arg3[%run_scoped3A_51, %dma_wait3A_107] : memref<2x320000xi32, #tpu.memory_space<hbm>> -> memref<1x320000xi32, #tpu.memory_space<hbm>>
      %dma_wait3A_109 = tpu.memref_squeeze %dma_wait3A_108 : memref<1x320000xi32, #tpu.memory_space<hbm>> -> memref<320000xi32, #tpu.memory_space<hbm>>
      %dma_wait3A_110 = tpu.memref_slice %dma_wait3A_109[%add3A_49] : memref<320000xi32, #tpu.memory_space<hbm>> -> memref<2000xi32, #tpu.memory_space<hbm>>
      tpu.wait_dma2 semaphore(%run_scoped3A_94 : memref<!tpu.dma_semaphore, #tpu.memory_space<semaphore_mem>>) src(%dma_wait3A_110 : memref<2000xi32, #tpu.memory_space<hbm>>) dst(%arg9 : memref<2000xi32, #tpu.memory_space<vmem>>)
      tpu.yield
    }) : () -> ()
    %dma_start3A_52 = arith.constant 0 : i32
    %dma_start3A_53 = arith.constant 0 : i32
    %dma_start3A_54 = tpu.memref_slice %arg2[%dma_start3A_52, %dma_start3A_53] : memref<10000x16xf32, #tpu.memory_space<hbm>> -> memref<10000x16xf32, #tpu.memory_space<hbm>>
    tpu.enqueue_indirect_dma source(%dma_start3A_54 : memref<10000x16xf32, #tpu.memory_space<hbm>>) target(%arg10 : memref<2000x16xf32, #tpu.memory_space<vmem>>) offsets(%arg8 : memref<2000xi32, #tpu.memory_space<vmem>>) semaphore(%arg14 : memref<!tpu.dma_semaphore, #tpu.memory_space<semaphore_mem>>)
    %dma_wait3A_55 = arith.constant 0 : i32
    %dma_wait3A_56 = arith.constant 0 : i32
    %dma_wait3A_57 = tpu.memref_slice %arg2[%dma_wait3A_55, %dma_wait3A_56] : memref<10000x16xf32, #tpu.memory_space<hbm>> -> memref<10000x16xf32, #tpu.memory_space<hbm>>
    tpu.wait_indirect_dma semaphore(%arg13 : memref<!tpu.dma_semaphore, #tpu.memory_space<semaphore_mem>>) src(%dma_wait3A_57 : memref<10000x16xf32, #tpu.memory_space<hbm>>) dst(%arg7 : memref<2000x16xf32, #tpu.memory_space<vmem>>)
    %dma_start3A_58 = arith.constant 0 : i32
    %dma_start3A_59 = arith.constant 0 : i32
    %dma_start3A_60 = tpu.memref_slice %arg12[%dma_start3A_58, %dma_start3A_59] : memref<10112x16xf32, #tpu.memory_space<vmem_shared>> -> memref<10112x16xf32, #tpu.memory_space<vmem_shared>>
    tpu.enqueue_indirect_dma source(%arg7 : memref<2000x16xf32, #tpu.memory_space<vmem>>) target(%dma_start3A_60 : memref<10112x16xf32, #tpu.memory_space<vmem_shared>>) offsets(%arg6 : memref<2000xi32, #tpu.memory_space<vmem>>) semaphore(%arg15 : memref<!tpu.dma_semaphore, #tpu.memory_space<semaphore_mem>>) {add = true}
    %dma_wait3A_61 = arith.constant 0 : i32
    %dma_wait3A_62 = arith.constant 0 : i32
    %dma_wait3A_63 = tpu.memref_slice %arg12[%dma_wait3A_61, %dma_wait3A_62] : memref<10112x16xf32, #tpu.memory_space<vmem_shared>> -> memref<10112x16xf32, #tpu.memory_space<vmem_shared>>
    tpu.wait_indirect_dma semaphore(%arg15 : memref<!tpu.dma_semaphore, #tpu.memory_space<semaphore_mem>>) src(%arg7 : memref<2000x16xf32, #tpu.memory_space<vmem>>) dst(%dma_wait3A_63 : memref<10112x16xf32, #tpu.memory_space<vmem_shared>>)
    %add3A_64 = arith.constant 8000 : i32
    %add3A_65 = arith.addi %mul3A_11, %add3A_64 : i32
    %run_scoped3A_66 = arith.constant 0 : i32
    "tpu.region"() ({
      %run_scoped3A_94 = tpu.sem_alloc : memref<!tpu.dma_semaphore, #tpu.memory_space<semaphore_mem>>
      %dma_start3A_95 = arith.constant 0 : i32
      %dma_start3A_96 = tpu.memref_slice %arg3[%run_scoped3A_66, %dma_start3A_95] : memref<2x320000xi32, #tpu.memory_space<hbm>> -> memref<1x320000xi32, #tpu.memory_space<hbm>>
      %dma_start3A_97 = tpu.memref_squeeze %dma_start3A_96 : memref<1x320000xi32, #tpu.memory_space<hbm>> -> memref<320000xi32, #tpu.memory_space<hbm>>
      %dma_start3A_98 = tpu.memref_slice %dma_start3A_97[%add3A_65] : memref<320000xi32, #tpu.memory_space<hbm>> -> memref<2000xi32, #tpu.memory_space<hbm>>
      %dma_start3A_99 = arith.constant 0 : i32
      %dma_start3A_100 = tpu.memref_slice %arg3[%run_scoped3A_66, %dma_start3A_99] : memref<2x320000xi32, #tpu.memory_space<hbm>> -> memref<1x320000xi32, #tpu.memory_space<hbm>>
      %dma_start3A_101 = tpu.memref_squeeze %dma_start3A_100 : memref<1x320000xi32, #tpu.memory_space<hbm>> -> memref<320000xi32, #tpu.memory_space<hbm>>
      %dma_start3A_102 = tpu.memref_slice %dma_start3A_101[%add3A_65] : memref<320000xi32, #tpu.memory_space<hbm>> -> memref<2000xi32, #tpu.memory_space<hbm>>
      tpu.enqueue_dma source(%dma_start3A_102 : memref<2000xi32, #tpu.memory_space<hbm>>) target(%arg5 : memref<2000xi32, #tpu.memory_space<vmem>>) target_semaphore(%run_scoped3A_94 : memref<!tpu.dma_semaphore, #tpu.memory_space<semaphore_mem>>)
      %dma_wait3A_103 = arith.constant 0 : i32
      %dma_wait3A_104 = tpu.memref_slice %arg3[%run_scoped3A_66, %dma_wait3A_103] : memref<2x320000xi32, #tpu.memory_space<hbm>> -> memref<1x320000xi32, #tpu.memory_space<hbm>>
      %dma_wait3A_105 = tpu.memref_squeeze %dma_wait3A_104 : memref<1x320000xi32, #tpu.memory_space<hbm>> -> memref<320000xi32, #tpu.memory_space<hbm>>
      %dma_wait3A_106 = tpu.memref_slice %dma_wait3A_105[%add3A_65] : memref<320000xi32, #tpu.memory_space<hbm>> -> memref<2000xi32, #tpu.memory_space<hbm>>
      %dma_wait3A_107 = arith.constant 0 : i32
      %dma_wait3A_108 = tpu.memref_slice %arg3[%run_scoped3A_66, %dma_wait3A_107] : memref<2x320000xi32, #tpu.memory_space<hbm>> -> memref<1x320000xi32, #tpu.memory_space<hbm>>
      %dma_wait3A_109 = tpu.memref_squeeze %dma_wait3A_108 : memref<1x320000xi32, #tpu.memory_space<hbm>> -> memref<320000xi32, #tpu.memory_space<hbm>>
      %dma_wait3A_110 = tpu.memref_slice %dma_wait3A_109[%add3A_65] : memref<320000xi32, #tpu.memory_space<hbm>> -> memref<2000xi32, #tpu.memory_space<hbm>>
      tpu.wait_dma2 semaphore(%run_scoped3A_94 : memref<!tpu.dma_semaphore, #tpu.memory_space<semaphore_mem>>) src(%dma_wait3A_110 : memref<2000xi32, #tpu.memory_space<hbm>>) dst(%arg5 : memref<2000xi32, #tpu.memory_space<vmem>>)
      tpu.yield
    }) : () -> ()
    %run_scoped3A_67 = arith.constant 1 : i32
    "tpu.region"() ({
      %run_scoped3A_94 = tpu.sem_alloc : memref<!tpu.dma_semaphore, #tpu.memory_space<semaphore_mem>>
      %dma_start3A_95 = arith.constant 0 : i32
      %dma_start3A_96 = tpu.memref_slice %arg3[%run_scoped3A_67, %dma_start3A_95] : memref<2x320000xi32, #tpu.memory_space<hbm>> -> memref<1x320000xi32, #tpu.memory_space<hbm>>
      %dma_start3A_97 = tpu.memref_squeeze %dma_start3A_96 : memref<1x320000xi32, #tpu.memory_space<hbm>> -> memref<320000xi32, #tpu.memory_space<hbm>>
      %dma_start3A_98 = tpu.memref_slice %dma_start3A_97[%add3A_65] : memref<320000xi32, #tpu.memory_space<hbm>> -> memref<2000xi32, #tpu.memory_space<hbm>>
      %dma_start3A_99 = arith.constant 0 : i32
      %dma_start3A_100 = tpu.memref_slice %arg3[%run_scoped3A_67, %dma_start3A_99] : memref<2x320000xi32, #tpu.memory_space<hbm>> -> memref<1x320000xi32, #tpu.memory_space<hbm>>
      %dma_start3A_101 = tpu.memref_squeeze %dma_start3A_100 : memref<1x320000xi32, #tpu.memory_space<hbm>> -> memref<320000xi32, #tpu.memory_space<hbm>>
      %dma_start3A_102 = tpu.memref_slice %dma_start3A_101[%add3A_65] : memref<320000xi32, #tpu.memory_space<hbm>> -> memref<2000xi32, #tpu.memory_space<hbm>>
      tpu.enqueue_dma source(%dma_start3A_102 : memref<2000xi32, #tpu.memory_space<hbm>>) target(%arg6 : memref<2000xi32, #tpu.memory_space<vmem>>) target_semaphore(%run_scoped3A_94 : memref<!tpu.dma_semaphore, #tpu.memory_space<semaphore_mem>>)
      %dma_wait3A_103 = arith.constant 0 : i32
      %dma_wait3A_104 = tpu.memref_slice %arg3[%run_scoped3A_67, %dma_wait3A_103] : memref<2x320000xi32, #tpu.memory_space<hbm>> -> memref<1x320000xi32, #tpu.memory_space<hbm>>
      %dma_wait3A_105 = tpu.memref_squeeze %dma_wait3A_104 : memref<1x320000xi32, #tpu.memory_space<hbm>> -> memref<320000xi32, #tpu.memory_space<hbm>>
      %dma_wait3A_106 = tpu.memref_slice %dma_wait3A_105[%add3A_65] : memref<320000xi32, #tpu.memory_space<hbm>> -> memref<2000xi32, #tpu.memory_space<hbm>>
      %dma_wait3A_107 = arith.constant 0 : i32
      %dma_wait3A_108 = tpu.memref_slice %arg3[%run_scoped3A_67, %dma_wait3A_107] : memref<2x320000xi32, #tpu.memory_space<hbm>> -> memref<1x320000xi32, #tpu.memory_space<hbm>>
      %dma_wait3A_109 = tpu.memref_squeeze %dma_wait3A_108 : memref<1x320000xi32, #tpu.memory_space<hbm>> -> memref<320000xi32, #tpu.memory_space<hbm>>
      %dma_wait3A_110 = tpu.memref_slice %dma_wait3A_109[%add3A_65] : memref<320000xi32, #tpu.memory_space<hbm>> -> memref<2000xi32, #tpu.memory_space<hbm>>
      tpu.wait_dma2 semaphore(%run_scoped3A_94 : memref<!tpu.dma_semaphore, #tpu.memory_space<semaphore_mem>>) src(%dma_wait3A_110 : memref<2000xi32, #tpu.memory_space<hbm>>) dst(%arg6 : memref<2000xi32, #tpu.memory_space<vmem>>)
      tpu.yield
    }) : () -> ()
    %dma_start3A_68 = arith.constant 0 : i32
    %dma_start3A_69 = arith.constant 0 : i32
    %dma_start3A_70 = tpu.memref_slice %arg2[%dma_start3A_68, %dma_start3A_69] : memref<10000x16xf32, #tpu.memory_space<hbm>> -> memref<10000x16xf32, #tpu.memory_space<hbm>>
    tpu.enqueue_indirect_dma source(%dma_start3A_70 : memref<10000x16xf32, #tpu.memory_space<hbm>>) target(%arg7 : memref<2000x16xf32, #tpu.memory_space<vmem>>) offsets(%arg5 : memref<2000xi32, #tpu.memory_space<vmem>>) semaphore(%arg13 : memref<!tpu.dma_semaphore, #tpu.memory_space<semaphore_mem>>)
    %dma_wait3A_71 = arith.constant 0 : i32
    %dma_wait3A_72 = arith.constant 0 : i32
    %dma_wait3A_73 = tpu.memref_slice %arg2[%dma_wait3A_71, %dma_wait3A_72] : memref<10000x16xf32, #tpu.memory_space<hbm>> -> memref<10000x16xf32, #tpu.memory_space<hbm>>
    tpu.wait_indirect_dma semaphore(%arg14 : memref<!tpu.dma_semaphore, #tpu.memory_space<semaphore_mem>>) src(%dma_wait3A_73 : memref<10000x16xf32, #tpu.memory_space<hbm>>) dst(%arg10 : memref<2000x16xf32, #tpu.memory_space<vmem>>)
    %dma_start3A_74 = arith.constant 0 : i32
    %dma_start3A_75 = arith.constant 0 : i32
    %dma_start3A_76 = tpu.memref_slice %arg12[%dma_start3A_74, %dma_start3A_75] : memref<10112x16xf32, #tpu.memory_space<vmem_shared>> -> memref<10112x16xf32, #tpu.memory_space<vmem_shared>>
    tpu.enqueue_indirect_dma source(%arg10 : memref<2000x16xf32, #tpu.memory_space<vmem>>) target(%dma_start3A_76 : memref<10112x16xf32, #tpu.memory_space<vmem_shared>>) offsets(%arg9 : memref<2000xi32, #tpu.memory_space<vmem>>) semaphore(%arg16 : memref<!tpu.dma_semaphore, #tpu.memory_space<semaphore_mem>>) {add = true}
    %dma_wait3A_77 = arith.constant 0 : i32
    %dma_wait3A_78 = arith.constant 0 : i32
    %dma_wait3A_79 = tpu.memref_slice %arg2[%dma_wait3A_77, %dma_wait3A_78] : memref<10000x16xf32, #tpu.memory_space<hbm>> -> memref<10000x16xf32, #tpu.memory_space<hbm>>
    tpu.wait_indirect_dma semaphore(%arg13 : memref<!tpu.dma_semaphore, #tpu.memory_space<semaphore_mem>>) src(%dma_wait3A_79 : memref<10000x16xf32, #tpu.memory_space<hbm>>) dst(%arg7 : memref<2000x16xf32, #tpu.memory_space<vmem>>)
    %dma_start3A_80 = arith.constant 0 : i32
    %dma_start3A_81 = arith.constant 0 : i32
    %dma_start3A_82 = tpu.memref_slice %arg12[%dma_start3A_80, %dma_start3A_81] : memref<10112x16xf32, #tpu.memory_space<vmem_shared>> -> memref<10112x16xf32, #tpu.memory_space<vmem_shared>>
    tpu.enqueue_indirect_dma source(%arg7 : memref<2000x16xf32, #tpu.memory_space<vmem>>) target(%dma_start3A_82 : memref<10112x16xf32, #tpu.memory_space<vmem_shared>>) offsets(%arg6 : memref<2000xi32, #tpu.memory_space<vmem>>) semaphore(%arg15 : memref<!tpu.dma_semaphore, #tpu.memory_space<semaphore_mem>>) {add = true}
    %dma_wait3A_83 = arith.constant 0 : i32
    %dma_wait3A_84 = arith.constant 0 : i32
    %dma_wait3A_85 = tpu.memref_slice %arg12[%dma_wait3A_83, %dma_wait3A_84] : memref<10112x16xf32, #tpu.memory_space<vmem_shared>> -> memref<10112x16xf32, #tpu.memory_space<vmem_shared>>
    tpu.wait_indirect_dma semaphore(%arg16 : memref<!tpu.dma_semaphore, #tpu.memory_space<semaphore_mem>>) src(%arg10 : memref<2000x16xf32, #tpu.memory_space<vmem>>) dst(%dma_wait3A_85 : memref<10112x16xf32, #tpu.memory_space<vmem_shared>>)
    %dma_wait3A_86 = arith.constant 0 : i32
    %dma_wait3A_87 = arith.constant 0 : i32
    %dma_wait3A_88 = tpu.memref_slice %arg12[%dma_wait3A_86, %dma_wait3A_87] : memref<10112x16xf32, #tpu.memory_space<vmem_shared>> -> memref<10112x16xf32, #tpu.memory_space<vmem_shared>>
    tpu.wait_indirect_dma semaphore(%arg15 : memref<!tpu.dma_semaphore, #tpu.memory_space<semaphore_mem>>) src(%arg7 : memref<2000x16xf32, #tpu.memory_space<vmem>>) dst(%dma_wait3A_88 : memref<10112x16xf32, #tpu.memory_space<vmem_shared>>)
    %barrier3A_89 = arith.constant 0 : index
    tpu.barrier barrier_id(%barrier3A_89)
    %mul3A_90 = arith.constant 632 : i32
    %mul3A_91 = arith.muli %arg1, %mul3A_90 : i32
    "tpu.region"() ({
      %run_scoped3A_94 = tpu.sem_alloc : memref<!tpu.dma_semaphore, #tpu.memory_space<semaphore_mem>>
      %dma_start3A_95 = arith.constant 0 : i32
      %dma_start3A_96 = tpu.memref_slice %arg12[%mul3A_91, %dma_start3A_95] : memref<10112x16xf32, #tpu.memory_space<vmem_shared>> -> memref<632x16xf32, #tpu.memory_space<vmem_shared>>
      %dma_start3A_97 = arith.constant 0 : i32
      %dma_start3A_98 = tpu.memref_slice %arg12[%mul3A_91, %dma_start3A_97] : memref<10112x16xf32, #tpu.memory_space<vmem_shared>> -> memref<632x16xf32, #tpu.memory_space<vmem_shared>>
      tpu.enqueue_dma source(%dma_start3A_98 : memref<632x16xf32, #tpu.memory_space<vmem_shared>>) target(%arg11 : memref<632x16xf32, #tpu.memory_space<vmem>>) target_semaphore(%run_scoped3A_94 : memref<!tpu.dma_semaphore, #tpu.memory_space<semaphore_mem>>)
      %dma_wait3A_99 = arith.constant 0 : i32
      %dma_wait3A_100 = tpu.memref_slice %arg12[%mul3A_91, %dma_wait3A_99] : memref<10112x16xf32, #tpu.memory_space<vmem_shared>> -> memref<632x16xf32, #tpu.memory_space<vmem_shared>>
      %dma_wait3A_101 = arith.constant 0 : i32
      %dma_wait3A_102 = tpu.memref_slice %arg12[%mul3A_91, %dma_wait3A_101] : memref<10112x16xf32, #tpu.memory_space<vmem_shared>> -> memref<632x16xf32, #tpu.memory_space<vmem_shared>>
      tpu.wait_dma2 semaphore(%run_scoped3A_94 : memref<!tpu.dma_semaphore, #tpu.memory_space<semaphore_mem>>) src(%dma_wait3A_102 : memref<632x16xf32, #tpu.memory_space<vmem_shared>>) dst(%arg11 : memref<632x16xf32, #tpu.memory_space<vmem>>)
      tpu.yield
    }) : () -> ()
    %mul3A_92 = arith.constant 632 : i32
    %mul3A_93 = arith.muli %arg1, %mul3A_92 : i32
    "tpu.region"() ({
      %run_scoped3A_94 = tpu.sem_alloc : memref<!tpu.dma_semaphore, #tpu.memory_space<semaphore_mem>>
      %dma_start3A_95 = arith.constant 0 : i32
      %dma_start3A_96 = arith.constant 0 : i32
      %dma_start3A_97 = tpu.memref_slice %arg4[%arg0, %dma_start3A_95, %dma_start3A_96] : memref<2x10112x16xf32, #tpu.memory_space<hbm>> -> memref<1x10112x16xf32, #tpu.memory_space<hbm>>
      %dma_start3A_98 = tpu.memref_squeeze %dma_start3A_97 : memref<1x10112x16xf32, #tpu.memory_space<hbm>> -> memref<10112x16xf32, #tpu.memory_space<hbm>>
      %dma_start3A_99 = arith.constant 0 : i32
      %dma_start3A_100 = tpu.memref_slice %dma_start3A_98[%mul3A_93, %dma_start3A_99] : memref<10112x16xf32, #tpu.memory_space<hbm>> -> memref<632x16xf32, #tpu.memory_space<hbm>>
      %dma_start3A_101 = arith.constant 0 : i32
      %dma_start3A_102 = arith.constant 0 : i32
      %dma_start3A_103 = tpu.memref_slice %arg4[%arg0, %dma_start3A_101, %dma_start3A_102] : memref<2x10112x16xf32, #tpu.memory_space<hbm>> -> memref<1x10112x16xf32, #tpu.memory_space<hbm>>
      %dma_start3A_104 = tpu.memref_squeeze %dma_start3A_103 : memref<1x10112x16xf32, #tpu.memory_space<hbm>> -> memref<10112x16xf32, #tpu.memory_space<hbm>>
      %dma_start3A_105 = arith.constant 0 : i32
      %dma_start3A_106 = tpu.memref_slice %dma_start3A_104[%mul3A_93, %dma_start3A_105] : memref<10112x16xf32, #tpu.memory_space<hbm>> -> memref<632x16xf32, #tpu.memory_space<hbm>>
      tpu.enqueue_dma source(%arg11 : memref<632x16xf32, #tpu.memory_space<vmem>>) target(%dma_start3A_106 : memref<632x16xf32, #tpu.memory_space<hbm>>) target_semaphore(%run_scoped3A_94 : memref<!tpu.dma_semaphore, #tpu.memory_space<semaphore_mem>>)
      %dma_wait3A_107 = arith.constant 0 : i32
      %dma_wait3A_108 = arith.constant 0 : i32
      %dma_wait3A_109 = tpu.memref_slice %arg4[%arg0, %dma_wait3A_107, %dma_wait3A_108] : memref<2x10112x16xf32, #tpu.memory_space<hbm>> -> memref<1x10112x16xf32, #tpu.memory_space<hbm>>
      %dma_wait3A_110 = tpu.memref_squeeze %dma_wait3A_109 : memref<1x10112x16xf32, #tpu.memory_space<hbm>> -> memref<10112x16xf32, #tpu.memory_space<hbm>>
      %dma_wait3A_111 = arith.constant 0 : i32
      %dma_wait3A_112 = tpu.memref_slice %dma_wait3A_110[%mul3A_93, %dma_wait3A_111] : memref<10112x16xf32, #tpu.memory_space<hbm>> -> memref<632x16xf32, #tpu.memory_space<hbm>>
      %dma_wait3A_113 = arith.constant 0 : i32
      %dma_wait3A_114 = arith.constant 0 : i32
      %dma_wait3A_115 = tpu.memref_slice %arg4[%arg0, %dma_wait3A_113, %dma_wait3A_114] : memref<2x10112x16xf32, #tpu.memory_space<hbm>> -> memref<1x10112x16xf32, #tpu.memory_space<hbm>>
      %dma_wait3A_116 = tpu.memref_squeeze %dma_wait3A_115 : memref<1x10112x16xf32, #tpu.memory_space<hbm>> -> memref<10112x16xf32, #tpu.memory_space<hbm>>
      %dma_wait3A_117 = arith.constant 0 : i32
      %dma_wait3A_118 = tpu.memref_slice %dma_wait3A_116[%mul3A_93, %dma_wait3A_117] : memref<10112x16xf32, #tpu.memory_space<hbm>> -> memref<632x16xf32, #tpu.memory_space<hbm>>
      tpu.wait_dma2 semaphore(%run_scoped3A_94 : memref<!tpu.dma_semaphore, #tpu.memory_space<semaphore_mem>>) src(%arg11 : memref<632x16xf32, #tpu.memory_space<vmem>>) dst(%dma_wait3A_118 : memref<632x16xf32, #tpu.memory_space<hbm>>)
      tpu.yield
    }) : () -> ()
    return
  }
}

module attributes {stable_mosaic.version = 14 : i64} {
  func.func @_tc1_body(%arg0: memref<1250x1024xf32, #tpu.memory_space<vmem>>, %arg1: memref<1024x128xf32, #tpu.memory_space<vmem>>, %arg2: memref<2x1264x128xf32, #tpu.memory_space<vmem>>, %arg3: memref<1250x128xf32, #tpu.memory_space<vmem>>, %arg4: memref<1250x128xf32, #tpu.memory_space<vmem>>) attributes {dimension_semantics = [], scalar_prefetch = 0 : i64, scratch_operands = 0 : i64, tpu.core_type = #tpu.core_type<tc>} {
    %get3A = arith.constant 0 : index
    %get3A_0 = arith.constant 0 : index
    %get3A_1 = vector.load %arg0[%get3A, %get3A_0] : memref<1250x1024xf32, #tpu.memory_space<vmem>>, vector<1250x1024xf32>
    %get3A_2 = arith.constant 0 : index
    %get3A_3 = arith.constant 0 : index
    %get3A_4 = vector.load %arg1[%get3A_2, %get3A_3] : memref<1024x128xf32, #tpu.memory_space<vmem>>, vector<1024x128xf32>
    %dot_general3A = arith.constant dense<0.000000e+00> : vector<1250x128xf32>
    %dot_general3A_5 = tpu.matmul %get3A_1, %get3A_4, %dot_general3A {dimension_numbers = #tpu.dot_dimension_numbers<[1], [0], [0], [1], [0, 0, 1, 1], [], []>, transpose_lhs_hint = false} : vector<1250x1024xf32>, vector<1024x128xf32>, vector<1250x128xf32> -> vector<1250x128xf32>
    %get3A_6 = arith.constant 0 : index
    %get3A_7 = arith.constant 0 : index
    %get3A_8 = arith.constant 0 : index
    %get3A_9 = vector.load %arg2[%get3A_6, %get3A_7, %get3A_8] : memref<2x1264x128xf32, #tpu.memory_space<vmem>>, vector<1x1250x128xf32>
    %get3A_10 = vector.shape_cast %get3A_9 : vector<1x1250x128xf32> to vector<1250x128xf32>
    %get3A_11 = arith.constant 1 : index
    %get3A_12 = arith.constant 0 : index
    %get3A_13 = arith.constant 0 : index
    %get3A_14 = vector.load %arg2[%get3A_11, %get3A_12, %get3A_13] : memref<2x1264x128xf32, #tpu.memory_space<vmem>>, vector<1x1250x128xf32>
    %get3A_15 = vector.shape_cast %get3A_14 : vector<1x1250x128xf32> to vector<1250x128xf32>
    %add3A = arith.addf %get3A_10, %get3A_15 : vector<1250x128xf32>
    %add3A_16 = arith.constant 1.000000e+00 : f32
    %add3A_17 = vector.broadcast %add3A_16 : f32 to vector<1250x128xf32>
    %add3A_18 = arith.addf %add3A, %add3A_17 : vector<1250x128xf32>
    %rsqrt3A = math.rsqrt %add3A_18 : vector<1250x128xf32>
    %swap3A = arith.constant 0 : index
    %swap3A_19 = arith.constant 0 : index
    %swap3A_20 = vector.load %arg4[%swap3A, %swap3A_19] : memref<1250x128xf32, #tpu.memory_space<vmem>>, vector<1250x128xf32>
    tpu.vector_store %arg4[%swap3A, %swap3A_19], %rsqrt3A {strides = array<i32>} : memref<1250x128xf32, #tpu.memory_space<vmem>>, vector<1250x128xf32>,
    %mul3A = arith.mulf %dot_general3A_5, %rsqrt3A : vector<1250x128xf32>
    %swap3A_21 = arith.constant 0 : index
    %swap3A_22 = arith.constant 0 : index
    %swap3A_23 = vector.load %arg3[%swap3A_21, %swap3A_22] : memref<1250x128xf32, #tpu.memory_space<vmem>>, vector<1250x128xf32>
    tpu.vector_store %arg3[%swap3A_21, %swap3A_22], %mul3A {strides = array<i32>} : memref<1250x128xf32, #tpu.memory_space<vmem>>, vector<1250x128xf32>,
    return
  }
}

module attributes {stable_mosaic.version = 14 : i64} {
  func.func @_tc2_body(%arg0: memref<2x1264x128xf32, #tpu.memory_space<vmem>>, %arg1: memref<1250x128xf32, #tpu.memory_space<vmem>>, %arg2: memref<1250x128xf32, #tpu.memory_space<vmem>>, %arg3: memref<1x128xf32, #tpu.memory_space<vmem>>, %arg4: memref<1250x128xf32, #tpu.memory_space<vmem>>) attributes {dimension_semantics = [], scalar_prefetch = 0 : i64, scratch_operands = 0 : i64, tpu.core_type = #tpu.core_type<tc>} {
    %get3A = arith.constant 0 : index
    %get3A_0 = arith.constant 0 : index
    %get3A_1 = vector.load %arg2[%get3A, %get3A_0] : memref<1250x128xf32, #tpu.memory_space<vmem>>, vector<1250x128xf32>
    %get3A_2 = arith.constant 0 : index
    %get3A_3 = arith.constant 0 : index
    %get3A_4 = arith.constant 0 : index
    %get3A_5 = vector.load %arg0[%get3A_2, %get3A_3, %get3A_4] : memref<2x1264x128xf32, #tpu.memory_space<vmem>>, vector<1x1250x128xf32>
    %get3A_6 = vector.shape_cast %get3A_5 : vector<1x1250x128xf32> to vector<1250x128xf32>
    %get3A_7 = arith.constant 1 : index
    %get3A_8 = arith.constant 0 : index
    %get3A_9 = arith.constant 0 : index
    %get3A_10 = vector.load %arg0[%get3A_7, %get3A_8, %get3A_9] : memref<2x1264x128xf32, #tpu.memory_space<vmem>>, vector<1x1250x128xf32>
    %get3A_11 = vector.shape_cast %get3A_10 : vector<1x1250x128xf32> to vector<1250x128xf32>
    %add3A = arith.addf %get3A_6, %get3A_11 : vector<1250x128xf32>
    %get3A_12 = arith.constant 0 : index
    %get3A_13 = arith.constant 0 : index
    %get3A_14 = vector.load %arg1[%get3A_12, %get3A_13] : memref<1250x128xf32, #tpu.memory_space<vmem>>, vector<1250x128xf32>
    %add3A_15 = arith.addf %add3A, %get3A_14 : vector<1250x128xf32>
    %mul3A = arith.mulf %get3A_1, %add3A_15 : vector<1250x128xf32>
    %get3A_16 = arith.constant 0 : index
    %get3A_17 = arith.constant 0 : index
    %get3A_18 = vector.load %arg3[%get3A_16, %get3A_17] : memref<1x128xf32, #tpu.memory_space<vmem>>, vector<1x128xf32>
    %add3A_19 = vector.broadcast %get3A_18 : vector<1x128xf32> to vector<1250x128xf32>
    %add3A_20 = arith.addf %mul3A, %add3A_19 : vector<1250x128xf32>
    %max3A = arith.constant 0.000000e+00 : f32
    %max3A_21 = vector.broadcast %max3A : f32 to vector<1250x128xf32>
    %max3A_22 = arith.maximumf %add3A_20, %max3A_21 : vector<1250x128xf32>
    %mul3A_23 = arith.mulf %max3A_22, %get3A_1 : vector<1250x128xf32>
    %swap3A = arith.constant 0 : index
    %swap3A_24 = arith.constant 0 : index
    %swap3A_25 = vector.load %arg4[%swap3A, %swap3A_24] : memref<1250x128xf32, #tpu.memory_space<vmem>>, vector<1250x128xf32>
    tpu.vector_store %arg4[%swap3A, %swap3A_24], %mul3A_23 {strides = array<i32>} : memref<1250x128xf32, #tpu.memory_space<vmem>>, vector<1250x128xf32>,
    return
  }
}

module attributes {stable_mosaic.version = 14 : i64} {
  func.func @_tc3_body(%arg0: memref<2x1264x128xf32, #tpu.memory_space<vmem>>, %arg1: memref<1250x128xf32, #tpu.memory_space<vmem>>, %arg2: memref<1250x128xf32, #tpu.memory_space<vmem>>, %arg3: memref<128x48xf32, #tpu.memory_space<vmem>>, %arg4: memref<1x48xf32, #tpu.memory_space<vmem>>, %arg5: memref<48x8xf32, #tpu.memory_space<vmem>>, %arg6: memref<8x48xf32, #tpu.memory_space<vmem>>, %arg7: memref<1250x48xf32, #tpu.memory_space<vmem>>) attributes {dimension_semantics = [], scalar_prefetch = 0 : i64, scratch_operands = 0 : i64, tpu.core_type = #tpu.core_type<tc>} {
    %get3A = arith.constant 0 : index
    %get3A_0 = arith.constant 0 : index
    %get3A_1 = vector.load %arg2[%get3A, %get3A_0] : memref<1250x128xf32, #tpu.memory_space<vmem>>, vector<1250x128xf32>
    %get3A_2 = arith.constant 0 : index
    %get3A_3 = arith.constant 0 : index
    %get3A_4 = arith.constant 0 : index
    %get3A_5 = vector.load %arg0[%get3A_2, %get3A_3, %get3A_4] : memref<2x1264x128xf32, #tpu.memory_space<vmem>>, vector<1x1250x128xf32>
    %get3A_6 = vector.shape_cast %get3A_5 : vector<1x1250x128xf32> to vector<1250x128xf32>
    %get3A_7 = arith.constant 1 : index
    %get3A_8 = arith.constant 0 : index
    %get3A_9 = arith.constant 0 : index
    %get3A_10 = vector.load %arg0[%get3A_7, %get3A_8, %get3A_9] : memref<2x1264x128xf32, #tpu.memory_space<vmem>>, vector<1x1250x128xf32>
    %get3A_11 = vector.shape_cast %get3A_10 : vector<1x1250x128xf32> to vector<1250x128xf32>
    %add3A = arith.addf %get3A_6, %get3A_11 : vector<1250x128xf32>
    %get3A_12 = arith.constant 0 : index
    %get3A_13 = arith.constant 0 : index
    %get3A_14 = vector.load %arg1[%get3A_12, %get3A_13] : memref<1250x128xf32, #tpu.memory_space<vmem>>, vector<1250x128xf32>
    %add3A_15 = arith.addf %add3A, %get3A_14 : vector<1250x128xf32>
    %mul3A = arith.mulf %get3A_1, %add3A_15 : vector<1250x128xf32>
    %get3A_16 = arith.constant 0 : index
    %get3A_17 = arith.constant 0 : index
    %get3A_18 = vector.load %arg3[%get3A_16, %get3A_17] : memref<128x48xf32, #tpu.memory_space<vmem>>, vector<128x48xf32>
    %dot_general3A = arith.constant dense<0.000000e+00> : vector<1250x48xf32>
    %dot_general3A_19 = tpu.matmul %mul3A, %get3A_18, %dot_general3A {dimension_numbers = #tpu.dot_dimension_numbers<[1], [0], [0], [1], [0, 0, 1, 1], [], []>, transpose_lhs_hint = false} : vector<1250x128xf32>, vector<128x48xf32>, vector<1250x48xf32> -> vector<1250x48xf32>
    %get3A_20 = arith.constant 0 : index
    %get3A_21 = arith.constant 0 : index
    %get3A_22 = vector.load %arg4[%get3A_20, %get3A_21] : memref<1x48xf32, #tpu.memory_space<vmem>>, vector<1x48xf32>
    %add3A_23 = vector.broadcast %get3A_22 : vector<1x48xf32> to vector<1250x48xf32>
    %add3A_24 = arith.addf %dot_general3A_19, %add3A_23 : vector<1250x48xf32>
    %reduce_max3A = arith.constant dense<0xFF800000> : vector<1250xf32>
    %reduce_max3A_25 = vector.multi_reduction <maximumf>, %add3A_24, %reduce_max3A [1] : vector<1250x48xf32> to vector<1250xf32>
    %broadcast_in_dim3A = vector.shape_cast %reduce_max3A_25 : vector<1250xf32> to vector<1250x1xf32>
    %sub3A = vector.broadcast %broadcast_in_dim3A : vector<1250x1xf32> to vector<1250x48xf32>
    %sub3A_26 = arith.subf %add3A_24, %sub3A : vector<1250x48xf32>
    %exp3A = math.exp %sub3A_26 : vector<1250x48xf32>
    %get3A_27 = arith.constant 0 : index
    %get3A_28 = arith.constant 0 : index
    %get3A_29 = vector.load %arg5[%get3A_27, %get3A_28] : memref<48x8xf32, #tpu.memory_space<vmem>>, vector<48x8xf32>
    %dot_general3A_30 = arith.constant dense<0.000000e+00> : vector<1250x8xf32>
    %dot_general3A_31 = tpu.matmul %exp3A, %get3A_29, %dot_general3A_30 {dimension_numbers = #tpu.dot_dimension_numbers<[1], [0], [0], [1], [0, 0, 1, 1], [], []>, transpose_lhs_hint = false} : vector<1250x48xf32>, vector<48x8xf32>, vector<1250x8xf32> -> vector<1250x8xf32>
    %log3A = math.log %dot_general3A_31 : vector<1250x8xf32>
    %get3A_32 = arith.constant 0 : index
    %get3A_33 = arith.constant 0 : index
    %get3A_34 = vector.load %arg6[%get3A_32, %get3A_33] : memref<8x48xf32, #tpu.memory_space<vmem>>, vector<8x48xf32>
    %dot_general3A_35 = arith.constant dense<0.000000e+00> : vector<1250x48xf32>
    %dot_general3A_36 = tpu.matmul %log3A, %get3A_34, %dot_general3A_35 {dimension_numbers = #tpu.dot_dimension_numbers<[1], [0], [0], [1], [0, 0, 1, 1], [], []>, transpose_lhs_hint = false} : vector<1250x8xf32>, vector<8x48xf32>, vector<1250x48xf32> -> vector<1250x48xf32>
    %sub3A_37 = arith.subf %sub3A_26, %dot_general3A_36 : vector<1250x48xf32>
    %exp3A_38 = math.exp %sub3A_37 : vector<1250x48xf32>
    %get3A_39 = arith.constant 0 : index
    %get3A_40 = arith.constant 0 : index
    %get3A_41 = vector.load %arg5[%get3A_39, %get3A_40] : memref<48x8xf32, #tpu.memory_space<vmem>>, vector<48x8xf32>
    %dot_general3A_42 = arith.constant dense<0.000000e+00> : vector<1250x8xf32>
    %dot_general3A_43 = tpu.matmul %exp3A_38, %get3A_41, %dot_general3A_42 {dimension_numbers = #tpu.dot_dimension_numbers<[1], [0], [0], [1], [0, 0, 1, 1], [], []>, transpose_lhs_hint = false} : vector<1250x48xf32>, vector<48x8xf32>, vector<1250x8xf32> -> vector<1250x8xf32>
    %log3A_44 = math.log %dot_general3A_43 : vector<1250x8xf32>
    %get3A_45 = arith.constant 0 : index
    %get3A_46 = arith.constant 0 : index
    %get3A_47 = vector.load %arg6[%get3A_45, %get3A_46] : memref<8x48xf32, #tpu.memory_space<vmem>>, vector<8x48xf32>
    %dot_general3A_48 = arith.constant dense<0.000000e+00> : vector<1250x48xf32>
    %dot_general3A_49 = tpu.matmul %log3A_44, %get3A_47, %dot_general3A_48 {dimension_numbers = #tpu.dot_dimension_numbers<[1], [0], [0], [1], [0, 0, 1, 1], [], []>, transpose_lhs_hint = false} : vector<1250x8xf32>, vector<8x48xf32>, vector<1250x48xf32> -> vector<1250x48xf32>
    %sub3A_50 = arith.subf %sub3A_37, %dot_general3A_49 : vector<1250x48xf32>
    %swap3A = arith.constant 0 : index
    %swap3A_51 = arith.constant 0 : index
    %swap3A_52 = vector.load %arg7[%swap3A, %swap3A_51] : memref<1250x48xf32, #tpu.memory_space<vmem>>, vector<1250x48xf32>
    tpu.vector_store %arg7[%swap3A, %swap3A_51], %sub3A_50 {strides = array<i32>} : memref<1250x48xf32, #tpu.memory_space<vmem>>, vector<1250x48xf32>,
    return
  }
}

</mosaic_0001>

<sc_bundles>
// kernel: kernel.11.cloned.1.call-start
scs
__scs_entry_jumppad:
0x0: {  	(pc) =	sbr.rel $0x88, $3  }
0x1: {  	(tag) =	ssettag $0x0;
	lr =	simm.s32 $0x1  }
0x2: {  	[smem:$0x3F9B] =	sst lr;
	_ =	strace $0xD0000000  }
0x3: {  	_ = 	snop  }
0x4: {  	_ = 	snop  }
0x5: {  	_ = 	snop  }
0x6: {  	_ = 	snop  }
0x7: {  	_ = 	snop  }
__scs_overlays_trampoline_lowered:
0x8: {  	[smem:$0x3FAA] =	sst s0  }
0x9: {  	[smem:$0x3FAB] =	sst s1  }
0xa: {  	[smem:$0x3FAC] =	sst s2  }
0xb: {  	[smem:$0x3FAD] =	sst s3  }
0xc: {  	[smem:$0x3FAE] =	sst s4  }
0xd: {  	[smem:$0x3FAF] =	sst s5  }
0xe: {  	[smem:$0x3FB0] =	sst s6  }
0xf: {  	[smem:$0x3FB1] =	sst s7  }
0x10: {  	[smem:$0x3FB2] =	sst s8  }
0x11: {  	[smem:$0x3FB3] =	sst s9;
	s0 =	simm.s32 @!p0 $0x0  }
0x12: {  	s1 =	sld [smem:$0x3F99];
	s0 =	simm.s32 @p0 $0x1  }
0x13: {  	[smem:$0x3FB4] =	sst s0;
	s0 =	simm.s32 @!p1 $0x0  }
0x14: {  	s2 =	sld [smem:$0x3F98];
	s0 =	simm.s32 @p1 $0x1  }
0x15: {  	[smem:$0x3FB5] =	sst s0;
	s0 =	simm.s32 @!p2 $0x0  }
0x16: {  	s3 =	sld [smem:$0x3FDB];
	s0 =	simm.s32 @p2 $0x1  }
0x17: {  	s4 =	simm.s32 $0x1BF5;
	[smem:$0x3FB7] =	sst s0  }
0x18: {  	s0 =	sld [smem:$0x3F9A];
	_ =	swait.ge [sflag:s4], $0x0  }
0x19: {  	s7 =	sld [smem:$0x3F9B]  }
0x1a: {  	s8 =	sadd.s32 $0xFFFFE003, lr  }
0x1b: {  	s9 =	sadd.s32 $0xFFFFFEF7, lr;
	s5 =	simm.s32 $0xFFFFFFFF;
	p2 =	slt.u32 s8, $0xFFFFF086  }
0x1c: {  	p1 =	slt.u32 s9, $0xF7A;
	s5 =	simm.s32 @!p2 $0x0  }
0x1d: {  	s5 =	simm.s32 @p1 $0x1;
	p0 =	seq.s32 s7, s2  }
0x1e: {  	s7 =	smul.u32 @!p0 $0xF7A, s2;
	p2 =	seq.s32 @!p0 s5, $0x0  }
0x1f: {  	s9 =	smul.u32 $0xF7A, s1;
	s8 =	simm.s32 @!p0 $0x1BF5;
	p2 =	por !p2, p0  }
0x20: {  	[sflag:s8] =	ssyncset.s32 @!p0 $0xFFFFF086;
	s6 =	sadd.s32 @!p0 s3, s7;
	s7 =	simm.s32 @!p0 $0x108  }
0x21: {  	s3 =	sadd.s32 s3, s9;
	s6 =	sadd.s32 @!p0 $0x88, s6;
	s7 =	simm.s32 @p2 $0x1082  }
0x22: {  	[simem:s7], [sflag:s8] =	dma.local @!p0 [hbm:s6], $0xF7A  }
0x23: {  	s9 =	sor.u32 $0xD0000000, s2;
	s6 =	simm.s32 $0x108;
	_ =	swait.ge @!p0 [sflag:s8], $0x0  }
0x24: {  	s3 =	sadd.s32 $0x88, s3;
	s6 =	simm.s32 @!p1 $0x1082;
	[sflag:s4] =	ssyncset.s32 $0xFFFFF086  }
0x25: {  	[simem:s6], [sflag:s4] =	dma.local [hbm:s3], $0xF7A  }
0x26: {  	[smem:$0x3F9B] =	sst s1;
	(tag) =	ssettag s2;
	_ =	strace s9  }
0x27: {  	s1 =	sld [smem:$0x3FAB]  }
0x28: {  	s2 =	sld [smem:$0x3FAC]  }
0x29: {  	s4 =	sld [smem:$0x3FAE]  }
0x2a: {  	p0 =	seq.s32 s5, $0x0;
	s5 =	sld [smem:$0x3FAF]  }
0x2b: {  	s6 =	sld [smem:$0x3FB0]  }
0x2c: {  	s7 =	sld [smem:$0x3FB1]  }
0x2d: {  	s3 =	simm.s32 $0x108;
	s8 =	sld [smem:$0x3FB2]  }
0x2e: {  	s3 =	simm.s32 @!p0 $0x1082;
	s9 =	sld [smem:$0x3FB3]  }
0x2f: {  	lr =	sadd.s32 s0, s3;
	s0 =	sld [smem:$0x3FAA]  }
0x30: {  	s3 =	sld [smem:$0x3FAD]  }
0x31: {  	[smem:$0x3FB6] =	sst s10  }
0x32: {  	s10 =	sld [smem:$0x3FB4];
	_ =	sdelay $0x3  }
0x33: {  	p0 =	seq.s32 s10, $0x1;
	s10 =	sld [smem:$0x3FB6];
	_ =	sdelay $0x3  }
0x34: {  	[smem:$0x3FB6] =	sst s10  }
0x35: {  	s10 =	sld [smem:$0x3FB5];
	_ =	sdelay $0x3  }
0x36: {  	p1 =	seq.s32 s10, $0x1;
	s10 =	sld [smem:$0x3FB6];
	_ =	sdelay $0x3  }
0x37: {  	[smem:$0x3FB6] =	sst s10  }
0x38: {  	s10 =	sld [smem:$0x3FB7]  }
0x39: {  	_ = 	snop;
	(pc) =	sbr.ind lr, $3  }
0x3a: {  	_ = 	snop  }
0x3b: {  	_ = 	snop  }
0x3c: {  	p2 =	seq.s32 s10, $0x1;
	s10 =	sld [smem:$0x3FB6]  }
0x3d: {  	_ =	shalt  }
0x3e: {  	_ =	shalt  }
0x3f: {  	_ =	shalt  }
0x40: {  	_ =	shalt  }
0x41: {  	_ =	shalt  }
0x42: {  	_ =	shalt  }
0x43: {  	_ =	shalt  }
0x44: {  	_ =	shalt  }
0x45: {  	_ =	shalt  }
0x46: {  	_ =	shalt  }
0x47: {  	_ =	shalt  }
0x48: {  	_ =	shalt  }
0x49: {  	_ =	shalt  }
0x4a: {  	_ =	shalt  }
0x4b: {  	_ =	shalt  }
0x4c: {  	_ =	shalt  }
0x4d: {  	_ =	shalt  }
0x4e: {  	_ =	shalt  }
0x4f: {  	_ =	shalt  }
0x50: {  	_ =	shalt  }
0x51: {  	_ =	shalt  }
0x52: {  	_ =	shalt  }
0x53: {  	_ =	shalt  }
0x54: {  	_ =	shalt  }
0x55: {  	_ =	shalt  }
0x56: {  	_ =	shalt  }
0x57: {  	_ =	shalt  }
0x58: {  	_ =	shalt  }
0x59: {  	_ =	shalt  }
0x5a: {  	_ =	shalt  }
0x5b: {  	_ =	shalt  }
0x5c: {  	_ =	shalt  }
0x5d: {  	_ =	shalt  }
0x5e: {  	_ =	shalt  }
0x5f: {  	_ =	shalt  }
0x60: {  	_ =	shalt  }
0x61: {  	_ =	shalt  }
0x62: {  	_ =	shalt  }
0x63: {  	_ =	shalt  }
0x64: {  	_ =	shalt  }
0x65: {  	_ =	shalt  }
0x66: {  	_ =	shalt  }
0x67: {  	_ =	shalt  }
0x68: {  	_ =	shalt  }
0x69: {  	_ =	shalt  }
0x6a: {  	_ =	shalt  }
0x6b: {  	_ =	shalt  }
0x6c: {  	_ =	shalt  }
0x6d: {  	_ =	shalt  }
0x6e: {  	_ =	shalt  }
0x6f: {  	_ =	shalt  }
0x70: {  	_ =	shalt  }
0x71: {  	_ =	shalt  }
0x72: {  	_ =	shalt  }
0x73: {  	_ =	shalt  }
0x74: {  	_ =	shalt  }
0x75: {  	_ =	shalt  }
0x76: {  	_ =	shalt  }
0x77: {  	_ =	shalt  }
0x78: {  	_ =	shalt  }
0x79: {  	_ =	shalt  }
0x7a: {  	_ =	shalt  }
0x7b: {  	_ =	shalt  }
0x7c: {  	_ =	shalt  }
0x7d: {  	_ =	shalt  }
0x7e: {  	_ =	shalt  }
0x7f: {  	_ =	shalt  }
0x80: {  	_ =	shalt  }
0x81: {  	_ =	shalt  }
0x82: {  	_ =	shalt  }
0x83: {  	_ =	shalt  }
0x84: {  	_ =	shalt  }
0x85: {  	_ =	shalt  }
0x86: {  	_ =	shalt  }
0x87: {  	_ =	shalt  }
.Lfunc_end0:
.L_simem_size_0:
called_computation.1_lowered:
.L_overlay_start_0:
0x88: {  	s2 =	sld [smem:$0x3FD9]  }
0x89: {  	s3 =	sld [smem:$0x3FFE];
	_ =	sdelay $0x1  }
0x8a: {  	s1 =	srdreg.scid  }
0x8b: {  	s0 =	sand.u32 $0x1, s1  }
0x8c: {  	s16 =	sshll.u32 s0, $0xA;
	s2 =	sadd.s32 s3, s2  }
0x8d: {  	s2 =	sadd.s32 s2, s16  }
0x8e: {  	[smem:$0x3FC2] =	sst s2  }
0x8f: {  	_ = 	snop  }
0x90: {  	(tm) =	ssettm $0x1  }
0x91: {  	s17 =	sld [smem:$0x3FFB];
	_ =	sdelay $0x3  }
0x92: {  	_ =	strace s17  }
0x93: {  	s2 =	sld [smem:$0x3FFC];
	_ =	sdelay $0x3  }
0x94: {  	_ =	strace s2  }
0x95: {  	s2 =	sld [smem:$0x3FFD];
	_ =	sdelay $0x3  }
0x96: {  	_ =	strace s2  }
0x97: {  	_ =	strace $0x8FFFFFFF  }
0x98: {  	s18 =	sld [smem:$0x3FDB];
	_ =	sdelay $0x1  }
0x99: {  	s19 =	simm.s32 $_scs_section_size  }
0x9a: {  	s4 =	simm.s32 $_size__tile_overlayer_lowered;
	s5 =	simm.s32 $_tile_overlayer_lowered  }
0x9b: {  	s22 =	simm.s32 $0x1BFF;
	s21 =	sshll.u32 s5, $0x1;
	s2 =	sadd.s32 s19, s18  }
0x9c: {  	s6 =	simm.s32 $0x0;
	s20 =	sshll.u32 s4, $0x1;
	s4 =	sadd.s32 s21, s2  }
0x9d: {  	[timem:s6], [sflag:s22] =	dma.local [hbm:s4], s20  }
0x9e: {  	_ =	swait.ge [sflag:s22], s20  }
0x9f: {  	s3 =	ssub.s32 $0x0, s20;
	[sflag:s22] =	ssyncset.done $0x0  }
0xa0: {  	[sflag:s22] =	ssyncadd.s32 s3;
	_ =	sdelay $0x1  }
0xa1: {  	s23 =	simm.s32 $0x1B8B  }
0xa2: {  	_ =	swait.ge [sflag:s23], $0x1  }
0xa3: {  	[sflag:s23] =	ssyncset.done $0x0  }
0xa4: {  	s25 =	simm.s32 $0x1B8E;
	s24 =	sld [smem:$0x3FFE];
	[sflag:s23] =	ssyncadd.s32 $0xFFFFFFFF  }
0xa5: {  	s26 =	simm.s32 $execute0_lowered;
	[smem:$0x3FD2] =	sst s25  }
0xa6: {  	s4 =	sshll.u32 s26, $0x1;
	_ =	strace $0x80000049;
	[dreg:$0x1] =	wrdreg $0xFFFFFFFF  }
0xa7: {  	s28 =	simm.s32 $_size_execute0_lowered;
	s2 =	sadd.s32 s2, s4;
	[dreg:$0x0] =	wrdreg $0x0  }
0xa8: {  	s4 =	sshll.u32 s28, $0x1;
	[dreg:$0x2] =	wrdreg s2  }
0xa9: {  	[dreg:$0x3] =	wrdreg s4  }
0xaa: {  	[dreg:$0x4] =	wrdreg $0xC0  }
0xab: {  	_ =	task [dreg:s6], $0x5FFFF  }
0xac: {  	[dreg:$0x1] =	wrdreg $0xFFFFFFFF  }
0xad: {  	[dreg:$0x0] =	wrdreg $0x60  }
0xae: {  	[dreg:$0x2] =	wrdreg s24  }
0xaf: {  	[dreg:$0x3] =	wrdreg $0x140C00  }
0xb0: {  	[dreg:$0x4] =	wrdreg $0x9  }
0xb1: {  	_ =	task.clear_ibuf [dreg:s6], $0x5FFFF;
	_ =	strace $0x90000049  }
0xb2: {  	s29 =	simm.s32 $0x9;
	_ =	strace $0x8000004B  }
0xb3: {  	_ =	swait.ge [sflag:s29], $0x1  }
0xb4: {  	[sflag:s29] =	ssyncadd.s32 $0xFFFFFFFF  }
0xb5: {  	_ =	strace $0x9000004B  }
0xb6: {  	_ =	sfence  }
0xb7: {  	s30 =	sld [smem:$0x0];
	_ =	sdelay $0x2  }
0xb8: {  	s31 =	sshll.u32 s1, $0xD;
	s1 =	sshrl.u32 s1, $0x2  }
0xb9: {  	s3 =	sand.u32 $0x4000, s31;
	s1 =	sadd.s32 s1, s30  }
0xba: {  	s0 =	sor.u32 s3, s0;
	s1 =	sshll.u32 s1, $0x11  }
0xbb: {  	s0 =	sor.u32 s1, s0  }
0xbc: {  	s0 =	sadd.s32 $0x8F2B, s0  }
0xbd: {  	[sflag:s0] =	ssyncadd.remote.s32 $0x1  }
0xbe: {  	_ =	sfence.sel $0xFFFF  }
0xbf: {  	[dreg:$0x0] =	wrdreg $0xFFFFFFFF;
	(pc) =	sbr.abs _section_cstart, $3  }
0xc0: {  	[dreg:$0x1] =	wrdreg $0xFFFFFFFF  }
0xc1: {  	_ =	task.clear_ibuf [dreg:s6], $0x2FFFF;
	_ =	strace $0x9FFFFFFF  }
0xc2: {  	(tm) =	ssettm $0x7FFFFFFF  }
0xc3: {  	_ =	shalt  }
tec
execute0_lowered:
.L_overlay_start_1:
0x0: {  	(tag) =	ssettag $0x1  }
0x1: {  	s0 =	rddreg [dreg:$0x0]  }
0x2: {  	s2 =	rddreg [dreg:$0x1]  }
0x3: {  	s3 =	simm.s32 $0x0;
	s1 =	srdreg.scid;
	s8 =	stileid.u32  }
0x4: {  	s19 =	simm.s32 $0x5;
	s20 =	simm.s32 $0x7D0;
	s21 =	simm.s32 $0xFA0  }
0x5: {  	s22 =	simm.s32 $0x8CA0;
	s23 =	simm.s32 $0x9470;
	s25 =	simm.s32 $0x9C40  }
0x6: {  	s28 =	simm.s32 $0x3;
	s29 =	simm.s32 $0x2;
	s30 =	simm.s32 $0x4  }
0x7: {  	s31 =	simm.s32 $0x0;
	[smem:$0x7FF] =	sst s3;
	s1 =	sand.u32 $0x1, s1  }
0x8: {  	s4 =	sshll.u32 s8, $0x1;
	s16 =	sadd.s32 $0x2C00, s0;
	s17 =	smul.u32 $0x2780, s8  }
0x9: {  	s9 =	sadd.s32 $0xC840, s0;
	s5 =	smul.u32 $0x4F00, s1;
	s6 =	sor.u32 s1, s4  }
0xa: {  	_ =	strace $0x8000004A;
	s1 =	ssub.s32 $0x2, s1;
	s6 =	smul.u32 $0x2710, s6  }
0xb: {  	s4 =	sadd.s32 $0x16600, s0;
	s7 =	sshrl.u32 s1, $0x1;
	s24 =	sshrl.u32 s17, $0x3  }
0xc: {  	s18 =	sadd.s32 s5, s0;
	s1 =	ssub.s32 s1, s7;
	s5 =	sshrl.u32 s6, $0x3  }
0xd: {  	s6 =	sadd.s32 s17, s2;
	s26 =	sadd.s32 $0x1B600, s18;
	s17 =	smax.u32 s1, $0x1  }
0xe: {  	s18 =	simm.s32 $0x11940;
	s7 =	sadd.s32 s16, s5;
	s8 =	sadd.s32 $0xFA, s5  }
0xf: {  	s11 =	sadd.s32 $0x1F4, s5;
	s13 =	sadd.s32 $0x2EE, s5;
	s14 =	sadd.s32 $0x3E8, s5  }
0x10: {  	s24 =	sadd.s32 s24, s26;
	s26 =	simm.s32 $0x1;
	s10 =	sadd.s32 s16, s8  }
0x11: {  	v0 =	vimm.f32 $0.0e+00;
	s12 =	sadd.s32 s16, s11;
	s15 =	sadd.s32 s16, s13;
	s16 =	sadd.s32 s16, s14  }
.LBB2_1:
0x12: {  	s0 =	simm.s32 $0x11960  }
0x13: {  	[tilespmem:s0+$0xFFFFFFE0] =	vst v0  }
0x14: {  	[tilespmem:s0+$0x10] =	vst v0  }
0x15: {  	s1 =	simm.s32 $0x0;
	[tilespmem:s0+$0x0] =	vst v0  }
.LBB2_2:
0x16: {  	s1 =	sadd.s32 $0x4, s1  }
0x17: {  	[tilespmem:s0+$0xFFFFFFF0] =	vst v0;
	s0 =	sadd.s32 $0x40, s0;
	p0 =	slt.u32 s1, $0x274  }
.Ltmp0:
0x18: {  	[tilespmem:s0+$0xFFFFFFE0] =	vst v0;
	(pc) =	sbr.rel @p0 .LBB2_2-.Ltmp0, $3  }
0x19: {  	_ =	sdelay $0x1  }
0x1a: {  	[tilespmem:s0+$0x10] =	vst v0  }
0x1b: {  	[tilespmem:s0+$0x0] =	vst v0  }
0x1c: {  	[tilespmem:s0+$0xFFFFFFF0] =	vst v0  }
0x1d: {  	[spmem:s6] =	stream.linear.scatter [tilespmem:s18], [sflag:$0x5], $0x2780, $0x38;
	[tilespmem:$0x16840] =	vst v63  }
0x1e: {  	_ =	swait.ge [sflag:s19], $0x2780  }
0x1f: {  	[sflag:s19] =	ssyncset.done $0x0  }
0x20: {  	[sflag:s19] =	ssyncadd.s32 $0xFFFFD880  }
0x21: {  	[bflag:$0x0] =	sbarrier.arrive $0xFFFF  }
0x22: {  	[tilespmem:s3], [sflag:$0x5] =	stream.linear.gather [hbm4b:s7+s3], $0x7D0, $0x38;
	[tilespmem:$0x16840] =	vst v63  }
0x23: {  	_ =	swait.ge [sflag:s19], $0x7D0  }
0x24: {  	[sflag:s19] =	ssyncset.done $0x0  }
0x25: {  	s1 =	sadd.s32 s5, s9;
	[sflag:s19] =	ssyncadd.s32 $0xFFFFF830  }
0x26: {  	[tilespmem:s20], [sflag:$0x5] =	stream.linear.gather [hbm4b:s1+s3], $0x7D0, $0x38;
	[tilespmem:$0x16840] =	vst v63  }
0x27: {  	_ =	swait.ge [sflag:s19], $0x7D0  }
0x28: {  	[sflag:s19] =	ssyncset.done $0x0  }
0x29: {  	[sflag:s19] =	ssyncadd.s32 $0xFFFFF830  }
0x2a: {  	[tilespmem:s21], [sflag:$0x1] =	stream.indirect.gather [hbm4b:s4+s20], $0x10, s3, s20, $0xb8;
	[tilespmem:$0x16840] =	vst v63  }
0x2b: {  	_ = 	snop  }
0x2c: {  	[tilespmem:s22], [sflag:$0x5] =	stream.linear.gather [hbm4b:s10+s3], $0x7D0, $0x38;
	[tilespmem:$0x16840] =	vst v63  }
0x2d: {  	_ =	swait.ge [sflag:s19], $0x7D0  }
0x2e: {  	[sflag:s19] =	ssyncset.done $0x0  }
0x2f: {  	s1 =	sadd.s32 s8, s9;
	[sflag:s19] =	ssyncadd.s32 $0xFFFFF830  }
0x30: {  	[tilespmem:s23], [sflag:$0x5] =	stream.linear.gather [hbm4b:s1+s3], $0x7D0, $0x38;
	[tilespmem:$0x16840] =	vst v63  }
0x31: {  	_ =	swait.ge [sflag:s19], $0x7D0  }
0x32: {  	[sflag:s19] =	ssyncset.done $0x0  }
0x33: {  	[sflag:s19] =	ssyncadd.s32 $0xFFFFF830  }
0x34: {  	[tilespmem:s25], [sflag:$0x2] =	stream.indirect.gather [hbm4b:s4+s20], $0x10, s22, s20, $0xb8;
	[tilespmem:$0x16840] =	vst v63  }
0x35: {  	_ =	swait.ge [sflag:s26], $0x7D00  }
0x36: {  	[sflag:s26] =	ssyncset.done $0x0  }
0x37: {  	[sflag:s26] =	ssyncadd.s32 $0xFFFF8300  }
0x38: {  	[spmem:s2] =	stream.indirect.scatter.add.f32 [tilespmem:s21], [sflag:$0x3], $0x10, s20, s20, $0xb8;
	[tilespmem:$0x16840] =	vst v63  }
0x39: {  	_ =	swait.ge [sflag:s28], $0x7D00  }
0x3a: {  	[sflag:s28] =	ssyncset.done $0x0  }
0x3b: {  	[sflag:s28] =	ssyncadd.s32 $0xFFFF8300  }
0x3c: {  	[tilespmem:s3], [sflag:$0x5] =	stream.linear.gather [hbm4b:s12+s3], $0x7D0, $0x38;
	[tilespmem:$0x16840] =	vst v63  }
0x3d: {  	_ =	swait.ge [sflag:s19], $0x7D0  }
0x3e: {  	[sflag:s19] =	ssyncset.done $0x0  }
0x3f: {  	s1 =	sadd.s32 s11, s9;
	[sflag:s19] =	ssyncadd.s32 $0xFFFFF830  }
0x40: {  	[tilespmem:s20], [sflag:$0x5] =	stream.linear.gather [hbm4b:s1+s3], $0x7D0, $0x38;
	[tilespmem:$0x16840] =	vst v63  }
0x41: {  	_ =	swait.ge [sflag:s19], $0x7D0  }
0x42: {  	[sflag:s19] =	ssyncset.done $0x0  }
0x43: {  	[sflag:s19] =	ssyncadd.s32 $0xFFFFF830  }
0x44: {  	[tilespmem:s21], [sflag:$0x1] =	stream.indirect.gather [hbm4b:s4+s20], $0x10, s3, s20, $0xb8;
	[tilespmem:$0x16840] =	vst v63  }
0x45: {  	_ =	swait.ge [sflag:s29], $0x7D00  }
0x46: {  	[sflag:s29] =	ssyncset.done $0x0  }
0x47: {  	[sflag:s29] =	ssyncadd.s32 $0xFFFF8300  }
0x48: {  	[spmem:s2] =	stream.indirect.scatter.add.f32 [tilespmem:s25], [sflag:$0x4], $0x10, s23, s20, $0xb8;
	[tilespmem:$0x16840] =	vst v63  }
0x49: {  	_ =	swait.ge [sflag:s30], $0x7D00  }
0x4a: {  	[sflag:s30] =	ssyncset.done $0x0  }
0x4b: {  	[sflag:s30] =	ssyncadd.s32 $0xFFFF8300  }
0x4c: {  	[tilespmem:s22], [sflag:$0x5] =	stream.linear.gather [hbm4b:s15+s3], $0x7D0, $0x38;
	[tilespmem:$0x16840] =	vst v63  }
0x4d: {  	_ =	swait.ge [sflag:s19], $0x7D0  }
0x4e: {  	[sflag:s19] =	ssyncset.done $0x0  }
0x4f: {  	s1 =	sadd.s32 s13, s9;
	[sflag:s19] =	ssyncadd.s32 $0xFFFFF830  }
0x50: {  	[tilespmem:s23], [sflag:$0x5] =	stream.linear.gather [hbm4b:s1+s3], $0x7D0, $0x38;
	[tilespmem:$0x16840] =	vst v63  }
0x51: {  	_ =	swait.ge [sflag:s19], $0x7D0  }
0x52: {  	[sflag:s19] =	ssyncset.done $0x0  }
0x53: {  	[sflag:s19] =	ssyncadd.s32 $0xFFFFF830  }
0x54: {  	[tilespmem:s25], [sflag:$0x2] =	stream.indirect.gather [hbm4b:s4+s20], $0x10, s22, s20, $0xb8;
	[tilespmem:$0x16840] =	vst v63  }
0x55: {  	_ =	swait.ge [sflag:s26], $0x7D00  }
0x56: {  	[sflag:s26] =	ssyncset.done $0x0  }
0x57: {  	[sflag:s26] =	ssyncadd.s32 $0xFFFF8300  }
0x58: {  	[spmem:s2] =	stream.indirect.scatter.add.f32 [tilespmem:s21], [sflag:$0x3], $0x10, s20, s20, $0xb8;
	[tilespmem:$0x16840] =	vst v63  }
0x59: {  	_ =	swait.ge [sflag:s28], $0x7D00  }
0x5a: {  	[sflag:s28] =	ssyncset.done $0x0  }
0x5b: {  	[sflag:s28] =	ssyncadd.s32 $0xFFFF8300  }
0x5c: {  	[tilespmem:s3], [sflag:$0x5] =	stream.linear.gather [hbm4b:s16+s3], $0x7D0, $0x38;
	[tilespmem:$0x16840] =	vst v63  }
0x5d: {  	_ =	swait.ge [sflag:s19], $0x7D0  }
0x5e: {  	[sflag:s19] =	ssyncset.done $0x0  }
0x5f: {  	s1 =	sadd.s32 s14, s9;
	[sflag:s19] =	ssyncadd.s32 $0xFFFFF830  }
0x60: {  	[tilespmem:s20], [sflag:$0x5] =	stream.linear.gather [hbm4b:s1+s3], $0x7D0, $0x38;
	[tilespmem:$0x16840] =	vst v63  }
0x61: {  	_ =	swait.ge [sflag:s19], $0x7D0  }
0x62: {  	[sflag:s19] =	ssyncset.done $0x0  }
0x63: {  	[sflag:s19] =	ssyncadd.s32 $0xFFFFF830  }
0x64: {  	[tilespmem:s21], [sflag:$0x1] =	stream.indirect.gather [hbm4b:s4+s20], $0x10, s3, s20, $0xb8;
	[tilespmem:$0x16840] =	vst v63  }
0x65: {  	_ =	swait.ge [sflag:s29], $0x7D00  }
0x66: {  	[sflag:s29] =	ssyncset.done $0x0  }
0x67: {  	[sflag:s29] =	ssyncadd.s32 $0xFFFF8300  }
0x68: {  	[spmem:s2] =	stream.indirect.scatter.add.f32 [tilespmem:s25], [sflag:$0x4], $0x10, s23, s20, $0xb8;
	[tilespmem:$0x16840] =	vst v63  }
0x69: {  	_ =	swait.ge [sflag:s26], $0x7D00  }
0x6a: {  	[sflag:s26] =	ssyncset.done $0x0  }
0x6b: {  	[sflag:s26] =	ssyncadd.s32 $0xFFFF8300  }
0x6c: {  	[spmem:s2] =	stream.indirect.scatter.add.f32 [tilespmem:s21], [sflag:$0x3], $0x10, s20, s20, $0xb8;
	[tilespmem:$0x16840] =	vst v63  }
0x6d: {  	_ =	swait.ge [sflag:s30], $0x7D00  }
0x6e: {  	[sflag:s30] =	ssyncset.done $0x0  }
0x6f: {  	[sflag:s30] =	ssyncadd.s32 $0xFFFF8300  }
0x70: {  	_ =	swait.ge [sflag:s28], $0x7D00  }
0x71: {  	[sflag:s28] =	ssyncset.done $0x0  }
0x72: {  	[sflag:s28] =	ssyncadd.s32 $0xFFFF8300  }
0x73: {  	[bflag:$0x0] =	sbarrier.arrive $0xFFFF  }
0x74: {  	[tilespmem:s18], [sflag:$0x5] =	stream.linear.gather [spmem:s6], $0x2780, $0x38;
	[tilespmem:$0x16840] =	vst v63  }
0x75: {  	s31 =	sadd.s32 $0x1, s31;
	_ =	swait.ge [sflag:s19], $0x2780  }
0x76: {  	p0 =	sne.s32 s31, s17;
	[sflag:s19] =	ssyncset.done $0x0  }
.Ltmp1:
0x77: {  	[sflag:s19] =	ssyncadd.s32 $0xFFFFD880;
	(pc) =	sbr.rel @p0 .LBB2_1-.Ltmp1, $4  }
0x78: {  	[hbm4b:s24+s3] =	stream.linear.scatter [tilespmem:s18], [sflag:$0x5], $0x2780, $0x38;
	[tilespmem:$0x16840] =	vst v63  }
0x79: {  	_ =	swait.ge [sflag:s19], $0x2780  }
0x7a: {  	[sflag:s19] =	ssyncset.done $0x0  }
0x7b: {  	[sflag:s19] =	ssyncadd.s32 $0xFFFFD880  }
0x7c: {  	_ =	sfence.sel $0x180000  }
0x7d: {  	[bflag:$0x0] =	sbarrier.arrive $0xFFFF  }
0x7e: {  	_ =	strace $0x9000004A  }
0x7f: {  	s0 =	stileid.u32;
	[bflag:$0x2] =	sbarrier.arrive $0xFFFF  }
0x80: {  	p0 =	sne.s32 s0, $0x0;
	s0 =	rddreg [dreg:$0x2]  }
0x81: {  	s0 =	sadd.s32 @!p0 $0x100000, s0  }
0x82: {  	[sflag:s0] =	ssyncadd.tile.s32 @!p0 $0x1;
	_ =	shalt  }
.Lfunc_end2:
_tile_overlayer_lowered:
.L_overlay_start_2:
0x83: {  	(tag) =	ssettag $0x2  }
0x84: {  	s0 =	rddreg [dreg:$0x0];
	s2 =	stileid.u32  }
0x85: {  	s1 =	rddreg [dreg:$0x1];
	p0 =	sne.s32 s2, $0x0  }
0x86: {  	s3 =	rddreg [dreg:$0x2];
	[bflag:$0x3] =	sbarrier.arrive $0xFFFF;
	s2 =	simm.s32 @!p0 $0x1C05  }
0x87: {  	[timem:s3], [sflag:s2] =	dma.local @!p0 [hbm:s0], s1  }
0x88: {  	s0 =	simm.s32 @!p0 $0x5  }
0x89: {  	_ =	swait.ge @!p0 [sflag:s0], s1  }
0x8a: {  	s1 =	ssub.s32 @!p0 $0x0, s1;
	[sflag:s0] =	ssyncset.done @!p0 $0x0  }
0x8b: {  	[sflag:s0] =	ssyncadd.s32 @!p0 s1  }
0x8c: {  	[bflag:$0x3] =	sbarrier.arrive $0xFFFF  }
0x8d: {  	_ =	shalt  }

// kernel: kernel.14.cloned.1.call-start
scs
__scs_entry_jumppad:
0x0: {  	(pc) =	sbr.rel $0x88, $3  }
0x1: {  	(tag) =	ssettag $0x0;
	lr =	simm.s32 $0x1  }
0x2: {  	[smem:$0x3F9B] =	sst lr;
	_ =	strace $0xD0000000  }
0x3: {  	_ = 	snop  }
0x4: {  	_ = 	snop  }
0x5: {  	_ = 	snop  }
0x6: {  	_ = 	snop  }
0x7: {  	_ = 	snop  }
__scs_overlays_trampoline_lowered:
0x8: {  	[smem:$0x3FAA] =	sst s0  }
0x9: {  	[smem:$0x3FAB] =	sst s1  }
0xa: {  	[smem:$0x3FAC] =	sst s2  }
0xb: {  	[smem:$0x3FAD] =	sst s3  }
0xc: {  	[smem:$0x3FAE] =	sst s4  }
0xd: {  	[smem:$0x3FAF] =	sst s5  }
0xe: {  	[smem:$0x3FB0] =	sst s6  }
0xf: {  	[smem:$0x3FB1] =	sst s7  }
0x10: {  	[smem:$0x3FB2] =	sst s8  }
0x11: {  	[smem:$0x3FB3] =	sst s9;
	s0 =	simm.s32 @!p0 $0x0  }
0x12: {  	s1 =	sld [smem:$0x3F99];
	s0 =	simm.s32 @p0 $0x1  }
0x13: {  	[smem:$0x3FB4] =	sst s0;
	s0 =	simm.s32 @!p1 $0x0  }
0x14: {  	s2 =	sld [smem:$0x3F98];
	s0 =	simm.s32 @p1 $0x1  }
0x15: {  	[smem:$0x3FB5] =	sst s0;
	s0 =	simm.s32 @!p2 $0x0  }
0x16: {  	s3 =	sld [smem:$0x3FDB];
	s0 =	simm.s32 @p2 $0x1  }
0x17: {  	s4 =	simm.s32 $0x1BF5;
	[smem:$0x3FB7] =	sst s0  }
0x18: {  	s0 =	sld [smem:$0x3F9A];
	_ =	swait.ge [sflag:s4], $0x0  }
0x19: {  	s7 =	sld [smem:$0x3F9B]  }
0x1a: {  	s8 =	sadd.s32 $0xFFFFE003, lr  }
0x1b: {  	s9 =	sadd.s32 $0xFFFFFEF7, lr;
	s5 =	simm.s32 $0xFFFFFFFF;
	p2 =	slt.u32 s8, $0xFFFFF086  }
0x1c: {  	p1 =	slt.u32 s9, $0xF7A;
	s5 =	simm.s32 @!p2 $0x0  }
0x1d: {  	s5 =	simm.s32 @p1 $0x1;
	p0 =	seq.s32 s7, s2  }
0x1e: {  	s7 =	smul.u32 @!p0 $0xF7A, s2;
	p2 =	seq.s32 @!p0 s5, $0x0  }
0x1f: {  	s9 =	smul.u32 $0xF7A, s1;
	s8 =	simm.s32 @!p0 $0x1BF5;
	p2 =	por !p2, p0  }
0x20: {  	[sflag:s8] =	ssyncset.s32 @!p0 $0xFFFFF086;
	s6 =	sadd.s32 @!p0 s3, s7;
	s7 =	simm.s32 @!p0 $0x108  }
0x21: {  	s3 =	sadd.s32 s3, s9;
	s6 =	sadd.s32 @!p0 $0x88, s6;
	s7 =	simm.s32 @p2 $0x1082  }
0x22: {  	[simem:s7], [sflag:s8] =	dma.local @!p0 [hbm:s6], $0xF7A  }
0x23: {  	s9 =	sor.u32 $0xD0000000, s2;
	s6 =	simm.s32 $0x108;
	_ =	swait.ge @!p0 [sflag:s8], $0x0  }
0x24: {  	s3 =	sadd.s32 $0x88, s3;
	s6 =	simm.s32 @!p1 $0x1082;
	[sflag:s4] =	ssyncset.s32 $0xFFFFF086  }
0x25: {  	[simem:s6], [sflag:s4] =	dma.local [hbm:s3], $0xF7A  }
0x26: {  	[smem:$0x3F9B] =	sst s1;
	(tag) =	ssettag s2;
	_ =	strace s9  }
0x27: {  	s1 =	sld [smem:$0x3FAB]  }
0x28: {  	s2 =	sld [smem:$0x3FAC]  }
0x29: {  	s4 =	sld [smem:$0x3FAE]  }
0x2a: {  	p0 =	seq.s32 s5, $0x0;
	s5 =	sld [smem:$0x3FAF]  }
0x2b: {  	s6 =	sld [smem:$0x3FB0]  }
0x2c: {  	s7 =	sld [smem:$0x3FB1]  }
0x2d: {  	s3 =	simm.s32 $0x108;
	s8 =	sld [smem:$0x3FB2]  }
0x2e: {  	s3 =	simm.s32 @!p0 $0x1082;
	s9 =	sld [smem:$0x3FB3]  }
0x2f: {  	lr =	sadd.s32 s0, s3;
	s0 =	sld [smem:$0x3FAA]  }
0x30: {  	s3 =	sld [smem:$0x3FAD]  }
0x31: {  	[smem:$0x3FB6] =	sst s10  }
0x32: {  	s10 =	sld [smem:$0x3FB4];
	_ =	sdelay $0x3  }
0x33: {  	p0 =	seq.s32 s10, $0x1;
	s10 =	sld [smem:$0x3FB6];
	_ =	sdelay $0x3  }
0x34: {  	[smem:$0x3FB6] =	sst s10  }
0x35: {  	s10 =	sld [smem:$0x3FB5];
	_ =	sdelay $0x3  }
0x36: {  	p1 =	seq.s32 s10, $0x1;
	s10 =	sld [smem:$0x3FB6];
	_ =	sdelay $0x3  }
0x37: {  	[smem:$0x3FB6] =	sst s10  }
0x38: {  	s10 =	sld [smem:$0x3FB7]  }
0x39: {  	_ = 	snop;
	(pc) =	sbr.ind lr, $3  }
0x3a: {  	_ = 	snop  }
0x3b: {  	_ = 	snop  }
0x3c: {  	p2 =	seq.s32 s10, $0x1;
	s10 =	sld [smem:$0x3FB6]  }
0x3d: {  	_ =	shalt  }
0x3e: {  	_ =	shalt  }
0x3f: {  	_ =	shalt  }
0x40: {  	_ =	shalt  }
0x41: {  	_ =	shalt  }
0x42: {  	_ =	shalt  }
0x43: {  	_ =	shalt  }
0x44: {  	_ =	shalt  }
0x45: {  	_ =	shalt  }
0x46: {  	_ =	shalt  }
0x47: {  	_ =	shalt  }
0x48: {  	_ =	shalt  }
0x49: {  	_ =	shalt  }
0x4a: {  	_ =	shalt  }
0x4b: {  	_ =	shalt  }
0x4c: {  	_ =	shalt  }
0x4d: {  	_ =	shalt  }
0x4e: {  	_ =	shalt  }
0x4f: {  	_ =	shalt  }
0x50: {  	_ =	shalt  }
0x51: {  	_ =	shalt  }
0x52: {  	_ =	shalt  }
0x53: {  	_ =	shalt  }
0x54: {  	_ =	shalt  }
0x55: {  	_ =	shalt  }
0x56: {  	_ =	shalt  }
0x57: {  	_ =	shalt  }
0x58: {  	_ =	shalt  }
0x59: {  	_ =	shalt  }
0x5a: {  	_ =	shalt  }
0x5b: {  	_ =	shalt  }
0x5c: {  	_ =	shalt  }
0x5d: {  	_ =	shalt  }
0x5e: {  	_ =	shalt  }
0x5f: {  	_ =	shalt  }
0x60: {  	_ =	shalt  }
0x61: {  	_ =	shalt  }
0x62: {  	_ =	shalt  }
0x63: {  	_ =	shalt  }
0x64: {  	_ =	shalt  }
0x65: {  	_ =	shalt  }
0x66: {  	_ =	shalt  }
0x67: {  	_ =	shalt  }
0x68: {  	_ =	shalt  }
0x69: {  	_ =	shalt  }
0x6a: {  	_ =	shalt  }
0x6b: {  	_ =	shalt  }
0x6c: {  	_ =	shalt  }
0x6d: {  	_ =	shalt  }
0x6e: {  	_ =	shalt  }
0x6f: {  	_ =	shalt  }
0x70: {  	_ =	shalt  }
0x71: {  	_ =	shalt  }
0x72: {  	_ =	shalt  }
0x73: {  	_ =	shalt  }
0x74: {  	_ =	shalt  }
0x75: {  	_ =	shalt  }
0x76: {  	_ =	shalt  }
0x77: {  	_ =	shalt  }
0x78: {  	_ =	shalt  }
0x79: {  	_ =	shalt  }
0x7a: {  	_ =	shalt  }
0x7b: {  	_ =	shalt  }
0x7c: {  	_ =	shalt  }
0x7d: {  	_ =	shalt  }
0x7e: {  	_ =	shalt  }
0x7f: {  	_ =	shalt  }
0x80: {  	_ =	shalt  }
0x81: {  	_ =	shalt  }
0x82: {  	_ =	shalt  }
0x83: {  	_ =	shalt  }
0x84: {  	_ =	shalt  }
0x85: {  	_ =	shalt  }
0x86: {  	_ =	shalt  }
0x87: {  	_ =	shalt  }
.Lfunc_end0:
.L_simem_size_0:
called_computation.2_lowered:
.L_overlay_start_0:
0x88: {  	s2 =	sld [smem:$0x3FD9]  }
0x89: {  	s3 =	sld [smem:$0x3FFE];
	_ =	sdelay $0x1  }
0x8a: {  	s1 =	srdreg.scid  }
0x8b: {  	s0 =	sand.u32 $0x1, s1  }
0x8c: {  	s16 =	sshll.u32 s0, $0xA;
	s2 =	sadd.s32 s3, s2  }
0x8d: {  	s2 =	sadd.s32 s2, s16  }
0x8e: {  	[smem:$0x3FC2] =	sst s2  }
0x8f: {  	_ = 	snop  }
0x90: {  	(tm) =	ssettm $0x1  }
0x91: {  	s17 =	sld [smem:$0x3FFB];
	_ =	sdelay $0x3  }
0x92: {  	_ =	strace s17  }
0x93: {  	s2 =	sld [smem:$0x3FFC];
	_ =	sdelay $0x3  }
0x94: {  	_ =	strace s2  }
0x95: {  	s2 =	sld [smem:$0x3FFD];
	_ =	sdelay $0x3  }
0x96: {  	_ =	strace s2  }
0x97: {  	_ =	strace $0x8FFFFFFF  }
0x98: {  	s18 =	sld [smem:$0x3FDB];
	_ =	sdelay $0x1  }
0x99: {  	s19 =	simm.s32 $_scs_section_size  }
0x9a: {  	s4 =	simm.s32 $_size__tile_overlayer_lowered;
	s5 =	simm.s32 $_tile_overlayer_lowered  }
0x9b: {  	s22 =	simm.s32 $0x1BFF;
	s21 =	sshll.u32 s5, $0x1;
	s2 =	sadd.s32 s19, s18  }
0x9c: {  	s6 =	simm.s32 $0x0;
	s20 =	sshll.u32 s4, $0x1;
	s4 =	sadd.s32 s21, s2  }
0x9d: {  	[timem:s6], [sflag:s22] =	dma.local [hbm:s4], s20  }
0x9e: {  	_ =	swait.ge [sflag:s22], s20  }
0x9f: {  	s3 =	ssub.s32 $0x0, s20;
	[sflag:s22] =	ssyncset.done $0x0  }
0xa0: {  	[sflag:s22] =	ssyncadd.s32 s3;
	_ =	sdelay $0x1  }
0xa1: {  	s23 =	simm.s32 $0x1B8B  }
0xa2: {  	_ =	swait.ge [sflag:s23], $0x1  }
0xa3: {  	[sflag:s23] =	ssyncset.done $0x0  }
0xa4: {  	s25 =	simm.s32 $0x1B8E;
	s24 =	sld [smem:$0x3FFE];
	[sflag:s23] =	ssyncadd.s32 $0xFFFFFFFF  }
0xa5: {  	s26 =	simm.s32 $execute0_lowered;
	[smem:$0x3FD2] =	sst s25  }
0xa6: {  	s4 =	sshll.u32 s26, $0x1;
	_ =	strace $0x8000004C;
	[dreg:$0x1] =	wrdreg $0xFFFFFFFF  }
0xa7: {  	s28 =	simm.s32 $_size_execute0_lowered;
	s2 =	sadd.s32 s2, s4;
	[dreg:$0x0] =	wrdreg $0x0  }
0xa8: {  	s4 =	sshll.u32 s28, $0x1;
	[dreg:$0x2] =	wrdreg s2  }
0xa9: {  	[dreg:$0x3] =	wrdreg s4  }
0xaa: {  	[dreg:$0x4] =	wrdreg $0xC0  }
0xab: {  	_ =	task [dreg:s6], $0x5FFFF  }
0xac: {  	[dreg:$0x1] =	wrdreg $0xFFFFFFFF  }
0xad: {  	[dreg:$0x0] =	wrdreg $0x60  }
0xae: {  	[dreg:$0x2] =	wrdreg s24  }
0xaf: {  	[dreg:$0x3] =	wrdreg $0x140C00  }
0xb0: {  	[dreg:$0x4] =	wrdreg $0x9  }
0xb1: {  	_ =	task.clear_ibuf [dreg:s6], $0x5FFFF;
	_ =	strace $0x9000004C  }
0xb2: {  	s29 =	simm.s32 $0x9;
	_ =	strace $0x8000004E  }
0xb3: {  	_ =	swait.ge [sflag:s29], $0x1  }
0xb4: {  	[sflag:s29] =	ssyncadd.s32 $0xFFFFFFFF  }
0xb5: {  	_ =	strace $0x9000004E  }
0xb6: {  	_ =	sfence  }
0xb7: {  	s30 =	sld [smem:$0x0];
	_ =	sdelay $0x2  }
0xb8: {  	s31 =	sshll.u32 s1, $0xD;
	s1 =	sshrl.u32 s1, $0x2  }
0xb9: {  	s3 =	sand.u32 $0x4000, s31;
	s1 =	sadd.s32 s1, s30  }
0xba: {  	s0 =	sor.u32 s3, s0;
	s1 =	sshll.u32 s1, $0x11  }
0xbb: {  	s0 =	sor.u32 s1, s0  }
0xbc: {  	s0 =	sadd.s32 $0x8F2B, s0  }
0xbd: {  	[sflag:s0] =	ssyncadd.remote.s32 $0x1  }
0xbe: {  	_ =	sfence.sel $0xFFFF  }
0xbf: {  	[dreg:$0x0] =	wrdreg $0xFFFFFFFF;
	(pc) =	sbr.abs _section_cstart, $3  }
0xc0: {  	[dreg:$0x1] =	wrdreg $0xFFFFFFFF  }
0xc1: {  	_ =	task.clear_ibuf [dreg:s6], $0x2FFFF;
	_ =	strace $0x9FFFFFFF  }
0xc2: {  	(tm) =	ssettm $0x7FFFFFFF  }
0xc3: {  	_ =	shalt  }
tec
execute0_lowered:
.L_overlay_start_1:
0x0: {  	(tag) =	ssettag $0x1  }
0x1: {  	s0 =	rddreg [dreg:$0x0]  }
0x2: {  	s2 =	rddreg [dreg:$0x1]  }
0x3: {  	s3 =	simm.s32 $0x0;
	s1 =	srdreg.scid;
	s8 =	stileid.u32  }
0x4: {  	s19 =	simm.s32 $0x5;
	s20 =	simm.s32 $0x7D0;
	s21 =	simm.s32 $0xFA0  }
0x5: {  	s22 =	simm.s32 $0x8CA0;
	s23 =	simm.s32 $0x9470;
	s25 =	simm.s32 $0x9C40  }
0x6: {  	s28 =	simm.s32 $0x3;
	s29 =	simm.s32 $0x2;
	s30 =	simm.s32 $0x4  }
0x7: {  	s31 =	simm.s32 $0x0;
	[smem:$0x7FF] =	sst s3;
	s1 =	sand.u32 $0x1, s1  }
0x8: {  	s4 =	sshll.u32 s8, $0x1;
	s16 =	sadd.s32 $0x2C00, s0;
	s17 =	smul.u32 $0x2780, s8  }
0x9: {  	s9 =	sadd.s32 $0xC840, s0;
	s5 =	smul.u32 $0x4F00, s1;
	s6 =	sor.u32 s1, s4  }
0xa: {  	_ =	strace $0x8000004D;
	s1 =	ssub.s32 $0x2, s1;
	s6 =	smul.u32 $0x2710, s6  }
0xb: {  	s4 =	sadd.s32 $0x16600, s0;
	s7 =	sshrl.u32 s1, $0x1;
	s24 =	sshrl.u32 s17, $0x3  }
0xc: {  	s18 =	sadd.s32 s5, s0;
	s1 =	ssub.s32 s1, s7;
	s5 =	sshrl.u32 s6, $0x3  }
0xd: {  	s6 =	sadd.s32 s17, s2;
	s26 =	sadd.s32 $0x1B600, s18;
	s17 =	smax.u32 s1, $0x1  }
0xe: {  	s18 =	simm.s32 $0x11940;
	s7 =	sadd.s32 s16, s5;
	s8 =	sadd.s32 $0xFA, s5  }
0xf: {  	s11 =	sadd.s32 $0x1F4, s5;
	s13 =	sadd.s32 $0x2EE, s5;
	s14 =	sadd.s32 $0x3E8, s5  }
0x10: {  	s24 =	sadd.s32 s24, s26;
	s26 =	simm.s32 $0x1;
	s10 =	sadd.s32 s16, s8  }
0x11: {  	v0 =	vimm.f32 $0.0e+00;
	s12 =	sadd.s32 s16, s11;
	s15 =	sadd.s32 s16, s13;
	s16 =	sadd.s32 s16, s14  }
.LBB2_1:
0x12: {  	s0 =	simm.s32 $0x11960  }
0x13: {  	[tilespmem:s0+$0xFFFFFFE0] =	vst v0  }
0x14: {  	[tilespmem:s0+$0x10] =	vst v0  }
0x15: {  	s1 =	simm.s32 $0x0;
	[tilespmem:s0+$0x0] =	vst v0  }
.LBB2_2:
0x16: {  	s1 =	sadd.s32 $0x4, s1  }
0x17: {  	[tilespmem:s0+$0xFFFFFFF0] =	vst v0;
	s0 =	sadd.s32 $0x40, s0;
	p0 =	slt.u32 s1, $0x274  }
.Ltmp0:
0x18: {  	[tilespmem:s0+$0xFFFFFFE0] =	vst v0;
	(pc) =	sbr.rel @p0 .LBB2_2-.Ltmp0, $3  }
0x19: {  	_ =	sdelay $0x1  }
0x1a: {  	[tilespmem:s0+$0x10] =	vst v0  }
0x1b: {  	[tilespmem:s0+$0x0] =	vst v0  }
0x1c: {  	[tilespmem:s0+$0xFFFFFFF0] =	vst v0  }
0x1d: {  	[spmem:s6] =	stream.linear.scatter [tilespmem:s18], [sflag:$0x5], $0x2780, $0x38;
	[tilespmem:$0x16840] =	vst v63  }
0x1e: {  	_ =	swait.ge [sflag:s19], $0x2780  }
0x1f: {  	[sflag:s19] =	ssyncset.done $0x0  }
0x20: {  	[sflag:s19] =	ssyncadd.s32 $0xFFFFD880  }
0x21: {  	[bflag:$0x0] =	sbarrier.arrive $0xFFFF  }
0x22: {  	[tilespmem:s3], [sflag:$0x5] =	stream.linear.gather [hbm4b:s7+s3], $0x7D0, $0x38;
	[tilespmem:$0x16840] =	vst v63  }
0x23: {  	_ =	swait.ge [sflag:s19], $0x7D0  }
0x24: {  	[sflag:s19] =	ssyncset.done $0x0  }
0x25: {  	s1 =	sadd.s32 s5, s9;
	[sflag:s19] =	ssyncadd.s32 $0xFFFFF830  }
0x26: {  	[tilespmem:s20], [sflag:$0x5] =	stream.linear.gather [hbm4b:s1+s3], $0x7D0, $0x38;
	[tilespmem:$0x16840] =	vst v63  }
0x27: {  	_ =	swait.ge [sflag:s19], $0x7D0  }
0x28: {  	[sflag:s19] =	ssyncset.done $0x0  }
0x29: {  	[sflag:s19] =	ssyncadd.s32 $0xFFFFF830  }
0x2a: {  	[tilespmem:s21], [sflag:$0x1] =	stream.indirect.gather [hbm4b:s4+s20], $0x10, s3, s20, $0xb8;
	[tilespmem:$0x16840] =	vst v63  }
0x2b: {  	_ = 	snop  }
0x2c: {  	[tilespmem:s22], [sflag:$0x5] =	stream.linear.gather [hbm4b:s10+s3], $0x7D0, $0x38;
	[tilespmem:$0x16840] =	vst v63  }
0x2d: {  	_ =	swait.ge [sflag:s19], $0x7D0  }
0x2e: {  	[sflag:s19] =	ssyncset.done $0x0  }
0x2f: {  	s1 =	sadd.s32 s8, s9;
	[sflag:s19] =	ssyncadd.s32 $0xFFFFF830  }
0x30: {  	[tilespmem:s23], [sflag:$0x5] =	stream.linear.gather [hbm4b:s1+s3], $0x7D0, $0x38;
	[tilespmem:$0x16840] =	vst v63  }
0x31: {  	_ =	swait.ge [sflag:s19], $0x7D0  }
0x32: {  	[sflag:s19] =	ssyncset.done $0x0  }
0x33: {  	[sflag:s19] =	ssyncadd.s32 $0xFFFFF830  }
0x34: {  	[tilespmem:s25], [sflag:$0x2] =	stream.indirect.gather [hbm4b:s4+s20], $0x10, s22, s20, $0xb8;
	[tilespmem:$0x16840] =	vst v63  }
0x35: {  	_ =	swait.ge [sflag:s26], $0x7D00  }
0x36: {  	[sflag:s26] =	ssyncset.done $0x0  }
0x37: {  	[sflag:s26] =	ssyncadd.s32 $0xFFFF8300  }
0x38: {  	[spmem:s2] =	stream.indirect.scatter.add.f32 [tilespmem:s21], [sflag:$0x3], $0x10, s20, s20, $0xb8;
	[tilespmem:$0x16840] =	vst v63  }
0x39: {  	_ =	swait.ge [sflag:s28], $0x7D00  }
0x3a: {  	[sflag:s28] =	ssyncset.done $0x0  }
0x3b: {  	[sflag:s28] =	ssyncadd.s32 $0xFFFF8300  }
0x3c: {  	[tilespmem:s3], [sflag:$0x5] =	stream.linear.gather [hbm4b:s12+s3], $0x7D0, $0x38;
	[tilespmem:$0x16840] =	vst v63  }
0x3d: {  	_ =	swait.ge [sflag:s19], $0x7D0  }
0x3e: {  	[sflag:s19] =	ssyncset.done $0x0  }
0x3f: {  	s1 =	sadd.s32 s11, s9;
	[sflag:s19] =	ssyncadd.s32 $0xFFFFF830  }
0x40: {  	[tilespmem:s20], [sflag:$0x5] =	stream.linear.gather [hbm4b:s1+s3], $0x7D0, $0x38;
	[tilespmem:$0x16840] =	vst v63  }
0x41: {  	_ =	swait.ge [sflag:s19], $0x7D0  }
0x42: {  	[sflag:s19] =	ssyncset.done $0x0  }
0x43: {  	[sflag:s19] =	ssyncadd.s32 $0xFFFFF830  }
0x44: {  	[tilespmem:s21], [sflag:$0x1] =	stream.indirect.gather [hbm4b:s4+s20], $0x10, s3, s20, $0xb8;
	[tilespmem:$0x16840] =	vst v63  }
0x45: {  	_ =	swait.ge [sflag:s29], $0x7D00  }
0x46: {  	[sflag:s29] =	ssyncset.done $0x0  }
0x47: {  	[sflag:s29] =	ssyncadd.s32 $0xFFFF8300  }
0x48: {  	[spmem:s2] =	stream.indirect.scatter.add.f32 [tilespmem:s25], [sflag:$0x4], $0x10, s23, s20, $0xb8;
	[tilespmem:$0x16840] =	vst v63  }
0x49: {  	_ =	swait.ge [sflag:s30], $0x7D00  }
0x4a: {  	[sflag:s30] =	ssyncset.done $0x0  }
0x4b: {  	[sflag:s30] =	ssyncadd.s32 $0xFFFF8300  }
0x4c: {  	[tilespmem:s22], [sflag:$0x5] =	stream.linear.gather [hbm4b:s15+s3], $0x7D0, $0x38;
	[tilespmem:$0x16840] =	vst v63  }
0x4d: {  	_ =	swait.ge [sflag:s19], $0x7D0  }
0x4e: {  	[sflag:s19] =	ssyncset.done $0x0  }
0x4f: {  	s1 =	sadd.s32 s13, s9;
	[sflag:s19] =	ssyncadd.s32 $0xFFFFF830  }
0x50: {  	[tilespmem:s23], [sflag:$0x5] =	stream.linear.gather [hbm4b:s1+s3], $0x7D0, $0x38;
	[tilespmem:$0x16840] =	vst v63  }
0x51: {  	_ =	swait.ge [sflag:s19], $0x7D0  }
0x52: {  	[sflag:s19] =	ssyncset.done $0x0  }
0x53: {  	[sflag:s19] =	ssyncadd.s32 $0xFFFFF830  }
0x54: {  	[tilespmem:s25], [sflag:$0x2] =	stream.indirect.gather [hbm4b:s4+s20], $0x10, s22, s20, $0xb8;
	[tilespmem:$0x16840] =	vst v63  }
0x55: {  	_ =	swait.ge [sflag:s26], $0x7D00  }
0x56: {  	[sflag:s26] =	ssyncset.done $0x0  }
0x57: {  	[sflag:s26] =	ssyncadd.s32 $0xFFFF8300  }
0x58: {  	[spmem:s2] =	stream.indirect.scatter.add.f32 [tilespmem:s21], [sflag:$0x3], $0x10, s20, s20, $0xb8;
	[tilespmem:$0x16840] =	vst v63  }
0x59: {  	_ =	swait.ge [sflag:s28], $0x7D00  }
0x5a: {  	[sflag:s28] =	ssyncset.done $0x0  }
0x5b: {  	[sflag:s28] =	ssyncadd.s32 $0xFFFF8300  }
0x5c: {  	[tilespmem:s3], [sflag:$0x5] =	stream.linear.gather [hbm4b:s16+s3], $0x7D0, $0x38;
	[tilespmem:$0x16840] =	vst v63  }
0x5d: {  	_ =	swait.ge [sflag:s19], $0x7D0  }
0x5e: {  	[sflag:s19] =	ssyncset.done $0x0  }
0x5f: {  	s1 =	sadd.s32 s14, s9;
	[sflag:s19] =	ssyncadd.s32 $0xFFFFF830  }
0x60: {  	[tilespmem:s20], [sflag:$0x5] =	stream.linear.gather [hbm4b:s1+s3], $0x7D0, $0x38;
	[tilespmem:$0x16840] =	vst v63  }
0x61: {  	_ =	swait.ge [sflag:s19], $0x7D0  }
0x62: {  	[sflag:s19] =	ssyncset.done $0x0  }
0x63: {  	[sflag:s19] =	ssyncadd.s32 $0xFFFFF830  }
0x64: {  	[tilespmem:s21], [sflag:$0x1] =	stream.indirect.gather [hbm4b:s4+s20], $0x10, s3, s20, $0xb8;
	[tilespmem:$0x16840] =	vst v63  }
0x65: {  	_ =	swait.ge [sflag:s29], $0x7D00  }
0x66: {  	[sflag:s29] =	ssyncset.done $0x0  }
0x67: {  	[sflag:s29] =	ssyncadd.s32 $0xFFFF8300  }
0x68: {  	[spmem:s2] =	stream.indirect.scatter.add.f32 [tilespmem:s25], [sflag:$0x4], $0x10, s23, s20, $0xb8;
	[tilespmem:$0x16840] =	vst v63  }
0x69: {  	_ =	swait.ge [sflag:s26], $0x7D00  }
0x6a: {  	[sflag:s26] =	ssyncset.done $0x0  }
0x6b: {  	[sflag:s26] =	ssyncadd.s32 $0xFFFF8300  }
0x6c: {  	[spmem:s2] =	stream.indirect.scatter.add.f32 [tilespmem:s21], [sflag:$0x3], $0x10, s20, s20, $0xb8;
	[tilespmem:$0x16840] =	vst v63  }
0x6d: {  	_ =	swait.ge [sflag:s30], $0x7D00  }
0x6e: {  	[sflag:s30] =	ssyncset.done $0x0  }
0x6f: {  	[sflag:s30] =	ssyncadd.s32 $0xFFFF8300  }
0x70: {  	_ =	swait.ge [sflag:s28], $0x7D00  }
0x71: {  	[sflag:s28] =	ssyncset.done $0x0  }
0x72: {  	[sflag:s28] =	ssyncadd.s32 $0xFFFF8300  }
0x73: {  	[bflag:$0x0] =	sbarrier.arrive $0xFFFF  }
0x74: {  	[tilespmem:s18], [sflag:$0x5] =	stream.linear.gather [spmem:s6], $0x2780, $0x38;
	[tilespmem:$0x16840] =	vst v63  }
0x75: {  	s31 =	sadd.s32 $0x1, s31;
	_ =	swait.ge [sflag:s19], $0x2780  }
0x76: {  	p0 =	sne.s32 s31, s17;
	[sflag:s19] =	ssyncset.done $0x0  }
.Ltmp1:
0x77: {  	[sflag:s19] =	ssyncadd.s32 $0xFFFFD880;
	(pc) =	sbr.rel @p0 .LBB2_1-.Ltmp1, $4  }
0x78: {  	[hbm4b:s24+s3] =	stream.linear.scatter [tilespmem:s18], [sflag:$0x5], $0x2780, $0x38;
	[tilespmem:$0x16840] =	vst v63  }
0x79: {  	_ =	swait.ge [sflag:s19], $0x2780  }
0x7a: {  	[sflag:s19] =	ssyncset.done $0x0  }
0x7b: {  	[sflag:s19] =	ssyncadd.s32 $0xFFFFD880  }
0x7c: {  	_ =	sfence.sel $0x180000  }
0x7d: {  	[bflag:$0x0] =	sbarrier.arrive $0xFFFF  }
0x7e: {  	_ =	strace $0x9000004D  }
0x7f: {  	s0 =	stileid.u32;
	[bflag:$0x2] =	sbarrier.arrive $0xFFFF  }
0x80: {  	p0 =	sne.s32 s0, $0x0;
	s0 =	rddreg [dreg:$0x2]  }
0x81: {  	s0 =	sadd.s32 @!p0 $0x100000, s0  }
0x82: {  	[sflag:s0] =	ssyncadd.tile.s32 @!p0 $0x1;
	_ =	shalt  }
.Lfunc_end2:
_tile_overlayer_lowered:
.L_overlay_start_2:
0x83: {  	(tag) =	ssettag $0x2  }
0x84: {  	s0 =	rddreg [dreg:$0x0];
	s2 =	stileid.u32  }
0x85: {  	s1 =	rddreg [dreg:$0x1];
	p0 =	sne.s32 s2, $0x0  }
0x86: {  	s3 =	rddreg [dreg:$0x2];
	[bflag:$0x3] =	sbarrier.arrive $0xFFFF;
	s2 =	simm.s32 @!p0 $0x1C05  }
0x87: {  	[timem:s3], [sflag:s2] =	dma.local @!p0 [hbm:s0], s1  }
0x88: {  	s0 =	simm.s32 @!p0 $0x5  }
0x89: {  	_ =	swait.ge @!p0 [sflag:s0], s1  }
0x8a: {  	s1 =	ssub.s32 @!p0 $0x0, s1;
	[sflag:s0] =	ssyncset.done @!p0 $0x0  }
0x8b: {  	[sflag:s0] =	ssyncadd.s32 @!p0 s1  }
0x8c: {  	[bflag:$0x3] =	sbarrier.arrive $0xFFFF  }
0x8d: {  	_ =	shalt  }

// kernel: kernel.8.cloned.1.call-start
scs
__scs_entry_jumppad:
0x0: {  	(pc) =	sbr.rel $0x88, $3  }
0x1: {  	(tag) =	ssettag $0x0;
	lr =	simm.s32 $0x1  }
0x2: {  	[smem:$0x3F9B] =	sst lr;
	_ =	strace $0xD0000000  }
0x3: {  	_ = 	snop  }
0x4: {  	_ = 	snop  }
0x5: {  	_ = 	snop  }
0x6: {  	_ = 	snop  }
0x7: {  	_ = 	snop  }
__scs_overlays_trampoline_lowered:
0x8: {  	[smem:$0x3FAA] =	sst s0  }
0x9: {  	[smem:$0x3FAB] =	sst s1  }
0xa: {  	[smem:$0x3FAC] =	sst s2  }
0xb: {  	[smem:$0x3FAD] =	sst s3  }
0xc: {  	[smem:$0x3FAE] =	sst s4  }
0xd: {  	[smem:$0x3FAF] =	sst s5  }
0xe: {  	[smem:$0x3FB0] =	sst s6  }
0xf: {  	[smem:$0x3FB1] =	sst s7  }
0x10: {  	[smem:$0x3FB2] =	sst s8  }
0x11: {  	[smem:$0x3FB3] =	sst s9;
	s0 =	simm.s32 @!p0 $0x0  }
0x12: {  	s1 =	sld [smem:$0x3F99];
	s0 =	simm.s32 @p0 $0x1  }
0x13: {  	[smem:$0x3FB4] =	sst s0;
	s0 =	simm.s32 @!p1 $0x0  }
0x14: {  	s2 =	sld [smem:$0x3F98];
	s0 =	simm.s32 @p1 $0x1  }
0x15: {  	[smem:$0x3FB5] =	sst s0;
	s0 =	simm.s32 @!p2 $0x0  }
0x16: {  	s3 =	sld [smem:$0x3FDB];
	s0 =	simm.s32 @p2 $0x1  }
0x17: {  	s4 =	simm.s32 $0x1BF5;
	[smem:$0x3FB7] =	sst s0  }
0x18: {  	s0 =	sld [smem:$0x3F9A];
	_ =	swait.ge [sflag:s4], $0x0  }
0x19: {  	s7 =	sld [smem:$0x3F9B]  }
0x1a: {  	s8 =	sadd.s32 $0xFFFFE003, lr  }
0x1b: {  	s9 =	sadd.s32 $0xFFFFFEF7, lr;
	s5 =	simm.s32 $0xFFFFFFFF;
	p2 =	slt.u32 s8, $0xFFFFF086  }
0x1c: {  	p1 =	slt.u32 s9, $0xF7A;
	s5 =	simm.s32 @!p2 $0x0  }
0x1d: {  	s5 =	simm.s32 @p1 $0x1;
	p0 =	seq.s32 s7, s2  }
0x1e: {  	s7 =	smul.u32 @!p0 $0xF7A, s2;
	p2 =	seq.s32 @!p0 s5, $0x0  }
0x1f: {  	s9 =	smul.u32 $0xF7A, s1;
	s8 =	simm.s32 @!p0 $0x1BF5;
	p2 =	por !p2, p0  }
0x20: {  	[sflag:s8] =	ssyncset.s32 @!p0 $0xFFFFF086;
	s6 =	sadd.s32 @!p0 s3, s7;
	s7 =	simm.s32 @!p0 $0x108  }
0x21: {  	s3 =	sadd.s32 s3, s9;
	s6 =	sadd.s32 @!p0 $0x88, s6;
	s7 =	simm.s32 @p2 $0x1082  }
0x22: {  	[simem:s7], [sflag:s8] =	dma.local @!p0 [hbm:s6], $0xF7A  }
0x23: {  	s9 =	sor.u32 $0xD0000000, s2;
	s6 =	simm.s32 $0x108;
	_ =	swait.ge @!p0 [sflag:s8], $0x0  }
0x24: {  	s3 =	sadd.s32 $0x88, s3;
	s6 =	simm.s32 @!p1 $0x1082;
	[sflag:s4] =	ssyncset.s32 $0xFFFFF086  }
0x25: {  	[simem:s6], [sflag:s4] =	dma.local [hbm:s3], $0xF7A  }
0x26: {  	[smem:$0x3F9B] =	sst s1;
	(tag) =	ssettag s2;
	_ =	strace s9  }
0x27: {  	s1 =	sld [smem:$0x3FAB]  }
0x28: {  	s2 =	sld [smem:$0x3FAC]  }
0x29: {  	s4 =	sld [smem:$0x3FAE]  }
0x2a: {  	p0 =	seq.s32 s5, $0x0;
	s5 =	sld [smem:$0x3FAF]  }
0x2b: {  	s6 =	sld [smem:$0x3FB0]  }
0x2c: {  	s7 =	sld [smem:$0x3FB1]  }
0x2d: {  	s3 =	simm.s32 $0x108;
	s8 =	sld [smem:$0x3FB2]  }
0x2e: {  	s3 =	simm.s32 @!p0 $0x1082;
	s9 =	sld [smem:$0x3FB3]  }
0x2f: {  	lr =	sadd.s32 s0, s3;
	s0 =	sld [smem:$0x3FAA]  }
0x30: {  	s3 =	sld [smem:$0x3FAD]  }
0x31: {  	[smem:$0x3FB6] =	sst s10  }
0x32: {  	s10 =	sld [smem:$0x3FB4];
	_ =	sdelay $0x3  }
0x33: {  	p0 =	seq.s32 s10, $0x1;
	s10 =	sld [smem:$0x3FB6];
	_ =	sdelay $0x3  }
0x34: {  	[smem:$0x3FB6] =	sst s10  }
0x35: {  	s10 =	sld [smem:$0x3FB5];
	_ =	sdelay $0x3  }
0x36: {  	p1 =	seq.s32 s10, $0x1;
	s10 =	sld [smem:$0x3FB6];
	_ =	sdelay $0x3  }
0x37: {  	[smem:$0x3FB6] =	sst s10  }
0x38: {  	s10 =	sld [smem:$0x3FB7]  }
0x39: {  	_ = 	snop;
	(pc) =	sbr.ind lr, $3  }
0x3a: {  	_ = 	snop  }
0x3b: {  	_ = 	snop  }
0x3c: {  	p2 =	seq.s32 s10, $0x1;
	s10 =	sld [smem:$0x3FB6]  }
0x3d: {  	_ =	shalt  }
0x3e: {  	_ =	shalt  }
0x3f: {  	_ =	shalt  }
0x40: {  	_ =	shalt  }
0x41: {  	_ =	shalt  }
0x42: {  	_ =	shalt  }
0x43: {  	_ =	shalt  }
0x44: {  	_ =	shalt  }
0x45: {  	_ =	shalt  }
0x46: {  	_ =	shalt  }
0x47: {  	_ =	shalt  }
0x48: {  	_ =	shalt  }
0x49: {  	_ =	shalt  }
0x4a: {  	_ =	shalt  }
0x4b: {  	_ =	shalt  }
0x4c: {  	_ =	shalt  }
0x4d: {  	_ =	shalt  }
0x4e: {  	_ =	shalt  }
0x4f: {  	_ =	shalt  }
0x50: {  	_ =	shalt  }
0x51: {  	_ =	shalt  }
0x52: {  	_ =	shalt  }
0x53: {  	_ =	shalt  }
0x54: {  	_ =	shalt  }
0x55: {  	_ =	shalt  }
0x56: {  	_ =	shalt  }
0x57: {  	_ =	shalt  }
0x58: {  	_ =	shalt  }
0x59: {  	_ =	shalt  }
0x5a: {  	_ =	shalt  }
0x5b: {  	_ =	shalt  }
0x5c: {  	_ =	shalt  }
0x5d: {  	_ =	shalt  }
0x5e: {  	_ =	shalt  }
0x5f: {  	_ =	shalt  }
0x60: {  	_ =	shalt  }
0x61: {  	_ =	shalt  }
0x62: {  	_ =	shalt  }
0x63: {  	_ =	shalt  }
0x64: {  	_ =	shalt  }
0x65: {  	_ =	shalt  }
0x66: {  	_ =	shalt  }
0x67: {  	_ =	shalt  }
0x68: {  	_ =	shalt  }
0x69: {  	_ =	shalt  }
0x6a: {  	_ =	shalt  }
0x6b: {  	_ =	shalt  }
0x6c: {  	_ =	shalt  }
0x6d: {  	_ =	shalt  }
0x6e: {  	_ =	shalt  }
0x6f: {  	_ =	shalt  }
0x70: {  	_ =	shalt  }
0x71: {  	_ =	shalt  }
0x72: {  	_ =	shalt  }
0x73: {  	_ =	shalt  }
0x74: {  	_ =	shalt  }
0x75: {  	_ =	shalt  }
0x76: {  	_ =	shalt  }
0x77: {  	_ =	shalt  }
0x78: {  	_ =	shalt  }
0x79: {  	_ =	shalt  }
0x7a: {  	_ =	shalt  }
0x7b: {  	_ =	shalt  }
0x7c: {  	_ =	shalt  }
0x7d: {  	_ =	shalt  }
0x7e: {  	_ =	shalt  }
0x7f: {  	_ =	shalt  }
0x80: {  	_ =	shalt  }
0x81: {  	_ =	shalt  }
0x82: {  	_ =	shalt  }
0x83: {  	_ =	shalt  }
0x84: {  	_ =	shalt  }
0x85: {  	_ =	shalt  }
0x86: {  	_ =	shalt  }
0x87: {  	_ =	shalt  }
.Lfunc_end0:
.L_simem_size_0:
called_computation_lowered:
.L_overlay_start_0:
0x88: {  	s2 =	sld [smem:$0x3FD9]  }
0x89: {  	s3 =	sld [smem:$0x3FFE];
	_ =	sdelay $0x1  }
0x8a: {  	s1 =	srdreg.scid  }
0x8b: {  	s0 =	sand.u32 $0x1, s1  }
0x8c: {  	s16 =	sshll.u32 s0, $0xA;
	s2 =	sadd.s32 s3, s2  }
0x8d: {  	s2 =	sadd.s32 s2, s16  }
0x8e: {  	[smem:$0x3FC2] =	sst s2  }
0x8f: {  	_ = 	snop  }
0x90: {  	(tm) =	ssettm $0x1  }
0x91: {  	s17 =	sld [smem:$0x3FFB];
	_ =	sdelay $0x3  }
0x92: {  	_ =	strace s17  }
0x93: {  	s2 =	sld [smem:$0x3FFC];
	_ =	sdelay $0x3  }
0x94: {  	_ =	strace s2  }
0x95: {  	s2 =	sld [smem:$0x3FFD];
	_ =	sdelay $0x3  }
0x96: {  	_ =	strace s2  }
0x97: {  	_ =	strace $0x8FFFFFFF  }
0x98: {  	s18 =	sld [smem:$0x3FDB];
	_ =	sdelay $0x1  }
0x99: {  	s19 =	simm.s32 $_scs_section_size  }
0x9a: {  	s4 =	simm.s32 $_size__tile_overlayer_lowered;
	s5 =	simm.s32 $_tile_overlayer_lowered  }
0x9b: {  	s22 =	simm.s32 $0x1BFF;
	s21 =	sshll.u32 s5, $0x1;
	s2 =	sadd.s32 s19, s18  }
0x9c: {  	s6 =	simm.s32 $0x0;
	s20 =	sshll.u32 s4, $0x1;
	s4 =	sadd.s32 s21, s2  }
0x9d: {  	[timem:s6], [sflag:s22] =	dma.local [hbm:s4], s20  }
0x9e: {  	_ =	swait.ge [sflag:s22], s20  }
0x9f: {  	s3 =	ssub.s32 $0x0, s20;
	[sflag:s22] =	ssyncset.done $0x0  }
0xa0: {  	[sflag:s22] =	ssyncadd.s32 s3;
	_ =	sdelay $0x1  }
0xa1: {  	s23 =	simm.s32 $0x1B8B  }
0xa2: {  	_ =	swait.ge [sflag:s23], $0x1  }
0xa3: {  	[sflag:s23] =	ssyncset.done $0x0  }
0xa4: {  	s25 =	simm.s32 $0x1B8E;
	s24 =	sld [smem:$0x3FFE];
	[sflag:s23] =	ssyncadd.s32 $0xFFFFFFFF  }
0xa5: {  	s26 =	simm.s32 $execute0_lowered;
	[smem:$0x3FD2] =	sst s25  }
0xa6: {  	s4 =	sshll.u32 s26, $0x1;
	_ =	strace $0x80000046;
	[dreg:$0x1] =	wrdreg $0xFFFFFFFF  }
0xa7: {  	s28 =	simm.s32 $_size_execute0_lowered;
	s2 =	sadd.s32 s2, s4;
	[dreg:$0x0] =	wrdreg $0x0  }
0xa8: {  	s4 =	sshll.u32 s28, $0x1;
	[dreg:$0x2] =	wrdreg s2  }
0xa9: {  	[dreg:$0x3] =	wrdreg s4  }
0xaa: {  	[dreg:$0x4] =	wrdreg $0xC0  }
0xab: {  	_ =	task [dreg:s6], $0x5FFFF  }
0xac: {  	[dreg:$0x1] =	wrdreg $0xFFFFFFFF  }
0xad: {  	[dreg:$0x0] =	wrdreg $0x60  }
0xae: {  	[dreg:$0x2] =	wrdreg s24  }
0xaf: {  	[dreg:$0x3] =	wrdreg $0xB4200  }
0xb0: {  	[dreg:$0x4] =	wrdreg $0x9  }
0xb1: {  	_ =	task.clear_ibuf [dreg:s6], $0x5FFFF;
	_ =	strace $0x90000046  }
0xb2: {  	s29 =	simm.s32 $0x9;
	_ =	strace $0x80000048  }
0xb3: {  	_ =	swait.ge [sflag:s29], $0x1  }
0xb4: {  	[sflag:s29] =	ssyncadd.s32 $0xFFFFFFFF  }
0xb5: {  	_ =	strace $0x90000048  }
0xb6: {  	_ =	sfence  }
0xb7: {  	s30 =	sld [smem:$0x0];
	_ =	sdelay $0x2  }
0xb8: {  	s31 =	sshll.u32 s1, $0xD;
	s1 =	sshrl.u32 s1, $0x2  }
0xb9: {  	s3 =	sand.u32 $0x4000, s31;
	s1 =	sadd.s32 s1, s30  }
0xba: {  	s0 =	sor.u32 s3, s0;
	s1 =	sshll.u32 s1, $0x11  }
0xbb: {  	s0 =	sor.u32 s1, s0  }
0xbc: {  	s0 =	sadd.s32 $0x8F2B, s0  }
0xbd: {  	[sflag:s0] =	ssyncadd.remote.s32 $0x1  }
0xbe: {  	_ =	sfence.sel $0xFFFF  }
0xbf: {  	[dreg:$0x0] =	wrdreg $0xFFFFFFFF;
	(pc) =	sbr.abs _section_cstart, $3  }
0xc0: {  	[dreg:$0x1] =	wrdreg $0xFFFFFFFF  }
0xc1: {  	_ =	task.clear_ibuf [dreg:s6], $0x2FFFF;
	_ =	strace $0x9FFFFFFF  }
0xc2: {  	(tm) =	ssettm $0x7FFFFFFF  }
0xc3: {  	_ =	shalt  }
tec
execute0_lowered:
.L_overlay_start_1:
0x0: {  	(tag) =	ssettag $0x1  }
0x1: {  	s5 =	rddreg [dreg:$0x0];
	s0 =	srdreg.scid  }
0x2: {  	s2 =	rddreg [dreg:$0x1];
	s1 =	stileid.u32;
	s3 =	simm.s32 $0x0  }
0x3: {  	s12 =	simm.s32 $0x1;
	s14 =	simm.s32 $0x2;
	s4 =	sand.u32 $0x1, s0  }
0x4: {  	s0 =	rddreg [dreg:$0x2];
	s7 =	sshll.u32 s1, $0x1;
	s8 =	smul.u32 $0x2780, s1  }
0x5: {  	[smem:$0x7FF] =	sst s3;
	s16 =	sadd.s32 $0xC840, s5;
	s6 =	smul.u32 $0x4F00, s4  }
0x6: {  	s7 =	sor.u32 s4, s7;
	s4 =	ssub.s32 $0x2, s4;
	_ =	strace $0x80000047  }
0x7: {  	s7 =	smul.u32 $0x2710, s7;
	s9 =	sshrl.u32 s4, $0x1;
	s19 =	sshrl.u32 s8, $0x3  }
0x8: {  	s6 =	sadd.s32 s6, s5;
	s9 =	ssub.s32 s4, s9;
	s4 =	sadd.s32 s8, s2  }
0x9: {  	s10 =	sshrl.u32 s7, $0x3;
	s18 =	sadd.s32 $0x16600, s6;
	s5 =	smax.u32 s9, $0x1  }
0xa: {  	s6 =	simm.s32 $0x8CA0;
	s7 =	simm.s32 $0x3;
	s11 =	sadd.s32 $0xFA, s10  }
0xb: {  	s13 =	sadd.s32 $0x1F4, s10;
	s15 =	sadd.s32 $0x2EE, s10;
	s17 =	sadd.s32 $0x3E8, s10  }
0xc: {  	s8 =	sadd.s32 s10, s16;
	s10 =	simm.s32 $0x7D0;
	s9 =	sadd.s32 s11, s16  }
0xd: {  	s11 =	simm.s32 $0xFA0;
	s13 =	sadd.s32 s13, s16;
	s15 =	sadd.s32 s15, s16  }
0xe: {  	v0 =	vimm.f32 $0.0e+00;
	v1 =	vimm.f32 $1.000000000e+00;
	s16 =	sadd.s32 s17, s16;
	s17 =	sadd.s32 s19, s18;
	s18 =	simm.s32 $0x0  }
.LBB2_1:
0xf: {  	s19 =	simm.s32 $0x8CC0  }
0x10: {  	[tilespmem:s19+$0xFFFFFFE0] =	vst v0  }
0x11: {  	[tilespmem:s19+$0x10] =	vst v0  }
0x12: {  	s20 =	simm.s32 $0x0;
	[tilespmem:s19+$0x0] =	vst v0  }
.LBB2_2:
0x13: {  	s20 =	sadd.s32 $0x4, s20  }
0x14: {  	[tilespmem:s19+$0xFFFFFFF0] =	vst v0;
	s19 =	sadd.s32 $0x40, s19;
	p0 =	slt.u32 s20, $0x274  }
.Ltmp0:
0x15: {  	[tilespmem:s19+$0xFFFFFFE0] =	vst v0;
	(pc) =	sbr.rel @p0 .LBB2_2-.Ltmp0, $3  }
0x16: {  	_ =	sdelay $0x1  }
0x17: {  	[tilespmem:s19+$0x10] =	vst v0  }
0x18: {  	[tilespmem:s19+$0x0] =	vst v0  }
0x19: {  	[tilespmem:s19+$0xFFFFFFF0] =	vst v0  }
0x1a: {  	[spmem:s4] =	stream.linear.scatter [tilespmem:s6], [sflag:$0x3], $0x2780, $0x38;
	[tilespmem:$0xDBA0] =	vst v63  }
0x1b: {  	_ =	swait.ge [sflag:s7], $0x2780  }
0x1c: {  	[sflag:s7] =	ssyncset.done $0x0  }
0x1d: {  	s19 =	simm.s32 $0xFC0;
	[sflag:s7] =	ssyncadd.s32 $0xFFFFD880  }
0x1e: {  	[tilespmem:s19+$0xFFFFFFE0] =	vst v1  }
0x1f: {  	[tilespmem:s19+$0x10] =	vst v1  }
0x20: {  	s20 =	simm.s32 $0x0;
	[tilespmem:s19+$0x0] =	vst v1  }
.LBB2_4:
0x21: {  	s20 =	sadd.s32 $0x4, s20  }
0x22: {  	[tilespmem:s19+$0xFFFFFFF0] =	vst v1;
	s19 =	sadd.s32 $0x40, s19;
	p0 =	slt.u32 s20, $0x7CC  }
.Ltmp1:
0x23: {  	[tilespmem:s19+$0xFFFFFFE0] =	vst v1;
	(pc) =	sbr.rel @p0 .LBB2_4-.Ltmp1, $3  }
0x24: {  	_ =	sdelay $0x1  }
0x25: {  	[tilespmem:s19+$0x10] =	vst v1  }
0x26: {  	[tilespmem:s19+$0x0] =	vst v1  }
0x27: {  	[tilespmem:s19+$0xFFFFFFF0] =	vst v1  }
0x28: {  	[bflag:$0x0] =	sbarrier.arrive $0xFFFF  }
0x29: {  	[tilespmem:s3], [sflag:$0x3] =	stream.linear.gather [hbm4b:s8+s3], $0x7D0, $0x38;
	[tilespmem:$0xDBA0] =	vst v63  }
0x2a: {  	_ =	swait.ge [sflag:s7], $0x7D0  }
0x2b: {  	[sflag:s7] =	ssyncset.done $0x0  }
0x2c: {  	[sflag:s7] =	ssyncadd.s32 $0xFFFFF830  }
0x2d: {  	[tilespmem:s10], [sflag:$0x3] =	stream.linear.gather [hbm4b:s9+s3], $0x7D0, $0x38;
	[tilespmem:$0xDBA0] =	vst v63  }
0x2e: {  	_ =	swait.ge [sflag:s7], $0x7D0  }
0x2f: {  	[sflag:s7] =	ssyncset.done $0x0  }
0x30: {  	[sflag:s7] =	ssyncadd.s32 $0xFFFFF830  }
0x31: {  	[spmem:s2] =	stream.indirect.scatter.add.f32 [tilespmem:s11], [sflag:$0x1], $0x10, s3, s10, $0xb8;
	[tilespmem:$0xDBA0] =	vst v63  }
0x32: {  	_ =	swait.ge [sflag:s12], $0x7D00  }
0x33: {  	[sflag:s12] =	ssyncset.done $0x0  }
0x34: {  	[sflag:s12] =	ssyncadd.s32 $0xFFFF8300  }
0x35: {  	[tilespmem:s3], [sflag:$0x3] =	stream.linear.gather [hbm4b:s13+s3], $0x7D0, $0x38;
	[tilespmem:$0xDBA0] =	vst v63  }
0x36: {  	_ =	swait.ge [sflag:s7], $0x7D0  }
0x37: {  	[sflag:s7] =	ssyncset.done $0x0  }
0x38: {  	[sflag:s7] =	ssyncadd.s32 $0xFFFFF830  }
0x39: {  	[spmem:s2] =	stream.indirect.scatter.add.f32 [tilespmem:s11], [sflag:$0x2], $0x10, s10, s10, $0xb8;
	[tilespmem:$0xDBA0] =	vst v63  }
0x3a: {  	_ =	swait.ge [sflag:s14], $0x7D00  }
0x3b: {  	[sflag:s14] =	ssyncset.done $0x0  }
0x3c: {  	[sflag:s14] =	ssyncadd.s32 $0xFFFF8300  }
0x3d: {  	[tilespmem:s10], [sflag:$0x3] =	stream.linear.gather [hbm4b:s15+s3], $0x7D0, $0x38;
	[tilespmem:$0xDBA0] =	vst v63  }
0x3e: {  	_ =	swait.ge [sflag:s7], $0x7D0  }
0x3f: {  	[sflag:s7] =	ssyncset.done $0x0  }
0x40: {  	[sflag:s7] =	ssyncadd.s32 $0xFFFFF830  }
0x41: {  	[spmem:s2] =	stream.indirect.scatter.add.f32 [tilespmem:s11], [sflag:$0x1], $0x10, s3, s10, $0xb8;
	[tilespmem:$0xDBA0] =	vst v63  }
0x42: {  	_ =	swait.ge [sflag:s12], $0x7D00  }
0x43: {  	[sflag:s12] =	ssyncset.done $0x0  }
0x44: {  	[sflag:s12] =	ssyncadd.s32 $0xFFFF8300  }
0x45: {  	[tilespmem:s3], [sflag:$0x3] =	stream.linear.gather [hbm4b:s16+s3], $0x7D0, $0x38;
	[tilespmem:$0xDBA0] =	vst v63  }
0x46: {  	_ =	swait.ge [sflag:s7], $0x7D0  }
0x47: {  	[sflag:s7] =	ssyncset.done $0x0  }
0x48: {  	[sflag:s7] =	ssyncadd.s32 $0xFFFFF830  }
0x49: {  	[spmem:s2] =	stream.indirect.scatter.add.f32 [tilespmem:s11], [sflag:$0x2], $0x10, s10, s10, $0xb8;
	[tilespmem:$0xDBA0] =	vst v63  }
0x4a: {  	_ = 	snop  }
0x4b: {  	[spmem:s2] =	stream.indirect.scatter.add.f32 [tilespmem:s11], [sflag:$0x1], $0x10, s3, s10, $0xb8;
	[tilespmem:$0xDBA0] =	vst v63  }
0x4c: {  	_ =	swait.ge [sflag:s14], $0x7D00  }
0x4d: {  	[sflag:s14] =	ssyncset.done $0x0  }
0x4e: {  	[sflag:s14] =	ssyncadd.s32 $0xFFFF8300  }
0x4f: {  	_ =	swait.ge [sflag:s12], $0x7D00  }
0x50: {  	[sflag:s12] =	ssyncset.done $0x0  }
0x51: {  	[sflag:s12] =	ssyncadd.s32 $0xFFFF8300  }
0x52: {  	[bflag:$0x0] =	sbarrier.arrive $0xFFFF  }
0x53: {  	[tilespmem:s6], [sflag:$0x3] =	stream.linear.gather [spmem:s4], $0x2780, $0x38;
	[tilespmem:$0xDBA0] =	vst v63  }
0x54: {  	s18 =	sadd.s32 $0x1, s18;
	_ =	swait.ge [sflag:s7], $0x2780  }
0x55: {  	p0 =	sne.s32 s18, s5;
	[sflag:s7] =	ssyncset.done $0x0  }
.Ltmp2:
0x56: {  	[sflag:s7] =	ssyncadd.s32 $0xFFFFD880;
	(pc) =	sbr.rel @p0 .LBB2_1-.Ltmp2, $4  }
0x57: {  	[hbm4b:s17+s3] =	stream.linear.scatter [tilespmem:s6], [sflag:$0x3], $0x2780, $0x38;
	[tilespmem:$0xDBA0] =	vst v63  }
0x58: {  	_ =	swait.ge [sflag:s7], $0x2780  }
0x59: {  	[sflag:s7] =	ssyncset.done $0x0  }
0x5a: {  	[sflag:s7] =	ssyncadd.s32 $0xFFFFD880  }
0x5b: {  	_ =	sfence.sel $0x180000  }
0x5c: {  	[bflag:$0x0] =	sbarrier.arrive $0xFFFF  }
0x5d: {  	p0 =	sne.s32 s1, $0x0;
	_ =	strace $0x90000047  }
0x5e: {  	s0 =	sadd.s32 @!p0 $0x100000, s0;
	[bflag:$0x2] =	sbarrier.arrive $0xFFFF  }
0x5f: {  	[sflag:s0] =	ssyncadd.tile.s32 @!p0 $0x1;
	_ =	shalt  }
.Lfunc_end2:
_tile_overlayer_lowered:
.L_overlay_start_2:
0x60: {  	(tag) =	ssettag $0x2  }
0x61: {  	s0 =	rddreg [dreg:$0x0];
	s2 =	stileid.u32  }
0x62: {  	s1 =	rddreg [dreg:$0x1];
	p0 =	sne.s32 s2, $0x0  }
0x63: {  	s3 =	rddreg [dreg:$0x2];
	[bflag:$0x3] =	sbarrier.arrive $0xFFFF;
	s2 =	simm.s32 @!p0 $0x1C03  }
0x64: {  	[timem:s3], [sflag:s2] =	dma.local @!p0 [hbm:s0], s1  }
0x65: {  	s0 =	simm.s32 @!p0 $0x3  }
0x66: {  	_ =	swait.ge @!p0 [sflag:s0], s1  }
0x67: {  	s1 =	ssub.s32 @!p0 $0x0, s1;
	[sflag:s0] =	ssyncset.done @!p0 $0x0  }
0x68: {  	[sflag:s0] =	ssyncadd.s32 @!p0 s1  }
0x69: {  	[bflag:$0x3] =	sbarrier.arrive $0xFFFF  }
0x6a: {  	_ =	shalt  }

</sc_bundles>
